<compile_context>
chip_gen: v7x
topology: tpu7x:2x2x1
jax: 0.10.2.dev20260603
libtpu: 0.0.44.dev20260713+nightly
codegen_flags: <defaults>
</compile_context>

<pallas_src>
import jax
import jax.numpy as jnp
from jax import lax
from jax.experimental import pallas as pl
from jax.experimental.pallas import tpu as pltpu
from jax.experimental.pallas import tpu_sc as plsc

_H = 16
_S = 4096
_NC = 2
_NS = 16
_NW = _NC * _NS
_K = 8064
_UNITS_PER_W = _H * 16 // _NW
_BLOCKS_PER_U = 32
_LAG = 8


def _sc_body(shifts_hbm, out_hbm, buf0, buf1, sem, lsem):
    wid = lax.axis_index("s") * _NC + lax.axis_index("c")
    bufs = (buf0, buf1)

    drain_store = pltpu.make_async_copy(
        buf0.at[:, pl.ds(0, _S)], out_hbm.at[0, 0, pl.ds(0, 8), :], sem)
    drain_load = pltpu.make_async_copy(shifts_hbm.at[0, 0], buf0, lsem)

    def ht(c):
        u = wid * _UNITS_PER_W + c
        return u // 16, u % 16

    h0, t0 = ht(0)
    pltpu.async_copy(shifts_hbm.at[h0, t0], buf0, lsem)

    for c in range(_UNITS_PER_W):
        h, t = ht(c)
        buf = bufs[c % 2]

        if c > 0:
            for _ in range(_LAG):
                drain_store.wait()
        drain_load.wait()
        if c + 1 < _UNITS_PER_W:
            hn, tn = ht(c + 1)
            pltpu.async_copy(shifts_hbm.at[hn, tn], bufs[(c + 1) % 2], lsem)

        def body(qq, _, buf=buf, h=h, t=t):
            i0 = 4088 - 128 * qq - 8 * t
            src = buf.at[:, pl.ds(pl.multiple_of(128 * qq, 128), _S)]
            dst = out_hbm.at[0, h, pl.ds(pl.multiple_of(i0, 8), 8), :]
            pltpu.async_copy(src, dst, sem)

            @pl.when(qq >= _LAG)
            def _():
                drain_store.wait()
            return 0

        lax.fori_loop(0, _BLOCKS_PER_U, body, 0)

    for _ in range(_LAG):
        drain_store.wait()


@jax.jit
def _expand(shifts):
    mesh = plsc.VectorSubcoreMesh(core_axis_name="c", subcore_axis_name="s")
    return pl.kernel(
        _sc_body,
        out_type=jax.ShapeDtypeStruct((1, _H, _S, _S), jnp.float32),
        mesh=mesh,
        scratch_types=[
            pltpu.VMEM((8, _K), jnp.float32),
            pltpu.VMEM((8, _K), jnp.float32),
            pltpu.SemaphoreType.DMA,
            pltpu.SemaphoreType.DMA,
        ],
        compiler_params=pltpu.CompilerParams(use_tc_tiling_on_sc=True),
    )(shifts)


def kernel(qlen, klen, relative_attention_bias):
    tt = relative_attention_bias.T
    shifts = jnp.stack(
        [jnp.stack([tt[:, 8 * t + 7 - s:8 * t + 7 - s + _K]
                    for s in range(8)], axis=1)
         for t in range(16)], axis=1)
    return _expand(shifts)

# --- scband reference (transcript-rebuilt; emitter-appended) ---
"""Pipeline reference for scband-relative-position-bias-1468878815529 (READ-ONLY COPY).

The authoritative reference and input builder live on the scoring server;
editing this copy changes nothing except your own understanding.
"""

import jax, jax.numpy as jnp
import numpy as np

SEQ_LEN = 4096
NUM_HEADS = 16

def setup_inputs(seed: int = 0) -> dict:
    key = jax.random.key(seed)
    table = jax.random.normal(key, (2 * SEQ_LEN - 1, NUM_HEADS), dtype=jnp.float32)
    return {"qlen": 4096, "klen": 4096, "relative_attention_bias": table}


def reference(qlen, klen, relative_attention_bias):
    # context_position: [qlen, 1], memory_position: [1, klen]
    seq_static = (relative_attention_bias.shape[0] + 1) // 2
    context_position = jnp.arange(seq_static)[:, None]
    memory_position = jnp.arange(seq_static)[None, :]
    relative_position = memory_position - context_position  # [qlen, klen]
    relative_position = relative_position + (SEQ_LEN - 1) + qlen * 0 + klen * 0
    # embedding lookup: gather rows of the bias table
    values = jnp.take(relative_attention_bias, relative_position, axis=0)  # [qlen, klen, H]
    out = jnp.transpose(values, (2, 0, 1))[None, ...]  # [1, H, qlen, klen]
    return out

if __name__ == "__main__":
    import jax
    _d = setup_inputs()
    print(jax.jit(kernel)(*tuple(_d.values())))

</pallas_src>

<mosaic_0001>
#map = affine_map<(d0, d1) -> (0, 0, 0, 0)>
module attributes {stable_mosaic.version = 14 : i64} {
  func.func @_sc_body(%arg0: i32, %arg1: i32, %arg2: memref<16x16x8x8064xf32, #tpu.memory_space<hbm>>, %arg3: memref<1x16x4096x4096xf32, #tpu.memory_space<hbm>>, %arg4: memref<8x8064xf32, #tpu.memory_space<vmem>>, %arg5: memref<8x8064xf32, #tpu.memory_space<vmem>>, %arg6: memref<!tpu.dma_semaphore, #tpu.memory_space<semaphore_mem>>, %arg7: memref<!tpu.dma_semaphore, #tpu.memory_space<semaphore_mem>>) attributes {dimension_semantics = [#tpu.dimension_semantics<core_parallel>, #tpu.dimension_semantics<subcore_parallel>], iteration_bounds = array<i64: 2, 16>, scalar_prefetch = 0 : i64, scratch_operands = 4 : i64, tpu.core_type = #tpu.core_type<sc_vector_subcore>, window_params = [{transform_indices = #map}, {transform_indices = #map}]} {
    %mul3A = arith.constant 2 : i32
    %mul3A_0 = arith.muli %arg1, %mul3A : i32
    %add3A = arith.addi %mul3A_0, %arg0 : i32
    %mul3A_1 = arith.constant 8 : i32
    %mul3A_2 = arith.muli %add3A, %mul3A_1 : i32
    %add3A_3 = arith.constant 0 : i32
    %add3A_4 = arith.addi %mul3A_2, %add3A_3 : i32
    %jit3A = arith.constant 16 : i32
    %div3A = arith.divsi %add3A_4, %jit3A : i32
    %sign3A = arith.constant 0 : i32
    %sign3A_5 = arith.cmpi sgt, %add3A_4, %sign3A : i32
    %sign3A_6 = arith.extui %sign3A_5 : i1 to i32
    %sign3A_7 = arith.constant 0 : i32
    %sign3A_8 = arith.cmpi slt, %add3A_4, %sign3A_7 : i32
    %sign3A_9 = arith.extui %sign3A_8 : i1 to i32
    %sign3A_10 = arith.subi %sign3A_6, %sign3A_9 : i32
    %sign3A_11 = arith.constant 0 : i32
    %sign3A_12 = arith.cmpi sgt, %jit3A, %sign3A_11 : i32
    %sign3A_13 = arith.extui %sign3A_12 : i1 to i32
    %sign3A_14 = arith.constant 0 : i32
    %sign3A_15 = arith.cmpi slt, %jit3A, %sign3A_14 : i32
    %sign3A_16 = arith.extui %sign3A_15 : i1 to i32
    %sign3A_17 = arith.subi %sign3A_13, %sign3A_16 : i32
    %ne3A = arith.cmpi ne, %sign3A_10, %sign3A_17 : i32
    %rem3A = arith.remsi %add3A_4, %jit3A : i32
    %ne3A_18 = arith.constant 0 : i32
    %ne3A_19 = arith.cmpi ne, %rem3A, %ne3A_18 : i32
    %and3A = arith.andi %ne3A, %ne3A_19 : i1
    %sub3A = arith.constant 1 : i32
    %sub3A_20 = arith.subi %div3A, %sub3A : i32
    %select_n3A = arith.select %and3A, %sub3A_20, %div3A : i32
    %jit3A_21 = arith.constant 16 : i32
    %eq3A = arith.constant 0 : i32
    %eq3A_22 = arith.cmpi eq, %jit3A_21, %eq3A : i32
    %jit3A_23 = arith.constant 1 : i32
    %select_n3A_24 = arith.select %eq3A_22, %jit3A_23, %jit3A_21 : i32
    %rem3A_25 = arith.remsi %add3A_4, %select_n3A_24 : i32
    %ne3A_26 = arith.constant 0 : i32
    %ne3A_27 = arith.cmpi ne, %rem3A_25, %ne3A_26 : i32
    %lt3A = arith.constant 0 : i32
    %lt3A_28 = arith.cmpi slt, %rem3A_25, %lt3A : i32
    %lt3A_29 = arith.constant 0 : i32
    %lt3A_30 = arith.cmpi slt, %select_n3A_24, %lt3A_29 : i32
    %ne3A_31 = arith.xori %lt3A_28, %lt3A_30 : i1
    %and3A_32 = arith.andi %ne3A_31, %ne3A_27 : i1
    %add3A_33 = arith.addi %rem3A_25, %select_n3A_24 : i32
    %select_n3A_34 = arith.select %and3A_32, %add3A_33, %rem3A_25 : i32
    %dma_start3A = arith.constant 0 : i32
    %dma_start3A_35 = arith.constant 0 : i32
    %dma_start3A_36 = tpu.memref_slice %arg2[%select_n3A, %select_n3A_34, %dma_start3A, %dma_start3A_35] : memref<16x16x8x8064xf32, #tpu.memory_space<hbm>> -> memref<1x1x8x8064xf32, #tpu.memory_space<hbm>>
    %dma_start3A_37 = tpu.memref_squeeze %dma_start3A_36 : memref<1x1x8x8064xf32, #tpu.memory_space<hbm>> -> memref<8x8064xf32, #tpu.memory_space<hbm>>
    %dma_start3A_38 = arith.constant 0 : i32
    %dma_start3A_39 = arith.constant 0 : i32
    %dma_start3A_40 = tpu.memref_slice %arg2[%select_n3A, %select_n3A_34, %dma_start3A_38, %dma_start3A_39] : memref<16x16x8x8064xf32, #tpu.memory_space<hbm>> -> memref<1x1x8x8064xf32, #tpu.memory_space<hbm>>
    %dma_start3A_41 = tpu.memref_squeeze %dma_start3A_40 : memref<1x1x8x8064xf32, #tpu.memory_space<hbm>> -> memref<8x8064xf32, #tpu.memory_space<hbm>>
    tpu.enqueue_dma source(%dma_start3A_41 : memref<8x8064xf32, #tpu.memory_space<hbm>>) target(%arg4 : memref<8x8064xf32, #tpu.memory_space<vmem>>) target_semaphore(%arg7 : memref<!tpu.dma_semaphore, #tpu.memory_space<semaphore_mem>>)
    %mul3A_42 = arith.constant 8 : i32
    %mul3A_43 = arith.muli %add3A, %mul3A_42 : i32
    %add3A_44 = arith.constant 0 : i32
    %add3A_45 = arith.addi %mul3A_43, %add3A_44 : i32
    %jit3A_46 = arith.constant 16 : i32
    %div3A_47 = arith.divsi %add3A_45, %jit3A_46 : i32
    %sign3A_48 = arith.constant 0 : i32
    %sign3A_49 = arith.cmpi sgt, %add3A_45, %sign3A_48 : i32
    %sign3A_50 = arith.extui %sign3A_49 : i1 to i32
    %sign3A_51 = arith.constant 0 : i32
    %sign3A_52 = arith.cmpi slt, %add3A_45, %sign3A_51 : i32
    %sign3A_53 = arith.extui %sign3A_52 : i1 to i32
    %sign3A_54 = arith.subi %sign3A_50, %sign3A_53 : i32
    %sign3A_55 = arith.constant 0 : i32
    %sign3A_56 = arith.cmpi sgt, %jit3A_46, %sign3A_55 : i32
    %sign3A_57 = arith.extui %sign3A_56 : i1 to i32
    %sign3A_58 = arith.constant 0 : i32
    %sign3A_59 = arith.cmpi slt, %jit3A_46, %sign3A_58 : i32
    %sign3A_60 = arith.extui %sign3A_59 : i1 to i32
    %sign3A_61 = arith.subi %sign3A_57, %sign3A_60 : i32
    %ne3A_62 = arith.cmpi ne, %sign3A_54, %sign3A_61 : i32
    %rem3A_63 = arith.remsi %add3A_45, %jit3A_46 : i32
    %ne3A_64 = arith.constant 0 : i32
    %ne3A_65 = arith.cmpi ne, %rem3A_63, %ne3A_64 : i32
    %and3A_66 = arith.andi %ne3A_62, %ne3A_65 : i1
    %sub3A_67 = arith.constant 1 : i32
    %sub3A_68 = arith.subi %div3A_47, %sub3A_67 : i32
    %select_n3A_69 = arith.select %and3A_66, %sub3A_68, %div3A_47 : i32
    %jit3A_70 = arith.constant 16 : i32
    %eq3A_71 = arith.constant 0 : i32
    %eq3A_72 = arith.cmpi eq, %jit3A_70, %eq3A_71 : i32
    %jit3A_73 = arith.constant 1 : i32
    %select_n3A_74 = arith.select %eq3A_72, %jit3A_73, %jit3A_70 : i32
    %rem3A_75 = arith.remsi %add3A_45, %select_n3A_74 : i32
    %ne3A_76 = arith.constant 0 : i32
    %ne3A_77 = arith.cmpi ne, %rem3A_75, %ne3A_76 : i32
    %lt3A_78 = arith.constant 0 : i32
    %lt3A_79 = arith.cmpi slt, %rem3A_75, %lt3A_78 : i32
    %lt3A_80 = arith.constant 0 : i32
    %lt3A_81 = arith.cmpi slt, %select_n3A_74, %lt3A_80 : i32
    %ne3A_82 = arith.xori %lt3A_79, %lt3A_81 : i1
    %and3A_83 = arith.andi %ne3A_82, %ne3A_77 : i1
    %add3A_84 = arith.addi %rem3A_75, %select_n3A_74 : i32
    %select_n3A_85 = arith.select %and3A_83, %add3A_84, %rem3A_75 : i32
    %dma_wait3A = arith.constant 0 : i32
    %dma_wait3A_86 = arith.constant 0 : i32
    %dma_wait3A_87 = arith.constant 0 : i32
    %dma_wait3A_88 = arith.constant 0 : i32
    %dma_wait3A_89 = tpu.memref_slice %arg2[%dma_wait3A, %dma_wait3A_86, %dma_wait3A_87, %dma_wait3A_88] : memref<16x16x8x8064xf32, #tpu.memory_space<hbm>> -> memref<1x1x8x8064xf32, #tpu.memory_space<hbm>>
    %dma_wait3A_90 = tpu.memref_squeeze %dma_wait3A_89 : memref<1x1x8x8064xf32, #tpu.memory_space<hbm>> -> memref<8x8064xf32, #tpu.memory_space<hbm>>
    %dma_wait3A_91 = arith.constant 0 : i32
    %dma_wait3A_92 = arith.constant 0 : i32
    %dma_wait3A_93 = tpu.memref_slice %arg2[%dma_wait3A, %dma_wait3A_86, %dma_wait3A_91, %dma_wait3A_92] : memref<16x16x8x8064xf32, #tpu.memory_space<hbm>> -> memref<1x1x8x8064xf32, #tpu.memory_space<hbm>>
    %dma_wait3A_94 = tpu.memref_squeeze %dma_wait3A_93 : memref<1x1x8x8064xf32, #tpu.memory_space<hbm>> -> memref<8x8064xf32, #tpu.memory_space<hbm>>
    tpu.wait_dma2 semaphore(%arg7 : memref<!tpu.dma_semaphore, #tpu.memory_space<semaphore_mem>>) src(%dma_wait3A_94 : memref<8x8064xf32, #tpu.memory_space<hbm>>) dst(%arg4 : memref<8x8064xf32, #tpu.memory_space<vmem>>)
    %mul3A_95 = arith.constant 8 : i32
    %mul3A_96 = arith.muli %add3A, %mul3A_95 : i32
    %add3A_97 = arith.constant 1 : i32
    %add3A_98 = arith.addi %mul3A_96, %add3A_97 : i32
    %jit3A_99 = arith.constant 16 : i32
    %div3A_100 = arith.divsi %add3A_98, %jit3A_99 : i32
    %sign3A_101 = arith.constant 0 : i32
    %sign3A_102 = arith.cmpi sgt, %add3A_98, %sign3A_101 : i32
    %sign3A_103 = arith.extui %sign3A_102 : i1 to i32
    %sign3A_104 = arith.constant 0 : i32
    %sign3A_105 = arith.cmpi slt, %add3A_98, %sign3A_104 : i32
    %sign3A_106 = arith.extui %sign3A_105 : i1 to i32
    %sign3A_107 = arith.subi %sign3A_103, %sign3A_106 : i32
    %sign3A_108 = arith.constant 0 : i32
    %sign3A_109 = arith.cmpi sgt, %jit3A_99, %sign3A_108 : i32
    %sign3A_110 = arith.extui %sign3A_109 : i1 to i32
    %sign3A_111 = arith.constant 0 : i32
    %sign3A_112 = arith.cmpi slt, %jit3A_99, %sign3A_111 : i32
    %sign3A_113 = arith.extui %sign3A_112 : i1 to i32
    %sign3A_114 = arith.subi %sign3A_110, %sign3A_113 : i32
    %ne3A_115 = arith.cmpi ne, %sign3A_107, %sign3A_114 : i32
    %rem3A_116 = arith.remsi %add3A_98, %jit3A_99 : i32
    %ne3A_117 = arith.constant 0 : i32
    %ne3A_118 = arith.cmpi ne, %rem3A_116, %ne3A_117 : i32
    %and3A_119 = arith.andi %ne3A_115, %ne3A_118 : i1
    %sub3A_120 = arith.constant 1 : i32
    %sub3A_121 = arith.subi %div3A_100, %sub3A_120 : i32
    %select_n3A_122 = arith.select %and3A_119, %sub3A_121, %div3A_100 : i32
    %jit3A_123 = arith.constant 16 : i32
    %eq3A_124 = arith.constant 0 : i32
    %eq3A_125 = arith.cmpi eq, %jit3A_123, %eq3A_124 : i32
    %jit3A_126 = arith.constant 1 : i32
    %select_n3A_127 = arith.select %eq3A_125, %jit3A_126, %jit3A_123 : i32
    %rem3A_128 = arith.remsi %add3A_98, %select_n3A_127 : i32
    %ne3A_129 = arith.constant 0 : i32
    %ne3A_130 = arith.cmpi ne, %rem3A_128, %ne3A_129 : i32
    %lt3A_131 = arith.constant 0 : i32
    %lt3A_132 = arith.cmpi slt, %rem3A_128, %lt3A_131 : i32
    %lt3A_133 = arith.constant 0 : i32
    %lt3A_134 = arith.cmpi slt, %select_n3A_127, %lt3A_133 : i32
    %ne3A_135 = arith.xori %lt3A_132, %lt3A_134 : i1
    %and3A_136 = arith.andi %ne3A_135, %ne3A_130 : i1
    %add3A_137 = arith.addi %rem3A_128, %select_n3A_127 : i32
    %select_n3A_138 = arith.select %and3A_136, %add3A_137, %rem3A_128 : i32
    %dma_start3A_139 = arith.constant 0 : i32
    %dma_start3A_140 = arith.constant 0 : i32
    %dma_start3A_141 = tpu.memref_slice %arg2[%select_n3A_122, %select_n3A_138, %dma_start3A_139, %dma_start3A_140] : memref<16x16x8x8064xf32, #tpu.memory_space<hbm>> -> memref<1x1x8x8064xf32, #tpu.memory_space<hbm>>
    %dma_start3A_142 = tpu.memref_squeeze %dma_start3A_141 : memref<1x1x8x8064xf32, #tpu.memory_space<hbm>> -> memref<8x8064xf32, #tpu.memory_space<hbm>>
    %dma_start3A_143 = arith.constant 0 : i32
    %dma_start3A_144 = arith.constant 0 : i32
    %dma_start3A_145 = tpu.memref_slice %arg2[%select_n3A_122, %select_n3A_138, %dma_start3A_143, %dma_start3A_144] : memref<16x16x8x8064xf32, #tpu.memory_space<hbm>> -> memref<1x1x8x8064xf32, #tpu.memory_space<hbm>>
    %dma_start3A_146 = tpu.memref_squeeze %dma_start3A_145 : memref<1x1x8x8064xf32, #tpu.memory_space<hbm>> -> memref<8x8064xf32, #tpu.memory_space<hbm>>
    tpu.enqueue_dma source(%dma_start3A_146 : memref<8x8064xf32, #tpu.memory_space<hbm>>) target(%arg5 : memref<8x8064xf32, #tpu.memory_space<vmem>>) target_semaphore(%arg7 : memref<!tpu.dma_semaphore, #tpu.memory_space<semaphore_mem>>)
    %scan3A = arith.constant 0 : i32
    %scan3A_147 = arith.constant 0 : i32
    %scan3A_148 = arith.constant 0 : i32
    %scan3A_149 = arith.constant 0 : i32
    %scan3A_150 = arith.constant 32 : i32
    %scan3A_151 = arith.addi %scan3A_149, %scan3A_150 : i32
    %scan3A_152 = arith.constant 1 : i32
    %scan3A_153 = scf.for %scan3A_1932 = %scan3A_149 to %scan3A_151 step %scan3A_152 iter_args(%scan3A_1933 = %scan3A_148) -> (i32)  : i32 {
      %mul3A_1934 = arith.constant 128 : i32
      %mul3A_1935 = arith.muli %mul3A_1934, %scan3A_1932 : i32
      %sub3A_1936 = arith.constant 4088 : i32
      %sub3A_1937 = arith.subi %sub3A_1936, %mul3A_1935 : i32
      %mul3A_1938 = arith.constant 8 : i32
      %mul3A_1939 = arith.muli %mul3A_1938, %select_n3A_85 : i32
      %sub3A_1940 = arith.subi %sub3A_1937, %mul3A_1939 : i32
      %mul3A_1941 = arith.constant 128 : i32
      %mul3A_1942 = arith.muli %mul3A_1941, %scan3A_1932 : i32
      %multiple_of3A = tpu.assume_multiple %mul3A_1942, 128 : i32
      %multiple_of3A_1943 = tpu.assume_multiple %sub3A_1940, 8 : i32
      %dma_start3A_1944 = arith.constant 0 : i32
      %dma_start3A_1945 = arith.constant 0 : i32
      %dma_start3A_1946 = tpu.memref_slice %arg4[%dma_start3A_1945, %multiple_of3A] : memref<8x8064xf32, #tpu.memory_space<vmem>> -> memref<8x4096xf32, #tpu.memory_space<vmem>>
      %dma_start3A_1947 = arith.constant 0 : i32
      %dma_start3A_1948 = tpu.memref_slice %arg3[%dma_start3A_1944, %select_n3A_69, %multiple_of3A_1943, %dma_start3A_1947] : memref<1x16x4096x4096xf32, #tpu.memory_space<hbm>> -> memref<1x1x8x4096xf32, #tpu.memory_space<hbm>>
      %dma_start3A_1949 = tpu.memref_squeeze %dma_start3A_1948 : memref<1x1x8x4096xf32, #tpu.memory_space<hbm>> -> memref<8x4096xf32, #tpu.memory_space<hbm>>
      %dma_start3A_1950 = arith.constant 0 : i32
      %dma_start3A_1951 = tpu.memref_slice %arg3[%dma_start3A_1944, %select_n3A_69, %multiple_of3A_1943, %dma_start3A_1950] : memref<1x16x4096x4096xf32, #tpu.memory_space<hbm>> -> memref<1x1x8x4096xf32, #tpu.memory_space<hbm>>
      %dma_start3A_1952 = tpu.memref_squeeze %dma_start3A_1951 : memref<1x1x8x4096xf32, #tpu.memory_space<hbm>> -> memref<8x4096xf32, #tpu.memory_space<hbm>>
      %dma_start3A_1953 = arith.constant 0 : i32
      %dma_start3A_1954 = tpu.memref_slice %arg4[%dma_start3A_1953, %multiple_of3A] : memref<8x8064xf32, #tpu.memory_space<vmem>> -> memref<8x4096xf32, #tpu.memory_space<vmem>>
      tpu.enqueue_dma source(%dma_start3A_1954 : memref<8x4096xf32, #tpu.memory_space<vmem>>) target(%dma_start3A_1952 : memref<8x4096xf32, #tpu.memory_space<hbm>>) target_semaphore(%arg6 : memref<!tpu.dma_semaphore, #tpu.memory_space<semaphore_mem>>)
      %ge3A = arith.constant 8 : i32
      %ge3A_1955 = arith.cmpi sge, %scan3A_1932, %ge3A : i32
      %convert_element_type3A = arith.extui %ge3A_1955 : i1 to i32
      %cond3A = arith.constant 0 : i32
      %cond3A_1956 = arith.cmpi ne, %convert_element_type3A, %cond3A : i32
      scf.if %cond3A_1956 {
        %dma_wait3A_1958 = arith.constant 0 : i32
        %dma_wait3A_1959 = arith.constant 0 : i32
        %dma_wait3A_1960 = tpu.memref_slice %arg4[%dma_wait3A_1958, %dma_wait3A_1959] : memref<8x8064xf32, #tpu.memory_space<vmem>> -> memref<8x4096xf32, #tpu.memory_space<vmem>>
        %dma_wait3A_1961 = arith.constant 0 : i32
        %dma_wait3A_1962 = arith.constant 0 : i32
        %dma_wait3A_1963 = tpu.memref_slice %arg3[%scan3A, %scan3A_147, %dma_wait3A_1961, %dma_wait3A_1962] : memref<1x16x4096x4096xf32, #tpu.memory_space<hbm>> -> memref<1x1x8x4096xf32, #tpu.memory_space<hbm>>
        %dma_wait3A_1964 = tpu.memref_squeeze %dma_wait3A_1963 : memref<1x1x8x4096xf32, #tpu.memory_space<hbm>> -> memref<8x4096xf32, #tpu.memory_space<hbm>>
        %dma_wait3A_1965 = arith.constant 0 : i32
        %dma_wait3A_1966 = arith.constant 0 : i32
        %dma_wait3A_1967 = tpu.memref_slice %arg3[%scan3A, %scan3A_147, %dma_wait3A_1965, %dma_wait3A_1966] : memref<1x16x4096x4096xf32, #tpu.memory_space<hbm>> -> memref<1x1x8x4096xf32, #tpu.memory_space<hbm>>
        %dma_wait3A_1968 = tpu.memref_squeeze %dma_wait3A_1967 : memref<1x1x8x4096xf32, #tpu.memory_space<hbm>> -> memref<8x4096xf32, #tpu.memory_space<hbm>>
        %dma_wait3A_1969 = arith.constant 0 : i32
        %dma_wait3A_1970 = arith.constant 0 : i32
        %dma_wait3A_1971 = tpu.memref_slice %arg4[%dma_wait3A_1969, %dma_wait3A_1970] : memref<8x8064xf32, #tpu.memory_space<vmem>> -> memref<8x4096xf32, #tpu.memory_space<vmem>>
        tpu.wait_dma2 semaphore(%arg6 : memref<!tpu.dma_semaphore, #tpu.memory_space<semaphore_mem>>) src(%dma_wait3A_1971 : memref<8x4096xf32, #tpu.memory_space<vmem>>) dst(%dma_wait3A_1968 : memref<8x4096xf32, #tpu.memory_space<hbm>>)
      } else {
      }
      %scan3A_1957 = arith.constant 0 : i32
      scf.yield %scan3A_1957 : i32
    }
    %scan3A_154 = arith.constant 32 : i32
    %mul3A_155 = arith.constant 8 : i32
    %mul3A_156 = arith.muli %add3A, %mul3A_155 : i32
    %add3A_157 = arith.constant 1 : i32
    %add3A_158 = arith.addi %mul3A_156, %add3A_157 : i32
    %jit3A_159 = arith.constant 16 : i32
    %div3A_160 = arith.divsi %add3A_158, %jit3A_159 : i32
    %sign3A_161 = arith.constant 0 : i32
    %sign3A_162 = arith.cmpi sgt, %add3A_158, %sign3A_161 : i32
    %sign3A_163 = arith.extui %sign3A_162 : i1 to i32
    %sign3A_164 = arith.constant 0 : i32
    %sign3A_165 = arith.cmpi slt, %add3A_158, %sign3A_164 : i32
    %sign3A_166 = arith.extui %sign3A_165 : i1 to i32
    %sign3A_167 = arith.subi %sign3A_163, %sign3A_166 : i32
    %sign3A_168 = arith.constant 0 : i32
    %sign3A_169 = arith.cmpi sgt, %jit3A_159, %sign3A_168 : i32
    %sign3A_170 = arith.extui %sign3A_169 : i1 to i32
    %sign3A_171 = arith.constant 0 : i32
    %sign3A_172 = arith.cmpi slt, %jit3A_159, %sign3A_171 : i32
    %sign3A_173 = arith.extui %sign3A_172 : i1 to i32
    %sign3A_174 = arith.subi %sign3A_170, %sign3A_173 : i32
    %ne3A_175 = arith.cmpi ne, %sign3A_167, %sign3A_174 : i32
    %rem3A_176 = arith.remsi %add3A_158, %jit3A_159 : i32
    %ne3A_177 = arith.constant 0 : i32
    %ne3A_178 = arith.cmpi ne, %rem3A_176, %ne3A_177 : i32
    %and3A_179 = arith.andi %ne3A_175, %ne3A_178 : i1
    %sub3A_180 = arith.constant 1 : i32
    %sub3A_181 = arith.subi %div3A_160, %sub3A_180 : i32
    %select_n3A_182 = arith.select %and3A_179, %sub3A_181, %div3A_160 : i32
    %jit3A_183 = arith.constant 16 : i32
    %eq3A_184 = arith.constant 0 : i32
    %eq3A_185 = arith.cmpi eq, %jit3A_183, %eq3A_184 : i32
    %jit3A_186 = arith.constant 1 : i32
    %select_n3A_187 = arith.select %eq3A_185, %jit3A_186, %jit3A_183 : i32
    %rem3A_188 = arith.remsi %add3A_158, %select_n3A_187 : i32
    %ne3A_189 = arith.constant 0 : i32
    %ne3A_190 = arith.cmpi ne, %rem3A_188, %ne3A_189 : i32
    %lt3A_191 = arith.constant 0 : i32
    %lt3A_192 = arith.cmpi slt, %rem3A_188, %lt3A_191 : i32
    %lt3A_193 = arith.constant 0 : i32
    %lt3A_194 = arith.cmpi slt, %select_n3A_187, %lt3A_193 : i32
    %ne3A_195 = arith.xori %lt3A_192, %lt3A_194 : i1
    %and3A_196 = arith.andi %ne3A_195, %ne3A_190 : i1
    %add3A_197 = arith.addi %rem3A_188, %select_n3A_187 : i32
    %select_n3A_198 = arith.select %and3A_196, %add3A_197, %rem3A_188 : i32
    %dma_wait3A_199 = arith.constant 0 : i32
    %dma_wait3A_200 = arith.constant 0 : i32
    %dma_wait3A_201 = arith.constant 0 : i32
    %dma_wait3A_202 = arith.constant 0 : i32
    %dma_wait3A_203 = tpu.memref_slice %arg4[%dma_wait3A_201, %dma_wait3A_202] : memref<8x8064xf32, #tpu.memory_space<vmem>> -> memref<8x4096xf32, #tpu.memory_space<vmem>>
    %dma_wait3A_204 = arith.constant 0 : i32
    %dma_wait3A_205 = arith.constant 0 : i32
    %dma_wait3A_206 = tpu.memref_slice %arg3[%dma_wait3A_199, %dma_wait3A_200, %dma_wait3A_204, %dma_wait3A_205] : memref<1x16x4096x4096xf32, #tpu.memory_space<hbm>> -> memref<1x1x8x4096xf32, #tpu.memory_space<hbm>>
    %dma_wait3A_207 = tpu.memref_squeeze %dma_wait3A_206 : memref<1x1x8x4096xf32, #tpu.memory_space<hbm>> -> memref<8x4096xf32, #tpu.memory_space<hbm>>
    %dma_wait3A_208 = arith.constant 0 : i32
    %dma_wait3A_209 = arith.constant 0 : i32
    %dma_wait3A_210 = tpu.memref_slice %arg3[%dma_wait3A_199, %dma_wait3A_200, %dma_wait3A_208, %dma_wait3A_209] : memref<1x16x4096x4096xf32, #tpu.memory_space<hbm>> -> memref<1x1x8x4096xf32, #tpu.memory_space<hbm>>
    %dma_wait3A_211 = tpu.memref_squeeze %dma_wait3A_210 : memref<1x1x8x4096xf32, #tpu.memory_space<hbm>> -> memref<8x4096xf32, #tpu.memory_space<hbm>>
    %dma_wait3A_212 = arith.constant 0 : i32
    %dma_wait3A_213 = arith.constant 0 : i32
    %dma_wait3A_214 = tpu.memref_slice %arg4[%dma_wait3A_212, %dma_wait3A_213] : memref<8x8064xf32, #tpu.memory_space<vmem>> -> memref<8x4096xf32, #tpu.memory_space<vmem>>
    tpu.wait_dma2 semaphore(%arg6 : memref<!tpu.dma_semaphore, #tpu.memory_space<semaphore_mem>>) src(%dma_wait3A_214 : memref<8x4096xf32, #tpu.memory_space<vmem>>) dst(%dma_wait3A_211 : memref<8x4096xf32, #tpu.memory_space<hbm>>)
    %dma_wait3A_215 = arith.constant 0 : i32
    %dma_wait3A_216 = arith.constant 0 : i32
    %dma_wait3A_217 = arith.constant 0 : i32
    %dma_wait3A_218 = arith.constant 0 : i32
    %dma_wait3A_219 = tpu.memref_slice %arg4[%dma_wait3A_217, %dma_wait3A_218] : memref<8x8064xf32, #tpu.memory_space<vmem>> -> memref<8x4096xf32, #tpu.memory_space<vmem>>
    %dma_wait3A_220 = arith.constant 0 : i32
    %dma_wait3A_221 = arith.constant 0 : i32
    %dma_wait3A_222 = tpu.memref_slice %arg3[%dma_wait3A_215, %dma_wait3A_216, %dma_wait3A_220, %dma_wait3A_221] : memref<1x16x4096x4096xf32, #tpu.memory_space<hbm>> -> memref<1x1x8x4096xf32, #tpu.memory_space<hbm>>
    %dma_wait3A_223 = tpu.memref_squeeze %dma_wait3A_222 : memref<1x1x8x4096xf32, #tpu.memory_space<hbm>> -> memref<8x4096xf32, #tpu.memory_space<hbm>>
    %dma_wait3A_224 = arith.constant 0 : i32
    %dma_wait3A_225 = arith.constant 0 : i32
    %dma_wait3A_226 = tpu.memref_slice %arg3[%dma_wait3A_215, %dma_wait3A_216, %dma_wait3A_224, %dma_wait3A_225] : memref<1x16x4096x4096xf32, #tpu.memory_space<hbm>> -> memref<1x1x8x4096xf32, #tpu.memory_space<hbm>>
    %dma_wait3A_227 = tpu.memref_squeeze %dma_wait3A_226 : memref<1x1x8x4096xf32, #tpu.memory_space<hbm>> -> memref<8x4096xf32, #tpu.memory_space<hbm>>
    %dma_wait3A_228 = arith.constant 0 : i32
    %dma_wait3A_229 = arith.constant 0 : i32
    %dma_wait3A_230 = tpu.memref_slice %arg4[%dma_wait3A_228, %dma_wait3A_229] : memref<8x8064xf32, #tpu.memory_space<vmem>> -> memref<8x4096xf32, #tpu.memory_space<vmem>>
    tpu.wait_dma2 semaphore(%arg6 : memref<!tpu.dma_semaphore, #tpu.memory_space<semaphore_mem>>) src(%dma_wait3A_230 : memref<8x4096xf32, #tpu.memory_space<vmem>>) dst(%dma_wait3A_227 : memref<8x4096xf32, #tpu.memory_space<hbm>>)
    %dma_wait3A_231 = arith.constant 0 : i32
    %dma_wait3A_232 = arith.constant 0 : i32
    %dma_wait3A_233 = arith.constant 0 : i32
    %dma_wait3A_234 = arith.constant 0 : i32
    %dma_wait3A_235 = tpu.memref_slice %arg4[%dma_wait3A_233, %dma_wait3A_234] : memref<8x8064xf32, #tpu.memory_space<vmem>> -> memref<8x4096xf32, #tpu.memory_space<vmem>>
    %dma_wait3A_236 = arith.constant 0 : i32
    %dma_wait3A_237 = arith.constant 0 : i32
    %dma_wait3A_238 = tpu.memref_slice %arg3[%dma_wait3A_231, %dma_wait3A_232, %dma_wait3A_236, %dma_wait3A_237] : memref<1x16x4096x4096xf32, #tpu.memory_space<hbm>> -> memref<1x1x8x4096xf32, #tpu.memory_space<hbm>>
    %dma_wait3A_239 = tpu.memref_squeeze %dma_wait3A_238 : memref<1x1x8x4096xf32, #tpu.memory_space<hbm>> -> memref<8x4096xf32, #tpu.memory_space<hbm>>
    %dma_wait3A_240 = arith.constant 0 : i32
    %dma_wait3A_241 = arith.constant 0 : i32
    %dma_wait3A_242 = tpu.memref_slice %arg3[%dma_wait3A_231, %dma_wait3A_232, %dma_wait3A_240, %dma_wait3A_241] : memref<1x16x4096x4096xf32, #tpu.memory_space<hbm>> -> memref<1x1x8x4096xf32, #tpu.memory_space<hbm>>
    %dma_wait3A_243 = tpu.memref_squeeze %dma_wait3A_242 : memref<1x1x8x4096xf32, #tpu.memory_space<hbm>> -> memref<8x4096xf32, #tpu.memory_space<hbm>>
    %dma_wait3A_244 = arith.constant 0 : i32
    %dma_wait3A_245 = arith.constant 0 : i32
    %dma_wait3A_246 = tpu.memref_slice %arg4[%dma_wait3A_244, %dma_wait3A_245] : memref<8x8064xf32, #tpu.memory_space<vmem>> -> memref<8x4096xf32, #tpu.memory_space<vmem>>
    tpu.wait_dma2 semaphore(%arg6 : memref<!tpu.dma_semaphore, #tpu.memory_space<semaphore_mem>>) src(%dma_wait3A_246 : memref<8x4096xf32, #tpu.memory_space<vmem>>) dst(%dma_wait3A_243 : memref<8x4096xf32, #tpu.memory_space<hbm>>)
    %dma_wait3A_247 = arith.constant 0 : i32
    %dma_wait3A_248 = arith.constant 0 : i32
    %dma_wait3A_249 = arith.constant 0 : i32
    %dma_wait3A_250 = arith.constant 0 : i32
    %dma_wait3A_251 = tpu.memref_slice %arg4[%dma_wait3A_249, %dma_wait3A_250] : memref<8x8064xf32, #tpu.memory_space<vmem>> -> memref<8x4096xf32, #tpu.memory_space<vmem>>
    %dma_wait3A_252 = arith.constant 0 : i32
    %dma_wait3A_253 = arith.constant 0 : i32
    %dma_wait3A_254 = tpu.memref_slice %arg3[%dma_wait3A_247, %dma_wait3A_248, %dma_wait3A_252, %dma_wait3A_253] : memref<1x16x4096x4096xf32, #tpu.memory_space<hbm>> -> memref<1x1x8x4096xf32, #tpu.memory_space<hbm>>
    %dma_wait3A_255 = tpu.memref_squeeze %dma_wait3A_254 : memref<1x1x8x4096xf32, #tpu.memory_space<hbm>> -> memref<8x4096xf32, #tpu.memory_space<hbm>>
    %dma_wait3A_256 = arith.constant 0 : i32
    %dma_wait3A_257 = arith.constant 0 : i32
    %dma_wait3A_258 = tpu.memref_slice %arg3[%dma_wait3A_247, %dma_wait3A_248, %dma_wait3A_256, %dma_wait3A_257] : memref<1x16x4096x4096xf32, #tpu.memory_space<hbm>> -> memref<1x1x8x4096xf32, #tpu.memory_space<hbm>>
    %dma_wait3A_259 = tpu.memref_squeeze %dma_wait3A_258 : memref<1x1x8x4096xf32, #tpu.memory_space<hbm>> -> memref<8x4096xf32, #tpu.memory_space<hbm>>
    %dma_wait3A_260 = arith.constant 0 : i32
    %dma_wait3A_261 = arith.constant 0 : i32
    %dma_wait3A_262 = tpu.memref_slice %arg4[%dma_wait3A_260, %dma_wait3A_261] : memref<8x8064xf32, #tpu.memory_space<vmem>> -> memref<8x4096xf32, #tpu.memory_space<vmem>>
    tpu.wait_dma2 semaphore(%arg6 : memref<!tpu.dma_semaphore, #tpu.memory_space<semaphore_mem>>) src(%dma_wait3A_262 : memref<8x4096xf32, #tpu.memory_space<vmem>>) dst(%dma_wait3A_259 : memref<8x4096xf32, #tpu.memory_space<hbm>>)
    %dma_wait3A_263 = arith.constant 0 : i32
    %dma_wait3A_264 = arith.constant 0 : i32
    %dma_wait3A_265 = arith.constant 0 : i32
    %dma_wait3A_266 = arith.constant 0 : i32
    %dma_wait3A_267 = tpu.memref_slice %arg4[%dma_wait3A_265, %dma_wait3A_266] : memref<8x8064xf32, #tpu.memory_space<vmem>> -> memref<8x4096xf32, #tpu.memory_space<vmem>>
    %dma_wait3A_268 = arith.constant 0 : i32
    %dma_wait3A_269 = arith.constant 0 : i32
    %dma_wait3A_270 = tpu.memref_slice %arg3[%dma_wait3A_263, %dma_wait3A_264, %dma_wait3A_268, %dma_wait3A_269] : memref<1x16x4096x4096xf32, #tpu.memory_space<hbm>> -> memref<1x1x8x4096xf32, #tpu.memory_space<hbm>>
    %dma_wait3A_271 = tpu.memref_squeeze %dma_wait3A_270 : memref<1x1x8x4096xf32, #tpu.memory_space<hbm>> -> memref<8x4096xf32, #tpu.memory_space<hbm>>
    %dma_wait3A_272 = arith.constant 0 : i32
    %dma_wait3A_273 = arith.constant 0 : i32
    %dma_wait3A_274 = tpu.memref_slice %arg3[%dma_wait3A_263, %dma_wait3A_264, %dma_wait3A_272, %dma_wait3A_273] : memref<1x16x4096x4096xf32, #tpu.memory_space<hbm>> -> memref<1x1x8x4096xf32, #tpu.memory_space<hbm>>
    %dma_wait3A_275 = tpu.memref_squeeze %dma_wait3A_274 : memref<1x1x8x4096xf32, #tpu.memory_space<hbm>> -> memref<8x4096xf32, #tpu.memory_space<hbm>>
    %dma_wait3A_276 = arith.constant 0 : i32
    %dma_wait3A_277 = arith.constant 0 : i32
    %dma_wait3A_278 = tpu.memref_slice %arg4[%dma_wait3A_276, %dma_wait3A_277] : memref<8x8064xf32, #tpu.memory_space<vmem>> -> memref<8x4096xf32, #tpu.memory_space<vmem>>
    tpu.wait_dma2 semaphore(%arg6 : memref<!tpu.dma_semaphore, #tpu.memory_space<semaphore_mem>>) src(%dma_wait3A_278 : memref<8x4096xf32, #tpu.memory_space<vmem>>) dst(%dma_wait3A_275 : memref<8x4096xf32, #tpu.memory_space<hbm>>)
    %dma_wait3A_279 = arith.constant 0 : i32
    %dma_wait3A_280 = arith.constant 0 : i32
    %dma_wait3A_281 = arith.constant 0 : i32
    %dma_wait3A_282 = arith.constant 0 : i32
    %dma_wait3A_283 = tpu.memref_slice %arg4[%dma_wait3A_281, %dma_wait3A_282] : memref<8x8064xf32, #tpu.memory_space<vmem>> -> memref<8x4096xf32, #tpu.memory_space<vmem>>
    %dma_wait3A_284 = arith.constant 0 : i32
    %dma_wait3A_285 = arith.constant 0 : i32
    %dma_wait3A_286 = tpu.memref_slice %arg3[%dma_wait3A_279, %dma_wait3A_280, %dma_wait3A_284, %dma_wait3A_285] : memref<1x16x4096x4096xf32, #tpu.memory_space<hbm>> -> memref<1x1x8x4096xf32, #tpu.memory_space<hbm>>
    %dma_wait3A_287 = tpu.memref_squeeze %dma_wait3A_286 : memref<1x1x8x4096xf32, #tpu.memory_space<hbm>> -> memref<8x4096xf32, #tpu.memory_space<hbm>>
    %dma_wait3A_288 = arith.constant 0 : i32
    %dma_wait3A_289 = arith.constant 0 : i32
    %dma_wait3A_290 = tpu.memref_slice %arg3[%dma_wait3A_279, %dma_wait3A_280, %dma_wait3A_288, %dma_wait3A_289] : memref<1x16x4096x4096xf32, #tpu.memory_space<hbm>> -> memref<1x1x8x4096xf32, #tpu.memory_space<hbm>>
    %dma_wait3A_291 = tpu.memref_squeeze %dma_wait3A_290 : memref<1x1x8x4096xf32, #tpu.memory_space<hbm>> -> memref<8x4096xf32, #tpu.memory_space<hbm>>
    %dma_wait3A_292 = arith.constant 0 : i32
    %dma_wait3A_293 = arith.constant 0 : i32
    %dma_wait3A_294 = tpu.memref_slice %arg4[%dma_wait3A_292, %dma_wait3A_293] : memref<8x8064xf32, #tpu.memory_space<vmem>> -> memref<8x4096xf32, #tpu.memory_space<vmem>>
    tpu.wait_dma2 semaphore(%arg6 : memref<!tpu.dma_semaphore, #tpu.memory_space<semaphore_mem>>) src(%dma_wait3A_294 : memref<8x4096xf32, #tpu.memory_space<vmem>>) dst(%dma_wait3A_291 : memref<8x4096xf32, #tpu.memory_space<hbm>>)
    %dma_wait3A_295 = arith.constant 0 : i32
    %dma_wait3A_296 = arith.constant 0 : i32
    %dma_wait3A_297 = arith.constant 0 : i32
    %dma_wait3A_298 = arith.constant 0 : i32
    %dma_wait3A_299 = tpu.memref_slice %arg4[%dma_wait3A_297, %dma_wait3A_298] : memref<8x8064xf32, #tpu.memory_space<vmem>> -> memref<8x4096xf32, #tpu.memory_space<vmem>>
    %dma_wait3A_300 = arith.constant 0 : i32
    %dma_wait3A_301 = arith.constant 0 : i32
    %dma_wait3A_302 = tpu.memref_slice %arg3[%dma_wait3A_295, %dma_wait3A_296, %dma_wait3A_300, %dma_wait3A_301] : memref<1x16x4096x4096xf32, #tpu.memory_space<hbm>> -> memref<1x1x8x4096xf32, #tpu.memory_space<hbm>>
    %dma_wait3A_303 = tpu.memref_squeeze %dma_wait3A_302 : memref<1x1x8x4096xf32, #tpu.memory_space<hbm>> -> memref<8x4096xf32, #tpu.memory_space<hbm>>
    %dma_wait3A_304 = arith.constant 0 : i32
    %dma_wait3A_305 = arith.constant 0 : i32
    %dma_wait3A_306 = tpu.memref_slice %arg3[%dma_wait3A_295, %dma_wait3A_296, %dma_wait3A_304, %dma_wait3A_305] : memref<1x16x4096x4096xf32, #tpu.memory_space<hbm>> -> memref<1x1x8x4096xf32, #tpu.memory_space<hbm>>
    %dma_wait3A_307 = tpu.memref_squeeze %dma_wait3A_306 : memref<1x1x8x4096xf32, #tpu.memory_space<hbm>> -> memref<8x4096xf32, #tpu.memory_space<hbm>>
    %dma_wait3A_308 = arith.constant 0 : i32
    %dma_wait3A_309 = arith.constant 0 : i32
    %dma_wait3A_310 = tpu.memref_slice %arg4[%dma_wait3A_308, %dma_wait3A_309] : memref<8x8064xf32, #tpu.memory_space<vmem>> -> memref<8x4096xf32, #tpu.memory_space<vmem>>
    tpu.wait_dma2 semaphore(%arg6 : memref<!tpu.dma_semaphore, #tpu.memory_space<semaphore_mem>>) src(%dma_wait3A_310 : memref<8x4096xf32, #tpu.memory_space<vmem>>) dst(%dma_wait3A_307 : memref<8x4096xf32, #tpu.memory_space<hbm>>)
    %dma_wait3A_311 = arith.constant 0 : i32
    %dma_wait3A_312 = arith.constant 0 : i32
    %dma_wait3A_313 = arith.constant 0 : i32
    %dma_wait3A_314 = arith.constant 0 : i32
    %dma_wait3A_315 = tpu.memref_slice %arg4[%dma_wait3A_313, %dma_wait3A_314] : memref<8x8064xf32, #tpu.memory_space<vmem>> -> memref<8x4096xf32, #tpu.memory_space<vmem>>
    %dma_wait3A_316 = arith.constant 0 : i32
    %dma_wait3A_317 = arith.constant 0 : i32
    %dma_wait3A_318 = tpu.memref_slice %arg3[%dma_wait3A_311, %dma_wait3A_312, %dma_wait3A_316, %dma_wait3A_317] : memref<1x16x4096x4096xf32, #tpu.memory_space<hbm>> -> memref<1x1x8x4096xf32, #tpu.memory_space<hbm>>
    %dma_wait3A_319 = tpu.memref_squeeze %dma_wait3A_318 : memref<1x1x8x4096xf32, #tpu.memory_space<hbm>> -> memref<8x4096xf32, #tpu.memory_space<hbm>>
    %dma_wait3A_320 = arith.constant 0 : i32
    %dma_wait3A_321 = arith.constant 0 : i32
    %dma_wait3A_322 = tpu.memref_slice %arg3[%dma_wait3A_311, %dma_wait3A_312, %dma_wait3A_320, %dma_wait3A_321] : memref<1x16x4096x4096xf32, #tpu.memory_space<hbm>> -> memref<1x1x8x4096xf32, #tpu.memory_space<hbm>>
    %dma_wait3A_323 = tpu.memref_squeeze %dma_wait3A_322 : memref<1x1x8x4096xf32, #tpu.memory_space<hbm>> -> memref<8x4096xf32, #tpu.memory_space<hbm>>
    %dma_wait3A_324 = arith.constant 0 : i32
    %dma_wait3A_325 = arith.constant 0 : i32
    %dma_wait3A_326 = tpu.memref_slice %arg4[%dma_wait3A_324, %dma_wait3A_325] : memref<8x8064xf32, #tpu.memory_space<vmem>> -> memref<8x4096xf32, #tpu.memory_space<vmem>>
    tpu.wait_dma2 semaphore(%arg6 : memref<!tpu.dma_semaphore, #tpu.memory_space<semaphore_mem>>) src(%dma_wait3A_326 : memref<8x4096xf32, #tpu.memory_space<vmem>>) dst(%dma_wait3A_323 : memref<8x4096xf32, #tpu.memory_space<hbm>>)
    %dma_wait3A_327 = arith.constant 0 : i32
    %dma_wait3A_328 = arith.constant 0 : i32
    %dma_wait3A_329 = arith.constant 0 : i32
    %dma_wait3A_330 = arith.constant 0 : i32
    %dma_wait3A_331 = tpu.memref_slice %arg2[%dma_wait3A_327, %dma_wait3A_328, %dma_wait3A_329, %dma_wait3A_330] : memref<16x16x8x8064xf32, #tpu.memory_space<hbm>> -> memref<1x1x8x8064xf32, #tpu.memory_space<hbm>>
    %dma_wait3A_332 = tpu.memref_squeeze %dma_wait3A_331 : memref<1x1x8x8064xf32, #tpu.memory_space<hbm>> -> memref<8x8064xf32, #tpu.memory_space<hbm>>
    %dma_wait3A_333 = arith.constant 0 : i32
    %dma_wait3A_334 = arith.constant 0 : i32
    %dma_wait3A_335 = tpu.memref_slice %arg2[%dma_wait3A_327, %dma_wait3A_328, %dma_wait3A_333, %dma_wait3A_334] : memref<16x16x8x8064xf32, #tpu.memory_space<hbm>> -> memref<1x1x8x8064xf32, #tpu.memory_space<hbm>>
    %dma_wait3A_336 = tpu.memref_squeeze %dma_wait3A_335 : memref<1x1x8x8064xf32, #tpu.memory_space<hbm>> -> memref<8x8064xf32, #tpu.memory_space<hbm>>
    tpu.wait_dma2 semaphore(%arg7 : memref<!tpu.dma_semaphore, #tpu.memory_space<semaphore_mem>>) src(%dma_wait3A_336 : memref<8x8064xf32, #tpu.memory_space<hbm>>) dst(%arg4 : memref<8x8064xf32, #tpu.memory_space<vmem>>)
    %mul3A_337 = arith.constant 8 : i32
    %mul3A_338 = arith.muli %add3A, %mul3A_337 : i32
    %add3A_339 = arith.constant 2 : i32
    %add3A_340 = arith.addi %mul3A_338, %add3A_339 : i32
    %jit3A_341 = arith.constant 16 : i32
    %div3A_342 = arith.divsi %add3A_340, %jit3A_341 : i32
    %sign3A_343 = arith.constant 0 : i32
    %sign3A_344 = arith.cmpi sgt, %add3A_340, %sign3A_343 : i32
    %sign3A_345 = arith.extui %sign3A_344 : i1 to i32
    %sign3A_346 = arith.constant 0 : i32
    %sign3A_347 = arith.cmpi slt, %add3A_340, %sign3A_346 : i32
    %sign3A_348 = arith.extui %sign3A_347 : i1 to i32
    %sign3A_349 = arith.subi %sign3A_345, %sign3A_348 : i32
    %sign3A_350 = arith.constant 0 : i32
    %sign3A_351 = arith.cmpi sgt, %jit3A_341, %sign3A_350 : i32
    %sign3A_352 = arith.extui %sign3A_351 : i1 to i32
    %sign3A_353 = arith.constant 0 : i32
    %sign3A_354 = arith.cmpi slt, %jit3A_341, %sign3A_353 : i32
    %sign3A_355 = arith.extui %sign3A_354 : i1 to i32
    %sign3A_356 = arith.subi %sign3A_352, %sign3A_355 : i32
    %ne3A_357 = arith.cmpi ne, %sign3A_349, %sign3A_356 : i32
    %rem3A_358 = arith.remsi %add3A_340, %jit3A_341 : i32
    %ne3A_359 = arith.constant 0 : i32
    %ne3A_360 = arith.cmpi ne, %rem3A_358, %ne3A_359 : i32
    %and3A_361 = arith.andi %ne3A_357, %ne3A_360 : i1
    %sub3A_362 = arith.constant 1 : i32
    %sub3A_363 = arith.subi %div3A_342, %sub3A_362 : i32
    %select_n3A_364 = arith.select %and3A_361, %sub3A_363, %div3A_342 : i32
    %jit3A_365 = arith.constant 16 : i32
    %eq3A_366 = arith.constant 0 : i32
    %eq3A_367 = arith.cmpi eq, %jit3A_365, %eq3A_366 : i32
    %jit3A_368 = arith.constant 1 : i32
    %select_n3A_369 = arith.select %eq3A_367, %jit3A_368, %jit3A_365 : i32
    %rem3A_370 = arith.remsi %add3A_340, %select_n3A_369 : i32
    %ne3A_371 = arith.constant 0 : i32
    %ne3A_372 = arith.cmpi ne, %rem3A_370, %ne3A_371 : i32
    %lt3A_373 = arith.constant 0 : i32
    %lt3A_374 = arith.cmpi slt, %rem3A_370, %lt3A_373 : i32
    %lt3A_375 = arith.constant 0 : i32
    %lt3A_376 = arith.cmpi slt, %select_n3A_369, %lt3A_375 : i32
    %ne3A_377 = arith.xori %lt3A_374, %lt3A_376 : i1
    %and3A_378 = arith.andi %ne3A_377, %ne3A_372 : i1
    %add3A_379 = arith.addi %rem3A_370, %select_n3A_369 : i32
    %select_n3A_380 = arith.select %and3A_378, %add3A_379, %rem3A_370 : i32
    %dma_start3A_381 = arith.constant 0 : i32
    %dma_start3A_382 = arith.constant 0 : i32
    %dma_start3A_383 = tpu.memref_slice %arg2[%select_n3A_364, %select_n3A_380, %dma_start3A_381, %dma_start3A_382] : memref<16x16x8x8064xf32, #tpu.memory_space<hbm>> -> memref<1x1x8x8064xf32, #tpu.memory_space<hbm>>
    %dma_start3A_384 = tpu.memref_squeeze %dma_start3A_383 : memref<1x1x8x8064xf32, #tpu.memory_space<hbm>> -> memref<8x8064xf32, #tpu.memory_space<hbm>>
    %dma_start3A_385 = arith.constant 0 : i32
    %dma_start3A_386 = arith.constant 0 : i32
    %dma_start3A_387 = tpu.memref_slice %arg2[%select_n3A_364, %select_n3A_380, %dma_start3A_385, %dma_start3A_386] : memref<16x16x8x8064xf32, #tpu.memory_space<hbm>> -> memref<1x1x8x8064xf32, #tpu.memory_space<hbm>>
    %dma_start3A_388 = tpu.memref_squeeze %dma_start3A_387 : memref<1x1x8x8064xf32, #tpu.memory_space<hbm>> -> memref<8x8064xf32, #tpu.memory_space<hbm>>
    tpu.enqueue_dma source(%dma_start3A_388 : memref<8x8064xf32, #tpu.memory_space<hbm>>) target(%arg4 : memref<8x8064xf32, #tpu.memory_space<vmem>>) target_semaphore(%arg7 : memref<!tpu.dma_semaphore, #tpu.memory_space<semaphore_mem>>)
    %scan3A_389 = arith.constant 0 : i32
    %scan3A_390 = arith.constant 0 : i32
    %scan3A_391 = arith.constant 0 : i32
    %scan3A_392 = arith.constant 0 : i32
    %scan3A_393 = arith.constant 32 : i32
    %scan3A_394 = arith.addi %scan3A_392, %scan3A_393 : i32
    %scan3A_395 = arith.constant 1 : i32
    %scan3A_396 = scf.for %scan3A_1932 = %scan3A_392 to %scan3A_394 step %scan3A_395 iter_args(%scan3A_1933 = %scan3A_391) -> (i32)  : i32 {
      %mul3A_1934 = arith.constant 128 : i32
      %mul3A_1935 = arith.muli %mul3A_1934, %scan3A_1932 : i32
      %sub3A_1936 = arith.constant 4088 : i32
      %sub3A_1937 = arith.subi %sub3A_1936, %mul3A_1935 : i32
      %mul3A_1938 = arith.constant 8 : i32
      %mul3A_1939 = arith.muli %mul3A_1938, %select_n3A_198 : i32
      %sub3A_1940 = arith.subi %sub3A_1937, %mul3A_1939 : i32
      %mul3A_1941 = arith.constant 128 : i32
      %mul3A_1942 = arith.muli %mul3A_1941, %scan3A_1932 : i32
      %multiple_of3A = tpu.assume_multiple %mul3A_1942, 128 : i32
      %multiple_of3A_1943 = tpu.assume_multiple %sub3A_1940, 8 : i32
      %dma_start3A_1944 = arith.constant 0 : i32
      %dma_start3A_1945 = arith.constant 0 : i32
      %dma_start3A_1946 = tpu.memref_slice %arg5[%dma_start3A_1945, %multiple_of3A] : memref<8x8064xf32, #tpu.memory_space<vmem>> -> memref<8x4096xf32, #tpu.memory_space<vmem>>
      %dma_start3A_1947 = arith.constant 0 : i32
      %dma_start3A_1948 = tpu.memref_slice %arg3[%dma_start3A_1944, %select_n3A_182, %multiple_of3A_1943, %dma_start3A_1947] : memref<1x16x4096x4096xf32, #tpu.memory_space<hbm>> -> memref<1x1x8x4096xf32, #tpu.memory_space<hbm>>
      %dma_start3A_1949 = tpu.memref_squeeze %dma_start3A_1948 : memref<1x1x8x4096xf32, #tpu.memory_space<hbm>> -> memref<8x4096xf32, #tpu.memory_space<hbm>>
      %dma_start3A_1950 = arith.constant 0 : i32
      %dma_start3A_1951 = tpu.memref_slice %arg3[%dma_start3A_1944, %select_n3A_182, %multiple_of3A_1943, %dma_start3A_1950] : memref<1x16x4096x4096xf32, #tpu.memory_space<hbm>> -> memref<1x1x8x4096xf32, #tpu.memory_space<hbm>>
      %dma_start3A_1952 = tpu.memref_squeeze %dma_start3A_1951 : memref<1x1x8x4096xf32, #tpu.memory_space<hbm>> -> memref<8x4096xf32, #tpu.memory_space<hbm>>
      %dma_start3A_1953 = arith.constant 0 : i32
      %dma_start3A_1954 = tpu.memref_slice %arg5[%dma_start3A_1953, %multiple_of3A] : memref<8x8064xf32, #tpu.memory_space<vmem>> -> memref<8x4096xf32, #tpu.memory_space<vmem>>
      tpu.enqueue_dma source(%dma_start3A_1954 : memref<8x4096xf32, #tpu.memory_space<vmem>>) target(%dma_start3A_1952 : memref<8x4096xf32, #tpu.memory_space<hbm>>) target_semaphore(%arg6 : memref<!tpu.dma_semaphore, #tpu.memory_space<semaphore_mem>>)
      %ge3A = arith.constant 8 : i32
      %ge3A_1955 = arith.cmpi sge, %scan3A_1932, %ge3A : i32
      %convert_element_type3A = arith.extui %ge3A_1955 : i1 to i32
      %cond3A = arith.constant 0 : i32
      %cond3A_1956 = arith.cmpi ne, %convert_element_type3A, %cond3A : i32
      scf.if %cond3A_1956 {
        %dma_wait3A_1958 = arith.constant 0 : i32
        %dma_wait3A_1959 = arith.constant 0 : i32
        %dma_wait3A_1960 = tpu.memref_slice %arg4[%dma_wait3A_1958, %dma_wait3A_1959] : memref<8x8064xf32, #tpu.memory_space<vmem>> -> memref<8x4096xf32, #tpu.memory_space<vmem>>
        %dma_wait3A_1961 = arith.constant 0 : i32
        %dma_wait3A_1962 = arith.constant 0 : i32
        %dma_wait3A_1963 = tpu.memref_slice %arg3[%scan3A_389, %scan3A_390, %dma_wait3A_1961, %dma_wait3A_1962] : memref<1x16x4096x4096xf32, #tpu.memory_space<hbm>> -> memref<1x1x8x4096xf32, #tpu.memory_space<hbm>>
        %dma_wait3A_1964 = tpu.memref_squeeze %dma_wait3A_1963 : memref<1x1x8x4096xf32, #tpu.memory_space<hbm>> -> memref<8x4096xf32, #tpu.memory_space<hbm>>
        %dma_wait3A_1965 = arith.constant 0 : i32
        %dma_wait3A_1966 = arith.constant 0 : i32
        %dma_wait3A_1967 = tpu.memref_slice %arg3[%scan3A_389, %scan3A_390, %dma_wait3A_1965, %dma_wait3A_1966] : memref<1x16x4096x4096xf32, #tpu.memory_space<hbm>> -> memref<1x1x8x4096xf32, #tpu.memory_space<hbm>>
        %dma_wait3A_1968 = tpu.memref_squeeze %dma_wait3A_1967 : memref<1x1x8x4096xf32, #tpu.memory_space<hbm>> -> memref<8x4096xf32, #tpu.memory_space<hbm>>
        %dma_wait3A_1969 = arith.constant 0 : i32
        %dma_wait3A_1970 = arith.constant 0 : i32
        %dma_wait3A_1971 = tpu.memref_slice %arg4[%dma_wait3A_1969, %dma_wait3A_1970] : memref<8x8064xf32, #tpu.memory_space<vmem>> -> memref<8x4096xf32, #tpu.memory_space<vmem>>
        tpu.wait_dma2 semaphore(%arg6 : memref<!tpu.dma_semaphore, #tpu.memory_space<semaphore_mem>>) src(%dma_wait3A_1971 : memref<8x4096xf32, #tpu.memory_space<vmem>>) dst(%dma_wait3A_1968 : memref<8x4096xf32, #tpu.memory_space<hbm>>)
      } else {
      }
      %scan3A_1957 = arith.constant 0 : i32
      scf.yield %scan3A_1957 : i32
    }
    %scan3A_397 = arith.constant 32 : i32
    %mul3A_398 = arith.constant 8 : i32
    %mul3A_399 = arith.muli %add3A, %mul3A_398 : i32
    %add3A_400 = arith.constant 2 : i32
    %add3A_401 = arith.addi %mul3A_399, %add3A_400 : i32
    %jit3A_402 = arith.constant 16 : i32
    %div3A_403 = arith.divsi %add3A_401, %jit3A_402 : i32
    %sign3A_404 = arith.constant 0 : i32
    %sign3A_405 = arith.cmpi sgt, %add3A_401, %sign3A_404 : i32
    %sign3A_406 = arith.extui %sign3A_405 : i1 to i32
    %sign3A_407 = arith.constant 0 : i32
    %sign3A_408 = arith.cmpi slt, %add3A_401, %sign3A_407 : i32
    %sign3A_409 = arith.extui %sign3A_408 : i1 to i32
    %sign3A_410 = arith.subi %sign3A_406, %sign3A_409 : i32
    %sign3A_411 = arith.constant 0 : i32
    %sign3A_412 = arith.cmpi sgt, %jit3A_402, %sign3A_411 : i32
    %sign3A_413 = arith.extui %sign3A_412 : i1 to i32
    %sign3A_414 = arith.constant 0 : i32
    %sign3A_415 = arith.cmpi slt, %jit3A_402, %sign3A_414 : i32
    %sign3A_416 = arith.extui %sign3A_415 : i1 to i32
    %sign3A_417 = arith.subi %sign3A_413, %sign3A_416 : i32
    %ne3A_418 = arith.cmpi ne, %sign3A_410, %sign3A_417 : i32
    %rem3A_419 = arith.remsi %add3A_401, %jit3A_402 : i32
    %ne3A_420 = arith.constant 0 : i32
    %ne3A_421 = arith.cmpi ne, %rem3A_419, %ne3A_420 : i32
    %and3A_422 = arith.andi %ne3A_418, %ne3A_421 : i1
    %sub3A_423 = arith.constant 1 : i32
    %sub3A_424 = arith.subi %div3A_403, %sub3A_423 : i32
    %select_n3A_425 = arith.select %and3A_422, %sub3A_424, %div3A_403 : i32
    %jit3A_426 = arith.constant 16 : i32
    %eq3A_427 = arith.constant 0 : i32
    %eq3A_428 = arith.cmpi eq, %jit3A_426, %eq3A_427 : i32
    %jit3A_429 = arith.constant 1 : i32
    %select_n3A_430 = arith.select %eq3A_428, %jit3A_429, %jit3A_426 : i32
    %rem3A_431 = arith.remsi %add3A_401, %select_n3A_430 : i32
    %ne3A_432 = arith.constant 0 : i32
    %ne3A_433 = arith.cmpi ne, %rem3A_431, %ne3A_432 : i32
    %lt3A_434 = arith.constant 0 : i32
    %lt3A_435 = arith.cmpi slt, %rem3A_431, %lt3A_434 : i32
    %lt3A_436 = arith.constant 0 : i32
    %lt3A_437 = arith.cmpi slt, %select_n3A_430, %lt3A_436 : i32
    %ne3A_438 = arith.xori %lt3A_435, %lt3A_437 : i1
    %and3A_439 = arith.andi %ne3A_438, %ne3A_433 : i1
    %add3A_440 = arith.addi %rem3A_431, %select_n3A_430 : i32
    %select_n3A_441 = arith.select %and3A_439, %add3A_440, %rem3A_431 : i32
    %dma_wait3A_442 = arith.constant 0 : i32
    %dma_wait3A_443 = arith.constant 0 : i32
    %dma_wait3A_444 = arith.constant 0 : i32
    %dma_wait3A_445 = arith.constant 0 : i32
    %dma_wait3A_446 = tpu.memref_slice %arg4[%dma_wait3A_444, %dma_wait3A_445] : memref<8x8064xf32, #tpu.memory_space<vmem>> -> memref<8x4096xf32, #tpu.memory_space<vmem>>
    %dma_wait3A_447 = arith.constant 0 : i32
    %dma_wait3A_448 = arith.constant 0 : i32
    %dma_wait3A_449 = tpu.memref_slice %arg3[%dma_wait3A_442, %dma_wait3A_443, %dma_wait3A_447, %dma_wait3A_448] : memref<1x16x4096x4096xf32, #tpu.memory_space<hbm>> -> memref<1x1x8x4096xf32, #tpu.memory_space<hbm>>
    %dma_wait3A_450 = tpu.memref_squeeze %dma_wait3A_449 : memref<1x1x8x4096xf32, #tpu.memory_space<hbm>> -> memref<8x4096xf32, #tpu.memory_space<hbm>>
    %dma_wait3A_451 = arith.constant 0 : i32
    %dma_wait3A_452 = arith.constant 0 : i32
    %dma_wait3A_453 = tpu.memref_slice %arg3[%dma_wait3A_442, %dma_wait3A_443, %dma_wait3A_451, %dma_wait3A_452] : memref<1x16x4096x4096xf32, #tpu.memory_space<hbm>> -> memref<1x1x8x4096xf32, #tpu.memory_space<hbm>>
    %dma_wait3A_454 = tpu.memref_squeeze %dma_wait3A_453 : memref<1x1x8x4096xf32, #tpu.memory_space<hbm>> -> memref<8x4096xf32, #tpu.memory_space<hbm>>
    %dma_wait3A_455 = arith.constant 0 : i32
    %dma_wait3A_456 = arith.constant 0 : i32
    %dma_wait3A_457 = tpu.memref_slice %arg4[%dma_wait3A_455, %dma_wait3A_456] : memref<8x8064xf32, #tpu.memory_space<vmem>> -> memref<8x4096xf32, #tpu.memory_space<vmem>>
    tpu.wait_dma2 semaphore(%arg6 : memref<!tpu.dma_semaphore, #tpu.memory_space<semaphore_mem>>) src(%dma_wait3A_457 : memref<8x4096xf32, #tpu.memory_space<vmem>>) dst(%dma_wait3A_454 : memref<8x4096xf32, #tpu.memory_space<hbm>>)
    %dma_wait3A_458 = arith.constant 0 : i32
    %dma_wait3A_459 = arith.constant 0 : i32
    %dma_wait3A_460 = arith.constant 0 : i32
    %dma_wait3A_461 = arith.constant 0 : i32
    %dma_wait3A_462 = tpu.memref_slice %arg4[%dma_wait3A_460, %dma_wait3A_461] : memref<8x8064xf32, #tpu.memory_space<vmem>> -> memref<8x4096xf32, #tpu.memory_space<vmem>>
    %dma_wait3A_463 = arith.constant 0 : i32
    %dma_wait3A_464 = arith.constant 0 : i32
    %dma_wait3A_465 = tpu.memref_slice %arg3[%dma_wait3A_458, %dma_wait3A_459, %dma_wait3A_463, %dma_wait3A_464] : memref<1x16x4096x4096xf32, #tpu.memory_space<hbm>> -> memref<1x1x8x4096xf32, #tpu.memory_space<hbm>>
    %dma_wait3A_466 = tpu.memref_squeeze %dma_wait3A_465 : memref<1x1x8x4096xf32, #tpu.memory_space<hbm>> -> memref<8x4096xf32, #tpu.memory_space<hbm>>
    %dma_wait3A_467 = arith.constant 0 : i32
    %dma_wait3A_468 = arith.constant 0 : i32
    %dma_wait3A_469 = tpu.memref_slice %arg3[%dma_wait3A_458, %dma_wait3A_459, %dma_wait3A_467, %dma_wait3A_468] : memref<1x16x4096x4096xf32, #tpu.memory_space<hbm>> -> memref<1x1x8x4096xf32, #tpu.memory_space<hbm>>
    %dma_wait3A_470 = tpu.memref_squeeze %dma_wait3A_469 : memref<1x1x8x4096xf32, #tpu.memory_space<hbm>> -> memref<8x4096xf32, #tpu.memory_space<hbm>>
    %dma_wait3A_471 = arith.constant 0 : i32
    %dma_wait3A_472 = arith.constant 0 : i32
    %dma_wait3A_473 = tpu.memref_slice %arg4[%dma_wait3A_471, %dma_wait3A_472] : memref<8x8064xf32, #tpu.memory_space<vmem>> -> memref<8x4096xf32, #tpu.memory_space<vmem>>
    tpu.wait_dma2 semaphore(%arg6 : memref<!tpu.dma_semaphore, #tpu.memory_space<semaphore_mem>>) src(%dma_wait3A_473 : memref<8x4096xf32, #tpu.memory_space<vmem>>) dst(%dma_wait3A_470 : memref<8x4096xf32, #tpu.memory_space<hbm>>)
    %dma_wait3A_474 = arith.constant 0 : i32
    %dma_wait3A_475 = arith.constant 0 : i32
    %dma_wait3A_476 = arith.constant 0 : i32
    %dma_wait3A_477 = arith.constant 0 : i32
    %dma_wait3A_478 = tpu.memref_slice %arg4[%dma_wait3A_476, %dma_wait3A_477] : memref<8x8064xf32, #tpu.memory_space<vmem>> -> memref<8x4096xf32, #tpu.memory_space<vmem>>
    %dma_wait3A_479 = arith.constant 0 : i32
    %dma_wait3A_480 = arith.constant 0 : i32
    %dma_wait3A_481 = tpu.memref_slice %arg3[%dma_wait3A_474, %dma_wait3A_475, %dma_wait3A_479, %dma_wait3A_480] : memref<1x16x4096x4096xf32, #tpu.memory_space<hbm>> -> memref<1x1x8x4096xf32, #tpu.memory_space<hbm>>
    %dma_wait3A_482 = tpu.memref_squeeze %dma_wait3A_481 : memref<1x1x8x4096xf32, #tpu.memory_space<hbm>> -> memref<8x4096xf32, #tpu.memory_space<hbm>>
    %dma_wait3A_483 = arith.constant 0 : i32
    %dma_wait3A_484 = arith.constant 0 : i32
    %dma_wait3A_485 = tpu.memref_slice %arg3[%dma_wait3A_474, %dma_wait3A_475, %dma_wait3A_483, %dma_wait3A_484] : memref<1x16x4096x4096xf32, #tpu.memory_space<hbm>> -> memref<1x1x8x4096xf32, #tpu.memory_space<hbm>>
    %dma_wait3A_486 = tpu.memref_squeeze %dma_wait3A_485 : memref<1x1x8x4096xf32, #tpu.memory_space<hbm>> -> memref<8x4096xf32, #tpu.memory_space<hbm>>
    %dma_wait3A_487 = arith.constant 0 : i32
    %dma_wait3A_488 = arith.constant 0 : i32
    %dma_wait3A_489 = tpu.memref_slice %arg4[%dma_wait3A_487, %dma_wait3A_488] : memref<8x8064xf32, #tpu.memory_space<vmem>> -> memref<8x4096xf32, #tpu.memory_space<vmem>>
    tpu.wait_dma2 semaphore(%arg6 : memref<!tpu.dma_semaphore, #tpu.memory_space<semaphore_mem>>) src(%dma_wait3A_489 : memref<8x4096xf32, #tpu.memory_space<vmem>>) dst(%dma_wait3A_486 : memref<8x4096xf32, #tpu.memory_space<hbm>>)
    %dma_wait3A_490 = arith.constant 0 : i32
    %dma_wait3A_491 = arith.constant 0 : i32
    %dma_wait3A_492 = arith.constant 0 : i32
    %dma_wait3A_493 = arith.constant 0 : i32
    %dma_wait3A_494 = tpu.memref_slice %arg4[%dma_wait3A_492, %dma_wait3A_493] : memref<8x8064xf32, #tpu.memory_space<vmem>> -> memref<8x4096xf32, #tpu.memory_space<vmem>>
    %dma_wait3A_495 = arith.constant 0 : i32
    %dma_wait3A_496 = arith.constant 0 : i32
    %dma_wait3A_497 = tpu.memref_slice %arg3[%dma_wait3A_490, %dma_wait3A_491, %dma_wait3A_495, %dma_wait3A_496] : memref<1x16x4096x4096xf32, #tpu.memory_space<hbm>> -> memref<1x1x8x4096xf32, #tpu.memory_space<hbm>>
    %dma_wait3A_498 = tpu.memref_squeeze %dma_wait3A_497 : memref<1x1x8x4096xf32, #tpu.memory_space<hbm>> -> memref<8x4096xf32, #tpu.memory_space<hbm>>
    %dma_wait3A_499 = arith.constant 0 : i32
    %dma_wait3A_500 = arith.constant 0 : i32
    %dma_wait3A_501 = tpu.memref_slice %arg3[%dma_wait3A_490, %dma_wait3A_491, %dma_wait3A_499, %dma_wait3A_500] : memref<1x16x4096x4096xf32, #tpu.memory_space<hbm>> -> memref<1x1x8x4096xf32, #tpu.memory_space<hbm>>
    %dma_wait3A_502 = tpu.memref_squeeze %dma_wait3A_501 : memref<1x1x8x4096xf32, #tpu.memory_space<hbm>> -> memref<8x4096xf32, #tpu.memory_space<hbm>>
    %dma_wait3A_503 = arith.constant 0 : i32
    %dma_wait3A_504 = arith.constant 0 : i32
    %dma_wait3A_505 = tpu.memref_slice %arg4[%dma_wait3A_503, %dma_wait3A_504] : memref<8x8064xf32, #tpu.memory_space<vmem>> -> memref<8x4096xf32, #tpu.memory_space<vmem>>
    tpu.wait_dma2 semaphore(%arg6 : memref<!tpu.dma_semaphore, #tpu.memory_space<semaphore_mem>>) src(%dma_wait3A_505 : memref<8x4096xf32, #tpu.memory_space<vmem>>) dst(%dma_wait3A_502 : memref<8x4096xf32, #tpu.memory_space<hbm>>)
    %dma_wait3A_506 = arith.constant 0 : i32
    %dma_wait3A_507 = arith.constant 0 : i32
    %dma_wait3A_508 = arith.constant 0 : i32
    %dma_wait3A_509 = arith.constant 0 : i32
    %dma_wait3A_510 = tpu.memref_slice %arg4[%dma_wait3A_508, %dma_wait3A_509] : memref<8x8064xf32, #tpu.memory_space<vmem>> -> memref<8x4096xf32, #tpu.memory_space<vmem>>
    %dma_wait3A_511 = arith.constant 0 : i32
    %dma_wait3A_512 = arith.constant 0 : i32
    %dma_wait3A_513 = tpu.memref_slice %arg3[%dma_wait3A_506, %dma_wait3A_507, %dma_wait3A_511, %dma_wait3A_512] : memref<1x16x4096x4096xf32, #tpu.memory_space<hbm>> -> memref<1x1x8x4096xf32, #tpu.memory_space<hbm>>
    %dma_wait3A_514 = tpu.memref_squeeze %dma_wait3A_513 : memref<1x1x8x4096xf32, #tpu.memory_space<hbm>> -> memref<8x4096xf32, #tpu.memory_space<hbm>>
    %dma_wait3A_515 = arith.constant 0 : i32
    %dma_wait3A_516 = arith.constant 0 : i32
    %dma_wait3A_517 = tpu.memref_slice %arg3[%dma_wait3A_506, %dma_wait3A_507, %dma_wait3A_515, %dma_wait3A_516] : memref<1x16x4096x4096xf32, #tpu.memory_space<hbm>> -> memref<1x1x8x4096xf32, #tpu.memory_space<hbm>>
    %dma_wait3A_518 = tpu.memref_squeeze %dma_wait3A_517 : memref<1x1x8x4096xf32, #tpu.memory_space<hbm>> -> memref<8x4096xf32, #tpu.memory_space<hbm>>
    %dma_wait3A_519 = arith.constant 0 : i32
    %dma_wait3A_520 = arith.constant 0 : i32
    %dma_wait3A_521 = tpu.memref_slice %arg4[%dma_wait3A_519, %dma_wait3A_520] : memref<8x8064xf32, #tpu.memory_space<vmem>> -> memref<8x4096xf32, #tpu.memory_space<vmem>>
    tpu.wait_dma2 semaphore(%arg6 : memref<!tpu.dma_semaphore, #tpu.memory_space<semaphore_mem>>) src(%dma_wait3A_521 : memref<8x4096xf32, #tpu.memory_space<vmem>>) dst(%dma_wait3A_518 : memref<8x4096xf32, #tpu.memory_space<hbm>>)
    %dma_wait3A_522 = arith.constant 0 : i32
    %dma_wait3A_523 = arith.constant 0 : i32
    %dma_wait3A_524 = arith.constant 0 : i32
    %dma_wait3A_525 = arith.constant 0 : i32
    %dma_wait3A_526 = tpu.memref_slice %arg4[%dma_wait3A_524, %dma_wait3A_525] : memref<8x8064xf32, #tpu.memory_space<vmem>> -> memref<8x4096xf32, #tpu.memory_space<vmem>>
    %dma_wait3A_527 = arith.constant 0 : i32
    %dma_wait3A_528 = arith.constant 0 : i32
    %dma_wait3A_529 = tpu.memref_slice %arg3[%dma_wait3A_522, %dma_wait3A_523, %dma_wait3A_527, %dma_wait3A_528] : memref<1x16x4096x4096xf32, #tpu.memory_space<hbm>> -> memref<1x1x8x4096xf32, #tpu.memory_space<hbm>>
    %dma_wait3A_530 = tpu.memref_squeeze %dma_wait3A_529 : memref<1x1x8x4096xf32, #tpu.memory_space<hbm>> -> memref<8x4096xf32, #tpu.memory_space<hbm>>
    %dma_wait3A_531 = arith.constant 0 : i32
    %dma_wait3A_532 = arith.constant 0 : i32
    %dma_wait3A_533 = tpu.memref_slice %arg3[%dma_wait3A_522, %dma_wait3A_523, %dma_wait3A_531, %dma_wait3A_532] : memref<1x16x4096x4096xf32, #tpu.memory_space<hbm>> -> memref<1x1x8x4096xf32, #tpu.memory_space<hbm>>
    %dma_wait3A_534 = tpu.memref_squeeze %dma_wait3A_533 : memref<1x1x8x4096xf32, #tpu.memory_space<hbm>> -> memref<8x4096xf32, #tpu.memory_space<hbm>>
    %dma_wait3A_535 = arith.constant 0 : i32
    %dma_wait3A_536 = arith.constant 0 : i32
    %dma_wait3A_537 = tpu.memref_slice %arg4[%dma_wait3A_535, %dma_wait3A_536] : memref<8x8064xf32, #tpu.memory_space<vmem>> -> memref<8x4096xf32, #tpu.memory_space<vmem>>
    tpu.wait_dma2 semaphore(%arg6 : memref<!tpu.dma_semaphore, #tpu.memory_space<semaphore_mem>>) src(%dma_wait3A_537 : memref<8x4096xf32, #tpu.memory_space<vmem>>) dst(%dma_wait3A_534 : memref<8x4096xf32, #tpu.memory_space<hbm>>)
    %dma_wait3A_538 = arith.constant 0 : i32
    %dma_wait3A_539 = arith.constant 0 : i32
    %dma_wait3A_540 = arith.constant 0 : i32
    %dma_wait3A_541 = arith.constant 0 : i32
    %dma_wait3A_542 = tpu.memref_slice %arg4[%dma_wait3A_540, %dma_wait3A_541] : memref<8x8064xf32, #tpu.memory_space<vmem>> -> memref<8x4096xf32, #tpu.memory_space<vmem>>
    %dma_wait3A_543 = arith.constant 0 : i32
    %dma_wait3A_544 = arith.constant 0 : i32
    %dma_wait3A_545 = tpu.memref_slice %arg3[%dma_wait3A_538, %dma_wait3A_539, %dma_wait3A_543, %dma_wait3A_544] : memref<1x16x4096x4096xf32, #tpu.memory_space<hbm>> -> memref<1x1x8x4096xf32, #tpu.memory_space<hbm>>
    %dma_wait3A_546 = tpu.memref_squeeze %dma_wait3A_545 : memref<1x1x8x4096xf32, #tpu.memory_space<hbm>> -> memref<8x4096xf32, #tpu.memory_space<hbm>>
    %dma_wait3A_547 = arith.constant 0 : i32
    %dma_wait3A_548 = arith.constant 0 : i32
    %dma_wait3A_549 = tpu.memref_slice %arg3[%dma_wait3A_538, %dma_wait3A_539, %dma_wait3A_547, %dma_wait3A_548] : memref<1x16x4096x4096xf32, #tpu.memory_space<hbm>> -> memref<1x1x8x4096xf32, #tpu.memory_space<hbm>>
    %dma_wait3A_550 = tpu.memref_squeeze %dma_wait3A_549 : memref<1x1x8x4096xf32, #tpu.memory_space<hbm>> -> memref<8x4096xf32, #tpu.memory_space<hbm>>
    %dma_wait3A_551 = arith.constant 0 : i32
    %dma_wait3A_552 = arith.constant 0 : i32
    %dma_wait3A_553 = tpu.memref_slice %arg4[%dma_wait3A_551, %dma_wait3A_552] : memref<8x8064xf32, #tpu.memory_space<vmem>> -> memref<8x4096xf32, #tpu.memory_space<vmem>>
    tpu.wait_dma2 semaphore(%arg6 : memref<!tpu.dma_semaphore, #tpu.memory_space<semaphore_mem>>) src(%dma_wait3A_553 : memref<8x4096xf32, #tpu.memory_space<vmem>>) dst(%dma_wait3A_550 : memref<8x4096xf32, #tpu.memory_space<hbm>>)
    %dma_wait3A_554 = arith.constant 0 : i32
    %dma_wait3A_555 = arith.constant 0 : i32
    %dma_wait3A_556 = arith.constant 0 : i32
    %dma_wait3A_557 = arith.constant 0 : i32
    %dma_wait3A_558 = tpu.memref_slice %arg4[%dma_wait3A_556, %dma_wait3A_557] : memref<8x8064xf32, #tpu.memory_space<vmem>> -> memref<8x4096xf32, #tpu.memory_space<vmem>>
    %dma_wait3A_559 = arith.constant 0 : i32
    %dma_wait3A_560 = arith.constant 0 : i32
    %dma_wait3A_561 = tpu.memref_slice %arg3[%dma_wait3A_554, %dma_wait3A_555, %dma_wait3A_559, %dma_wait3A_560] : memref<1x16x4096x4096xf32, #tpu.memory_space<hbm>> -> memref<1x1x8x4096xf32, #tpu.memory_space<hbm>>
    %dma_wait3A_562 = tpu.memref_squeeze %dma_wait3A_561 : memref<1x1x8x4096xf32, #tpu.memory_space<hbm>> -> memref<8x4096xf32, #tpu.memory_space<hbm>>
    %dma_wait3A_563 = arith.constant 0 : i32
    %dma_wait3A_564 = arith.constant 0 : i32
    %dma_wait3A_565 = tpu.memref_slice %arg3[%dma_wait3A_554, %dma_wait3A_555, %dma_wait3A_563, %dma_wait3A_564] : memref<1x16x4096x4096xf32, #tpu.memory_space<hbm>> -> memref<1x1x8x4096xf32, #tpu.memory_space<hbm>>
    %dma_wait3A_566 = tpu.memref_squeeze %dma_wait3A_565 : memref<1x1x8x4096xf32, #tpu.memory_space<hbm>> -> memref<8x4096xf32, #tpu.memory_space<hbm>>
    %dma_wait3A_567 = arith.constant 0 : i32
    %dma_wait3A_568 = arith.constant 0 : i32
    %dma_wait3A_569 = tpu.memref_slice %arg4[%dma_wait3A_567, %dma_wait3A_568] : memref<8x8064xf32, #tpu.memory_space<vmem>> -> memref<8x4096xf32, #tpu.memory_space<vmem>>
    tpu.wait_dma2 semaphore(%arg6 : memref<!tpu.dma_semaphore, #tpu.memory_space<semaphore_mem>>) src(%dma_wait3A_569 : memref<8x4096xf32, #tpu.memory_space<vmem>>) dst(%dma_wait3A_566 : memref<8x4096xf32, #tpu.memory_space<hbm>>)
    %dma_wait3A_570 = arith.constant 0 : i32
    %dma_wait3A_571 = arith.constant 0 : i32
    %dma_wait3A_572 = arith.constant 0 : i32
    %dma_wait3A_573 = arith.constant 0 : i32
    %dma_wait3A_574 = tpu.memref_slice %arg2[%dma_wait3A_570, %dma_wait3A_571, %dma_wait3A_572, %dma_wait3A_573] : memref<16x16x8x8064xf32, #tpu.memory_space<hbm>> -> memref<1x1x8x8064xf32, #tpu.memory_space<hbm>>
    %dma_wait3A_575 = tpu.memref_squeeze %dma_wait3A_574 : memref<1x1x8x8064xf32, #tpu.memory_space<hbm>> -> memref<8x8064xf32, #tpu.memory_space<hbm>>
    %dma_wait3A_576 = arith.constant 0 : i32
    %dma_wait3A_577 = arith.constant 0 : i32
    %dma_wait3A_578 = tpu.memref_slice %arg2[%dma_wait3A_570, %dma_wait3A_571, %dma_wait3A_576, %dma_wait3A_577] : memref<16x16x8x8064xf32, #tpu.memory_space<hbm>> -> memref<1x1x8x8064xf32, #tpu.memory_space<hbm>>
    %dma_wait3A_579 = tpu.memref_squeeze %dma_wait3A_578 : memref<1x1x8x8064xf32, #tpu.memory_space<hbm>> -> memref<8x8064xf32, #tpu.memory_space<hbm>>
    tpu.wait_dma2 semaphore(%arg7 : memref<!tpu.dma_semaphore, #tpu.memory_space<semaphore_mem>>) src(%dma_wait3A_579 : memref<8x8064xf32, #tpu.memory_space<hbm>>) dst(%arg4 : memref<8x8064xf32, #tpu.memory_space<vmem>>)
    %mul3A_580 = arith.constant 8 : i32
    %mul3A_581 = arith.muli %add3A, %mul3A_580 : i32
    %add3A_582 = arith.constant 3 : i32
    %add3A_583 = arith.addi %mul3A_581, %add3A_582 : i32
    %jit3A_584 = arith.constant 16 : i32
    %div3A_585 = arith.divsi %add3A_583, %jit3A_584 : i32
    %sign3A_586 = arith.constant 0 : i32
    %sign3A_587 = arith.cmpi sgt, %add3A_583, %sign3A_586 : i32
    %sign3A_588 = arith.extui %sign3A_587 : i1 to i32
    %sign3A_589 = arith.constant 0 : i32
    %sign3A_590 = arith.cmpi slt, %add3A_583, %sign3A_589 : i32
    %sign3A_591 = arith.extui %sign3A_590 : i1 to i32
    %sign3A_592 = arith.subi %sign3A_588, %sign3A_591 : i32
    %sign3A_593 = arith.constant 0 : i32
    %sign3A_594 = arith.cmpi sgt, %jit3A_584, %sign3A_593 : i32
    %sign3A_595 = arith.extui %sign3A_594 : i1 to i32
    %sign3A_596 = arith.constant 0 : i32
    %sign3A_597 = arith.cmpi slt, %jit3A_584, %sign3A_596 : i32
    %sign3A_598 = arith.extui %sign3A_597 : i1 to i32
    %sign3A_599 = arith.subi %sign3A_595, %sign3A_598 : i32
    %ne3A_600 = arith.cmpi ne, %sign3A_592, %sign3A_599 : i32
    %rem3A_601 = arith.remsi %add3A_583, %jit3A_584 : i32
    %ne3A_602 = arith.constant 0 : i32
    %ne3A_603 = arith.cmpi ne, %rem3A_601, %ne3A_602 : i32
    %and3A_604 = arith.andi %ne3A_600, %ne3A_603 : i1
    %sub3A_605 = arith.constant 1 : i32
    %sub3A_606 = arith.subi %div3A_585, %sub3A_605 : i32
    %select_n3A_607 = arith.select %and3A_604, %sub3A_606, %div3A_585 : i32
    %jit3A_608 = arith.constant 16 : i32
    %eq3A_609 = arith.constant 0 : i32
    %eq3A_610 = arith.cmpi eq, %jit3A_608, %eq3A_609 : i32
    %jit3A_611 = arith.constant 1 : i32
    %select_n3A_612 = arith.select %eq3A_610, %jit3A_611, %jit3A_608 : i32
    %rem3A_613 = arith.remsi %add3A_583, %select_n3A_612 : i32
    %ne3A_614 = arith.constant 0 : i32
    %ne3A_615 = arith.cmpi ne, %rem3A_613, %ne3A_614 : i32
    %lt3A_616 = arith.constant 0 : i32
    %lt3A_617 = arith.cmpi slt, %rem3A_613, %lt3A_616 : i32
    %lt3A_618 = arith.constant 0 : i32
    %lt3A_619 = arith.cmpi slt, %select_n3A_612, %lt3A_618 : i32
    %ne3A_620 = arith.xori %lt3A_617, %lt3A_619 : i1
    %and3A_621 = arith.andi %ne3A_620, %ne3A_615 : i1
    %add3A_622 = arith.addi %rem3A_613, %select_n3A_612 : i32
    %select_n3A_623 = arith.select %and3A_621, %add3A_622, %rem3A_613 : i32
    %dma_start3A_624 = arith.constant 0 : i32
    %dma_start3A_625 = arith.constant 0 : i32
    %dma_start3A_626 = tpu.memref_slice %arg2[%select_n3A_607, %select_n3A_623, %dma_start3A_624, %dma_start3A_625] : memref<16x16x8x8064xf32, #tpu.memory_space<hbm>> -> memref<1x1x8x8064xf32, #tpu.memory_space<hbm>>
    %dma_start3A_627 = tpu.memref_squeeze %dma_start3A_626 : memref<1x1x8x8064xf32, #tpu.memory_space<hbm>> -> memref<8x8064xf32, #tpu.memory_space<hbm>>
    %dma_start3A_628 = arith.constant 0 : i32
    %dma_start3A_629 = arith.constant 0 : i32
    %dma_start3A_630 = tpu.memref_slice %arg2[%select_n3A_607, %select_n3A_623, %dma_start3A_628, %dma_start3A_629] : memref<16x16x8x8064xf32, #tpu.memory_space<hbm>> -> memref<1x1x8x8064xf32, #tpu.memory_space<hbm>>
    %dma_start3A_631 = tpu.memref_squeeze %dma_start3A_630 : memref<1x1x8x8064xf32, #tpu.memory_space<hbm>> -> memref<8x8064xf32, #tpu.memory_space<hbm>>
    tpu.enqueue_dma source(%dma_start3A_631 : memref<8x8064xf32, #tpu.memory_space<hbm>>) target(%arg5 : memref<8x8064xf32, #tpu.memory_space<vmem>>) target_semaphore(%arg7 : memref<!tpu.dma_semaphore, #tpu.memory_space<semaphore_mem>>)
    %scan3A_632 = arith.constant 0 : i32
    %scan3A_633 = arith.constant 0 : i32
    %scan3A_634 = arith.constant 0 : i32
    %scan3A_635 = arith.constant 0 : i32
    %scan3A_636 = arith.constant 32 : i32
    %scan3A_637 = arith.addi %scan3A_635, %scan3A_636 : i32
    %scan3A_638 = arith.constant 1 : i32
    %scan3A_639 = scf.for %scan3A_1932 = %scan3A_635 to %scan3A_637 step %scan3A_638 iter_args(%scan3A_1933 = %scan3A_634) -> (i32)  : i32 {
      %mul3A_1934 = arith.constant 128 : i32
      %mul3A_1935 = arith.muli %mul3A_1934, %scan3A_1932 : i32
      %sub3A_1936 = arith.constant 4088 : i32
      %sub3A_1937 = arith.subi %sub3A_1936, %mul3A_1935 : i32
      %mul3A_1938 = arith.constant 8 : i32
      %mul3A_1939 = arith.muli %mul3A_1938, %select_n3A_441 : i32
      %sub3A_1940 = arith.subi %sub3A_1937, %mul3A_1939 : i32
      %mul3A_1941 = arith.constant 128 : i32
      %mul3A_1942 = arith.muli %mul3A_1941, %scan3A_1932 : i32
      %multiple_of3A = tpu.assume_multiple %mul3A_1942, 128 : i32
      %multiple_of3A_1943 = tpu.assume_multiple %sub3A_1940, 8 : i32
      %dma_start3A_1944 = arith.constant 0 : i32
      %dma_start3A_1945 = arith.constant 0 : i32
      %dma_start3A_1946 = tpu.memref_slice %arg4[%dma_start3A_1945, %multiple_of3A] : memref<8x8064xf32, #tpu.memory_space<vmem>> -> memref<8x4096xf32, #tpu.memory_space<vmem>>
      %dma_start3A_1947 = arith.constant 0 : i32
      %dma_start3A_1948 = tpu.memref_slice %arg3[%dma_start3A_1944, %select_n3A_425, %multiple_of3A_1943, %dma_start3A_1947] : memref<1x16x4096x4096xf32, #tpu.memory_space<hbm>> -> memref<1x1x8x4096xf32, #tpu.memory_space<hbm>>
      %dma_start3A_1949 = tpu.memref_squeeze %dma_start3A_1948 : memref<1x1x8x4096xf32, #tpu.memory_space<hbm>> -> memref<8x4096xf32, #tpu.memory_space<hbm>>
      %dma_start3A_1950 = arith.constant 0 : i32
      %dma_start3A_1951 = tpu.memref_slice %arg3[%dma_start3A_1944, %select_n3A_425, %multiple_of3A_1943, %dma_start3A_1950] : memref<1x16x4096x4096xf32, #tpu.memory_space<hbm>> -> memref<1x1x8x4096xf32, #tpu.memory_space<hbm>>
      %dma_start3A_1952 = tpu.memref_squeeze %dma_start3A_1951 : memref<1x1x8x4096xf32, #tpu.memory_space<hbm>> -> memref<8x4096xf32, #tpu.memory_space<hbm>>
      %dma_start3A_1953 = arith.constant 0 : i32
      %dma_start3A_1954 = tpu.memref_slice %arg4[%dma_start3A_1953, %multiple_of3A] : memref<8x8064xf32, #tpu.memory_space<vmem>> -> memref<8x4096xf32, #tpu.memory_space<vmem>>
      tpu.enqueue_dma source(%dma_start3A_1954 : memref<8x4096xf32, #tpu.memory_space<vmem>>) target(%dma_start3A_1952 : memref<8x4096xf32, #tpu.memory_space<hbm>>) target_semaphore(%arg6 : memref<!tpu.dma_semaphore, #tpu.memory_space<semaphore_mem>>)
      %ge3A = arith.constant 8 : i32
      %ge3A_1955 = arith.cmpi sge, %scan3A_1932, %ge3A : i32
      %convert_element_type3A = arith.extui %ge3A_1955 : i1 to i32
      %cond3A = arith.constant 0 : i32
      %cond3A_1956 = arith.cmpi ne, %convert_element_type3A, %cond3A : i32
      scf.if %cond3A_1956 {
        %dma_wait3A_1958 = arith.constant 0 : i32
        %dma_wait3A_1959 = arith.constant 0 : i32
        %dma_wait3A_1960 = tpu.memref_slice %arg4[%dma_wait3A_1958, %dma_wait3A_1959] : memref<8x8064xf32, #tpu.memory_space<vmem>> -> memref<8x4096xf32, #tpu.memory_space<vmem>>
        %dma_wait3A_1961 = arith.constant 0 : i32
        %dma_wait3A_1962 = arith.constant 0 : i32
        %dma_wait3A_1963 = tpu.memref_slice %arg3[%scan3A_632, %scan3A_633, %dma_wait3A_1961, %dma_wait3A_1962] : memref<1x16x4096x4096xf32, #tpu.memory_space<hbm>> -> memref<1x1x8x4096xf32, #tpu.memory_space<hbm>>
        %dma_wait3A_1964 = tpu.memref_squeeze %dma_wait3A_1963 : memref<1x1x8x4096xf32, #tpu.memory_space<hbm>> -> memref<8x4096xf32, #tpu.memory_space<hbm>>
        %dma_wait3A_1965 = arith.constant 0 : i32
        %dma_wait3A_1966 = arith.constant 0 : i32
        %dma_wait3A_1967 = tpu.memref_slice %arg3[%scan3A_632, %scan3A_633, %dma_wait3A_1965, %dma_wait3A_1966] : memref<1x16x4096x4096xf32, #tpu.memory_space<hbm>> -> memref<1x1x8x4096xf32, #tpu.memory_space<hbm>>
        %dma_wait3A_1968 = tpu.memref_squeeze %dma_wait3A_1967 : memref<1x1x8x4096xf32, #tpu.memory_space<hbm>> -> memref<8x4096xf32, #tpu.memory_space<hbm>>
        %dma_wait3A_1969 = arith.constant 0 : i32
        %dma_wait3A_1970 = arith.constant 0 : i32
        %dma_wait3A_1971 = tpu.memref_slice %arg4[%dma_wait3A_1969, %dma_wait3A_1970] : memref<8x8064xf32, #tpu.memory_space<vmem>> -> memref<8x4096xf32, #tpu.memory_space<vmem>>
        tpu.wait_dma2 semaphore(%arg6 : memref<!tpu.dma_semaphore, #tpu.memory_space<semaphore_mem>>) src(%dma_wait3A_1971 : memref<8x4096xf32, #tpu.memory_space<vmem>>) dst(%dma_wait3A_1968 : memref<8x4096xf32, #tpu.memory_space<hbm>>)
      } else {
      }
      %scan3A_1957 = arith.constant 0 : i32
      scf.yield %scan3A_1957 : i32
    }
    %scan3A_640 = arith.constant 32 : i32
    %mul3A_641 = arith.constant 8 : i32
    %mul3A_642 = arith.muli %add3A, %mul3A_641 : i32
    %add3A_643 = arith.constant 3 : i32
    %add3A_644 = arith.addi %mul3A_642, %add3A_643 : i32
    %jit3A_645 = arith.constant 16 : i32
    %div3A_646 = arith.divsi %add3A_644, %jit3A_645 : i32
    %sign3A_647 = arith.constant 0 : i32
    %sign3A_648 = arith.cmpi sgt, %add3A_644, %sign3A_647 : i32
    %sign3A_649 = arith.extui %sign3A_648 : i1 to i32
    %sign3A_650 = arith.constant 0 : i32
    %sign3A_651 = arith.cmpi slt, %add3A_644, %sign3A_650 : i32
    %sign3A_652 = arith.extui %sign3A_651 : i1 to i32
    %sign3A_653 = arith.subi %sign3A_649, %sign3A_652 : i32
    %sign3A_654 = arith.constant 0 : i32
    %sign3A_655 = arith.cmpi sgt, %jit3A_645, %sign3A_654 : i32
    %sign3A_656 = arith.extui %sign3A_655 : i1 to i32
    %sign3A_657 = arith.constant 0 : i32
    %sign3A_658 = arith.cmpi slt, %jit3A_645, %sign3A_657 : i32
    %sign3A_659 = arith.extui %sign3A_658 : i1 to i32
    %sign3A_660 = arith.subi %sign3A_656, %sign3A_659 : i32
    %ne3A_661 = arith.cmpi ne, %sign3A_653, %sign3A_660 : i32
    %rem3A_662 = arith.remsi %add3A_644, %jit3A_645 : i32
    %ne3A_663 = arith.constant 0 : i32
    %ne3A_664 = arith.cmpi ne, %rem3A_662, %ne3A_663 : i32
    %and3A_665 = arith.andi %ne3A_661, %ne3A_664 : i1
    %sub3A_666 = arith.constant 1 : i32
    %sub3A_667 = arith.subi %div3A_646, %sub3A_666 : i32
    %select_n3A_668 = arith.select %and3A_665, %sub3A_667, %div3A_646 : i32
    %jit3A_669 = arith.constant 16 : i32
    %eq3A_670 = arith.constant 0 : i32
    %eq3A_671 = arith.cmpi eq, %jit3A_669, %eq3A_670 : i32
    %jit3A_672 = arith.constant 1 : i32
    %select_n3A_673 = arith.select %eq3A_671, %jit3A_672, %jit3A_669 : i32
    %rem3A_674 = arith.remsi %add3A_644, %select_n3A_673 : i32
    %ne3A_675 = arith.constant 0 : i32
    %ne3A_676 = arith.cmpi ne, %rem3A_674, %ne3A_675 : i32
    %lt3A_677 = arith.constant 0 : i32
    %lt3A_678 = arith.cmpi slt, %rem3A_674, %lt3A_677 : i32
    %lt3A_679 = arith.constant 0 : i32
    %lt3A_680 = arith.cmpi slt, %select_n3A_673, %lt3A_679 : i32
    %ne3A_681 = arith.xori %lt3A_678, %lt3A_680 : i1
    %and3A_682 = arith.andi %ne3A_681, %ne3A_676 : i1
    %add3A_683 = arith.addi %rem3A_674, %select_n3A_673 : i32
    %select_n3A_684 = arith.select %and3A_682, %add3A_683, %rem3A_674 : i32
    %dma_wait3A_685 = arith.constant 0 : i32
    %dma_wait3A_686 = arith.constant 0 : i32
    %dma_wait3A_687 = arith.constant 0 : i32
    %dma_wait3A_688 = arith.constant 0 : i32
    %dma_wait3A_689 = tpu.memref_slice %arg4[%dma_wait3A_687, %dma_wait3A_688] : memref<8x8064xf32, #tpu.memory_space<vmem>> -> memref<8x4096xf32, #tpu.memory_space<vmem>>
    %dma_wait3A_690 = arith.constant 0 : i32
    %dma_wait3A_691 = arith.constant 0 : i32
    %dma_wait3A_692 = tpu.memref_slice %arg3[%dma_wait3A_685, %dma_wait3A_686, %dma_wait3A_690, %dma_wait3A_691] : memref<1x16x4096x4096xf32, #tpu.memory_space<hbm>> -> memref<1x1x8x4096xf32, #tpu.memory_space<hbm>>
    %dma_wait3A_693 = tpu.memref_squeeze %dma_wait3A_692 : memref<1x1x8x4096xf32, #tpu.memory_space<hbm>> -> memref<8x4096xf32, #tpu.memory_space<hbm>>
    %dma_wait3A_694 = arith.constant 0 : i32
    %dma_wait3A_695 = arith.constant 0 : i32
    %dma_wait3A_696 = tpu.memref_slice %arg3[%dma_wait3A_685, %dma_wait3A_686, %dma_wait3A_694, %dma_wait3A_695] : memref<1x16x4096x4096xf32, #tpu.memory_space<hbm>> -> memref<1x1x8x4096xf32, #tpu.memory_space<hbm>>
    %dma_wait3A_697 = tpu.memref_squeeze %dma_wait3A_696 : memref<1x1x8x4096xf32, #tpu.memory_space<hbm>> -> memref<8x4096xf32, #tpu.memory_space<hbm>>
    %dma_wait3A_698 = arith.constant 0 : i32
    %dma_wait3A_699 = arith.constant 0 : i32
    %dma_wait3A_700 = tpu.memref_slice %arg4[%dma_wait3A_698, %dma_wait3A_699] : memref<8x8064xf32, #tpu.memory_space<vmem>> -> memref<8x4096xf32, #tpu.memory_space<vmem>>
    tpu.wait_dma2 semaphore(%arg6 : memref<!tpu.dma_semaphore, #tpu.memory_space<semaphore_mem>>) src(%dma_wait3A_700 : memref<8x4096xf32, #tpu.memory_space<vmem>>) dst(%dma_wait3A_697 : memref<8x4096xf32, #tpu.memory_space<hbm>>)
    %dma_wait3A_701 = arith.constant 0 : i32
    %dma_wait3A_702 = arith.constant 0 : i32
    %dma_wait3A_703 = arith.constant 0 : i32
    %dma_wait3A_704 = arith.constant 0 : i32
    %dma_wait3A_705 = tpu.memref_slice %arg4[%dma_wait3A_703, %dma_wait3A_704] : memref<8x8064xf32, #tpu.memory_space<vmem>> -> memref<8x4096xf32, #tpu.memory_space<vmem>>
    %dma_wait3A_706 = arith.constant 0 : i32
    %dma_wait3A_707 = arith.constant 0 : i32
    %dma_wait3A_708 = tpu.memref_slice %arg3[%dma_wait3A_701, %dma_wait3A_702, %dma_wait3A_706, %dma_wait3A_707] : memref<1x16x4096x4096xf32, #tpu.memory_space<hbm>> -> memref<1x1x8x4096xf32, #tpu.memory_space<hbm>>
    %dma_wait3A_709 = tpu.memref_squeeze %dma_wait3A_708 : memref<1x1x8x4096xf32, #tpu.memory_space<hbm>> -> memref<8x4096xf32, #tpu.memory_space<hbm>>
    %dma_wait3A_710 = arith.constant 0 : i32
    %dma_wait3A_711 = arith.constant 0 : i32
    %dma_wait3A_712 = tpu.memref_slice %arg3[%dma_wait3A_701, %dma_wait3A_702, %dma_wait3A_710, %dma_wait3A_711] : memref<1x16x4096x4096xf32, #tpu.memory_space<hbm>> -> memref<1x1x8x4096xf32, #tpu.memory_space<hbm>>
    %dma_wait3A_713 = tpu.memref_squeeze %dma_wait3A_712 : memref<1x1x8x4096xf32, #tpu.memory_space<hbm>> -> memref<8x4096xf32, #tpu.memory_space<hbm>>
    %dma_wait3A_714 = arith.constant 0 : i32
    %dma_wait3A_715 = arith.constant 0 : i32
    %dma_wait3A_716 = tpu.memref_slice %arg4[%dma_wait3A_714, %dma_wait3A_715] : memref<8x8064xf32, #tpu.memory_space<vmem>> -> memref<8x4096xf32, #tpu.memory_space<vmem>>
    tpu.wait_dma2 semaphore(%arg6 : memref<!tpu.dma_semaphore, #tpu.memory_space<semaphore_mem>>) src(%dma_wait3A_716 : memref<8x4096xf32, #tpu.memory_space<vmem>>) dst(%dma_wait3A_713 : memref<8x4096xf32, #tpu.memory_space<hbm>>)
    %dma_wait3A_717 = arith.constant 0 : i32
    %dma_wait3A_718 = arith.constant 0 : i32
    %dma_wait3A_719 = arith.constant 0 : i32
    %dma_wait3A_720 = arith.constant 0 : i32
    %dma_wait3A_721 = tpu.memref_slice %arg4[%dma_wait3A_719, %dma_wait3A_720] : memref<8x8064xf32, #tpu.memory_space<vmem>> -> memref<8x4096xf32, #tpu.memory_space<vmem>>
    %dma_wait3A_722 = arith.constant 0 : i32
    %dma_wait3A_723 = arith.constant 0 : i32
    %dma_wait3A_724 = tpu.memref_slice %arg3[%dma_wait3A_717, %dma_wait3A_718, %dma_wait3A_722, %dma_wait3A_723] : memref<1x16x4096x4096xf32, #tpu.memory_space<hbm>> -> memref<1x1x8x4096xf32, #tpu.memory_space<hbm>>
    %dma_wait3A_725 = tpu.memref_squeeze %dma_wait3A_724 : memref<1x1x8x4096xf32, #tpu.memory_space<hbm>> -> memref<8x4096xf32, #tpu.memory_space<hbm>>
    %dma_wait3A_726 = arith.constant 0 : i32
    %dma_wait3A_727 = arith.constant 0 : i32
    %dma_wait3A_728 = tpu.memref_slice %arg3[%dma_wait3A_717, %dma_wait3A_718, %dma_wait3A_726, %dma_wait3A_727] : memref<1x16x4096x4096xf32, #tpu.memory_space<hbm>> -> memref<1x1x8x4096xf32, #tpu.memory_space<hbm>>
    %dma_wait3A_729 = tpu.memref_squeeze %dma_wait3A_728 : memref<1x1x8x4096xf32, #tpu.memory_space<hbm>> -> memref<8x4096xf32, #tpu.memory_space<hbm>>
    %dma_wait3A_730 = arith.constant 0 : i32
    %dma_wait3A_731 = arith.constant 0 : i32
    %dma_wait3A_732 = tpu.memref_slice %arg4[%dma_wait3A_730, %dma_wait3A_731] : memref<8x8064xf32, #tpu.memory_space<vmem>> -> memref<8x4096xf32, #tpu.memory_space<vmem>>
    tpu.wait_dma2 semaphore(%arg6 : memref<!tpu.dma_semaphore, #tpu.memory_space<semaphore_mem>>) src(%dma_wait3A_732 : memref<8x4096xf32, #tpu.memory_space<vmem>>) dst(%dma_wait3A_729 : memref<8x4096xf32, #tpu.memory_space<hbm>>)
    %dma_wait3A_733 = arith.constant 0 : i32
    %dma_wait3A_734 = arith.constant 0 : i32
    %dma_wait3A_735 = arith.constant 0 : i32
    %dma_wait3A_736 = arith.constant 0 : i32
    %dma_wait3A_737 = tpu.memref_slice %arg4[%dma_wait3A_735, %dma_wait3A_736] : memref<8x8064xf32, #tpu.memory_space<vmem>> -> memref<8x4096xf32, #tpu.memory_space<vmem>>
    %dma_wait3A_738 = arith.constant 0 : i32
    %dma_wait3A_739 = arith.constant 0 : i32
    %dma_wait3A_740 = tpu.memref_slice %arg3[%dma_wait3A_733, %dma_wait3A_734, %dma_wait3A_738, %dma_wait3A_739] : memref<1x16x4096x4096xf32, #tpu.memory_space<hbm>> -> memref<1x1x8x4096xf32, #tpu.memory_space<hbm>>
    %dma_wait3A_741 = tpu.memref_squeeze %dma_wait3A_740 : memref<1x1x8x4096xf32, #tpu.memory_space<hbm>> -> memref<8x4096xf32, #tpu.memory_space<hbm>>
    %dma_wait3A_742 = arith.constant 0 : i32
    %dma_wait3A_743 = arith.constant 0 : i32
    %dma_wait3A_744 = tpu.memref_slice %arg3[%dma_wait3A_733, %dma_wait3A_734, %dma_wait3A_742, %dma_wait3A_743] : memref<1x16x4096x4096xf32, #tpu.memory_space<hbm>> -> memref<1x1x8x4096xf32, #tpu.memory_space<hbm>>
    %dma_wait3A_745 = tpu.memref_squeeze %dma_wait3A_744 : memref<1x1x8x4096xf32, #tpu.memory_space<hbm>> -> memref<8x4096xf32, #tpu.memory_space<hbm>>
    %dma_wait3A_746 = arith.constant 0 : i32
    %dma_wait3A_747 = arith.constant 0 : i32
    %dma_wait3A_748 = tpu.memref_slice %arg4[%dma_wait3A_746, %dma_wait3A_747] : memref<8x8064xf32, #tpu.memory_space<vmem>> -> memref<8x4096xf32, #tpu.memory_space<vmem>>
    tpu.wait_dma2 semaphore(%arg6 : memref<!tpu.dma_semaphore, #tpu.memory_space<semaphore_mem>>) src(%dma_wait3A_748 : memref<8x4096xf32, #tpu.memory_space<vmem>>) dst(%dma_wait3A_745 : memref<8x4096xf32, #tpu.memory_space<hbm>>)
    %dma_wait3A_749 = arith.constant 0 : i32
    %dma_wait3A_750 = arith.constant 0 : i32
    %dma_wait3A_751 = arith.constant 0 : i32
    %dma_wait3A_752 = arith.constant 0 : i32
    %dma_wait3A_753 = tpu.memref_slice %arg4[%dma_wait3A_751, %dma_wait3A_752] : memref<8x8064xf32, #tpu.memory_space<vmem>> -> memref<8x4096xf32, #tpu.memory_space<vmem>>
    %dma_wait3A_754 = arith.constant 0 : i32
    %dma_wait3A_755 = arith.constant 0 : i32
    %dma_wait3A_756 = tpu.memref_slice %arg3[%dma_wait3A_749, %dma_wait3A_750, %dma_wait3A_754, %dma_wait3A_755] : memref<1x16x4096x4096xf32, #tpu.memory_space<hbm>> -> memref<1x1x8x4096xf32, #tpu.memory_space<hbm>>
    %dma_wait3A_757 = tpu.memref_squeeze %dma_wait3A_756 : memref<1x1x8x4096xf32, #tpu.memory_space<hbm>> -> memref<8x4096xf32, #tpu.memory_space<hbm>>
    %dma_wait3A_758 = arith.constant 0 : i32
    %dma_wait3A_759 = arith.constant 0 : i32
    %dma_wait3A_760 = tpu.memref_slice %arg3[%dma_wait3A_749, %dma_wait3A_750, %dma_wait3A_758, %dma_wait3A_759] : memref<1x16x4096x4096xf32, #tpu.memory_space<hbm>> -> memref<1x1x8x4096xf32, #tpu.memory_space<hbm>>
    %dma_wait3A_761 = tpu.memref_squeeze %dma_wait3A_760 : memref<1x1x8x4096xf32, #tpu.memory_space<hbm>> -> memref<8x4096xf32, #tpu.memory_space<hbm>>
    %dma_wait3A_762 = arith.constant 0 : i32
    %dma_wait3A_763 = arith.constant 0 : i32
    %dma_wait3A_764 = tpu.memref_slice %arg4[%dma_wait3A_762, %dma_wait3A_763] : memref<8x8064xf32, #tpu.memory_space<vmem>> -> memref<8x4096xf32, #tpu.memory_space<vmem>>
    tpu.wait_dma2 semaphore(%arg6 : memref<!tpu.dma_semaphore, #tpu.memory_space<semaphore_mem>>) src(%dma_wait3A_764 : memref<8x4096xf32, #tpu.memory_space<vmem>>) dst(%dma_wait3A_761 : memref<8x4096xf32, #tpu.memory_space<hbm>>)
    %dma_wait3A_765 = arith.constant 0 : i32
    %dma_wait3A_766 = arith.constant 0 : i32
    %dma_wait3A_767 = arith.constant 0 : i32
    %dma_wait3A_768 = arith.constant 0 : i32
    %dma_wait3A_769 = tpu.memref_slice %arg4[%dma_wait3A_767, %dma_wait3A_768] : memref<8x8064xf32, #tpu.memory_space<vmem>> -> memref<8x4096xf32, #tpu.memory_space<vmem>>
    %dma_wait3A_770 = arith.constant 0 : i32
    %dma_wait3A_771 = arith.constant 0 : i32
    %dma_wait3A_772 = tpu.memref_slice %arg3[%dma_wait3A_765, %dma_wait3A_766, %dma_wait3A_770, %dma_wait3A_771] : memref<1x16x4096x4096xf32, #tpu.memory_space<hbm>> -> memref<1x1x8x4096xf32, #tpu.memory_space<hbm>>
    %dma_wait3A_773 = tpu.memref_squeeze %dma_wait3A_772 : memref<1x1x8x4096xf32, #tpu.memory_space<hbm>> -> memref<8x4096xf32, #tpu.memory_space<hbm>>
    %dma_wait3A_774 = arith.constant 0 : i32
    %dma_wait3A_775 = arith.constant 0 : i32
    %dma_wait3A_776 = tpu.memref_slice %arg3[%dma_wait3A_765, %dma_wait3A_766, %dma_wait3A_774, %dma_wait3A_775] : memref<1x16x4096x4096xf32, #tpu.memory_space<hbm>> -> memref<1x1x8x4096xf32, #tpu.memory_space<hbm>>
    %dma_wait3A_777 = tpu.memref_squeeze %dma_wait3A_776 : memref<1x1x8x4096xf32, #tpu.memory_space<hbm>> -> memref<8x4096xf32, #tpu.memory_space<hbm>>
    %dma_wait3A_778 = arith.constant 0 : i32
    %dma_wait3A_779 = arith.constant 0 : i32
    %dma_wait3A_780 = tpu.memref_slice %arg4[%dma_wait3A_778, %dma_wait3A_779] : memref<8x8064xf32, #tpu.memory_space<vmem>> -> memref<8x4096xf32, #tpu.memory_space<vmem>>
    tpu.wait_dma2 semaphore(%arg6 : memref<!tpu.dma_semaphore, #tpu.memory_space<semaphore_mem>>) src(%dma_wait3A_780 : memref<8x4096xf32, #tpu.memory_space<vmem>>) dst(%dma_wait3A_777 : memref<8x4096xf32, #tpu.memory_space<hbm>>)
    %dma_wait3A_781 = arith.constant 0 : i32
    %dma_wait3A_782 = arith.constant 0 : i32
    %dma_wait3A_783 = arith.constant 0 : i32
    %dma_wait3A_784 = arith.constant 0 : i32
    %dma_wait3A_785 = tpu.memref_slice %arg4[%dma_wait3A_783, %dma_wait3A_784] : memref<8x8064xf32, #tpu.memory_space<vmem>> -> memref<8x4096xf32, #tpu.memory_space<vmem>>
    %dma_wait3A_786 = arith.constant 0 : i32
    %dma_wait3A_787 = arith.constant 0 : i32
    %dma_wait3A_788 = tpu.memref_slice %arg3[%dma_wait3A_781, %dma_wait3A_782, %dma_wait3A_786, %dma_wait3A_787] : memref<1x16x4096x4096xf32, #tpu.memory_space<hbm>> -> memref<1x1x8x4096xf32, #tpu.memory_space<hbm>>
    %dma_wait3A_789 = tpu.memref_squeeze %dma_wait3A_788 : memref<1x1x8x4096xf32, #tpu.memory_space<hbm>> -> memref<8x4096xf32, #tpu.memory_space<hbm>>
    %dma_wait3A_790 = arith.constant 0 : i32
    %dma_wait3A_791 = arith.constant 0 : i32
    %dma_wait3A_792 = tpu.memref_slice %arg3[%dma_wait3A_781, %dma_wait3A_782, %dma_wait3A_790, %dma_wait3A_791] : memref<1x16x4096x4096xf32, #tpu.memory_space<hbm>> -> memref<1x1x8x4096xf32, #tpu.memory_space<hbm>>
    %dma_wait3A_793 = tpu.memref_squeeze %dma_wait3A_792 : memref<1x1x8x4096xf32, #tpu.memory_space<hbm>> -> memref<8x4096xf32, #tpu.memory_space<hbm>>
    %dma_wait3A_794 = arith.constant 0 : i32
    %dma_wait3A_795 = arith.constant 0 : i32
    %dma_wait3A_796 = tpu.memref_slice %arg4[%dma_wait3A_794, %dma_wait3A_795] : memref<8x8064xf32, #tpu.memory_space<vmem>> -> memref<8x4096xf32, #tpu.memory_space<vmem>>
    tpu.wait_dma2 semaphore(%arg6 : memref<!tpu.dma_semaphore, #tpu.memory_space<semaphore_mem>>) src(%dma_wait3A_796 : memref<8x4096xf32, #tpu.memory_space<vmem>>) dst(%dma_wait3A_793 : memref<8x4096xf32, #tpu.memory_space<hbm>>)
    %dma_wait3A_797 = arith.constant 0 : i32
    %dma_wait3A_798 = arith.constant 0 : i32
    %dma_wait3A_799 = arith.constant 0 : i32
    %dma_wait3A_800 = arith.constant 0 : i32
    %dma_wait3A_801 = tpu.memref_slice %arg4[%dma_wait3A_799, %dma_wait3A_800] : memref<8x8064xf32, #tpu.memory_space<vmem>> -> memref<8x4096xf32, #tpu.memory_space<vmem>>
    %dma_wait3A_802 = arith.constant 0 : i32
    %dma_wait3A_803 = arith.constant 0 : i32
    %dma_wait3A_804 = tpu.memref_slice %arg3[%dma_wait3A_797, %dma_wait3A_798, %dma_wait3A_802, %dma_wait3A_803] : memref<1x16x4096x4096xf32, #tpu.memory_space<hbm>> -> memref<1x1x8x4096xf32, #tpu.memory_space<hbm>>
    %dma_wait3A_805 = tpu.memref_squeeze %dma_wait3A_804 : memref<1x1x8x4096xf32, #tpu.memory_space<hbm>> -> memref<8x4096xf32, #tpu.memory_space<hbm>>
    %dma_wait3A_806 = arith.constant 0 : i32
    %dma_wait3A_807 = arith.constant 0 : i32
    %dma_wait3A_808 = tpu.memref_slice %arg3[%dma_wait3A_797, %dma_wait3A_798, %dma_wait3A_806, %dma_wait3A_807] : memref<1x16x4096x4096xf32, #tpu.memory_space<hbm>> -> memref<1x1x8x4096xf32, #tpu.memory_space<hbm>>
    %dma_wait3A_809 = tpu.memref_squeeze %dma_wait3A_808 : memref<1x1x8x4096xf32, #tpu.memory_space<hbm>> -> memref<8x4096xf32, #tpu.memory_space<hbm>>
    %dma_wait3A_810 = arith.constant 0 : i32
    %dma_wait3A_811 = arith.constant 0 : i32
    %dma_wait3A_812 = tpu.memref_slice %arg4[%dma_wait3A_810, %dma_wait3A_811] : memref<8x8064xf32, #tpu.memory_space<vmem>> -> memref<8x4096xf32, #tpu.memory_space<vmem>>
    tpu.wait_dma2 semaphore(%arg6 : memref<!tpu.dma_semaphore, #tpu.memory_space<semaphore_mem>>) src(%dma_wait3A_812 : memref<8x4096xf32, #tpu.memory_space<vmem>>) dst(%dma_wait3A_809 : memref<8x4096xf32, #tpu.memory_space<hbm>>)
    %dma_wait3A_813 = arith.constant 0 : i32
    %dma_wait3A_814 = arith.constant 0 : i32
    %dma_wait3A_815 = arith.constant 0 : i32
    %dma_wait3A_816 = arith.constant 0 : i32
    %dma_wait3A_817 = tpu.memref_slice %arg2[%dma_wait3A_813, %dma_wait3A_814, %dma_wait3A_815, %dma_wait3A_816] : memref<16x16x8x8064xf32, #tpu.memory_space<hbm>> -> memref<1x1x8x8064xf32, #tpu.memory_space<hbm>>
    %dma_wait3A_818 = tpu.memref_squeeze %dma_wait3A_817 : memref<1x1x8x8064xf32, #tpu.memory_space<hbm>> -> memref<8x8064xf32, #tpu.memory_space<hbm>>
    %dma_wait3A_819 = arith.constant 0 : i32
    %dma_wait3A_820 = arith.constant 0 : i32
    %dma_wait3A_821 = tpu.memref_slice %arg2[%dma_wait3A_813, %dma_wait3A_814, %dma_wait3A_819, %dma_wait3A_820] : memref<16x16x8x8064xf32, #tpu.memory_space<hbm>> -> memref<1x1x8x8064xf32, #tpu.memory_space<hbm>>
    %dma_wait3A_822 = tpu.memref_squeeze %dma_wait3A_821 : memref<1x1x8x8064xf32, #tpu.memory_space<hbm>> -> memref<8x8064xf32, #tpu.memory_space<hbm>>
    tpu.wait_dma2 semaphore(%arg7 : memref<!tpu.dma_semaphore, #tpu.memory_space<semaphore_mem>>) src(%dma_wait3A_822 : memref<8x8064xf32, #tpu.memory_space<hbm>>) dst(%arg4 : memref<8x8064xf32, #tpu.memory_space<vmem>>)
    %mul3A_823 = arith.constant 8 : i32
    %mul3A_824 = arith.muli %add3A, %mul3A_823 : i32
    %add3A_825 = arith.constant 4 : i32
    %add3A_826 = arith.addi %mul3A_824, %add3A_825 : i32
    %jit3A_827 = arith.constant 16 : i32
    %div3A_828 = arith.divsi %add3A_826, %jit3A_827 : i32
    %sign3A_829 = arith.constant 0 : i32
    %sign3A_830 = arith.cmpi sgt, %add3A_826, %sign3A_829 : i32
    %sign3A_831 = arith.extui %sign3A_830 : i1 to i32
    %sign3A_832 = arith.constant 0 : i32
    %sign3A_833 = arith.cmpi slt, %add3A_826, %sign3A_832 : i32
    %sign3A_834 = arith.extui %sign3A_833 : i1 to i32
    %sign3A_835 = arith.subi %sign3A_831, %sign3A_834 : i32
    %sign3A_836 = arith.constant 0 : i32
    %sign3A_837 = arith.cmpi sgt, %jit3A_827, %sign3A_836 : i32
    %sign3A_838 = arith.extui %sign3A_837 : i1 to i32
    %sign3A_839 = arith.constant 0 : i32
    %sign3A_840 = arith.cmpi slt, %jit3A_827, %sign3A_839 : i32
    %sign3A_841 = arith.extui %sign3A_840 : i1 to i32
    %sign3A_842 = arith.subi %sign3A_838, %sign3A_841 : i32
    %ne3A_843 = arith.cmpi ne, %sign3A_835, %sign3A_842 : i32
    %rem3A_844 = arith.remsi %add3A_826, %jit3A_827 : i32
    %ne3A_845 = arith.constant 0 : i32
    %ne3A_846 = arith.cmpi ne, %rem3A_844, %ne3A_845 : i32
    %and3A_847 = arith.andi %ne3A_843, %ne3A_846 : i1
    %sub3A_848 = arith.constant 1 : i32
    %sub3A_849 = arith.subi %div3A_828, %sub3A_848 : i32
    %select_n3A_850 = arith.select %and3A_847, %sub3A_849, %div3A_828 : i32
    %jit3A_851 = arith.constant 16 : i32
    %eq3A_852 = arith.constant 0 : i32
    %eq3A_853 = arith.cmpi eq, %jit3A_851, %eq3A_852 : i32
    %jit3A_854 = arith.constant 1 : i32
    %select_n3A_855 = arith.select %eq3A_853, %jit3A_854, %jit3A_851 : i32
    %rem3A_856 = arith.remsi %add3A_826, %select_n3A_855 : i32
    %ne3A_857 = arith.constant 0 : i32
    %ne3A_858 = arith.cmpi ne, %rem3A_856, %ne3A_857 : i32
    %lt3A_859 = arith.constant 0 : i32
    %lt3A_860 = arith.cmpi slt, %rem3A_856, %lt3A_859 : i32
    %lt3A_861 = arith.constant 0 : i32
    %lt3A_862 = arith.cmpi slt, %select_n3A_855, %lt3A_861 : i32
    %ne3A_863 = arith.xori %lt3A_860, %lt3A_862 : i1
    %and3A_864 = arith.andi %ne3A_863, %ne3A_858 : i1
    %add3A_865 = arith.addi %rem3A_856, %select_n3A_855 : i32
    %select_n3A_866 = arith.select %and3A_864, %add3A_865, %rem3A_856 : i32
    %dma_start3A_867 = arith.constant 0 : i32
    %dma_start3A_868 = arith.constant 0 : i32
    %dma_start3A_869 = tpu.memref_slice %arg2[%select_n3A_850, %select_n3A_866, %dma_start3A_867, %dma_start3A_868] : memref<16x16x8x8064xf32, #tpu.memory_space<hbm>> -> memref<1x1x8x8064xf32, #tpu.memory_space<hbm>>
    %dma_start3A_870 = tpu.memref_squeeze %dma_start3A_869 : memref<1x1x8x8064xf32, #tpu.memory_space<hbm>> -> memref<8x8064xf32, #tpu.memory_space<hbm>>
    %dma_start3A_871 = arith.constant 0 : i32
    %dma_start3A_872 = arith.constant 0 : i32
    %dma_start3A_873 = tpu.memref_slice %arg2[%select_n3A_850, %select_n3A_866, %dma_start3A_871, %dma_start3A_872] : memref<16x16x8x8064xf32, #tpu.memory_space<hbm>> -> memref<1x1x8x8064xf32, #tpu.memory_space<hbm>>
    %dma_start3A_874 = tpu.memref_squeeze %dma_start3A_873 : memref<1x1x8x8064xf32, #tpu.memory_space<hbm>> -> memref<8x8064xf32, #tpu.memory_space<hbm>>
    tpu.enqueue_dma source(%dma_start3A_874 : memref<8x8064xf32, #tpu.memory_space<hbm>>) target(%arg4 : memref<8x8064xf32, #tpu.memory_space<vmem>>) target_semaphore(%arg7 : memref<!tpu.dma_semaphore, #tpu.memory_space<semaphore_mem>>)
    %scan3A_875 = arith.constant 0 : i32
    %scan3A_876 = arith.constant 0 : i32
    %scan3A_877 = arith.constant 0 : i32
    %scan3A_878 = arith.constant 0 : i32
    %scan3A_879 = arith.constant 32 : i32
    %scan3A_880 = arith.addi %scan3A_878, %scan3A_879 : i32
    %scan3A_881 = arith.constant 1 : i32
    %scan3A_882 = scf.for %scan3A_1932 = %scan3A_878 to %scan3A_880 step %scan3A_881 iter_args(%scan3A_1933 = %scan3A_877) -> (i32)  : i32 {
      %mul3A_1934 = arith.constant 128 : i32
      %mul3A_1935 = arith.muli %mul3A_1934, %scan3A_1932 : i32
      %sub3A_1936 = arith.constant 4088 : i32
      %sub3A_1937 = arith.subi %sub3A_1936, %mul3A_1935 : i32
      %mul3A_1938 = arith.constant 8 : i32
      %mul3A_1939 = arith.muli %mul3A_1938, %select_n3A_684 : i32
      %sub3A_1940 = arith.subi %sub3A_1937, %mul3A_1939 : i32
      %mul3A_1941 = arith.constant 128 : i32
      %mul3A_1942 = arith.muli %mul3A_1941, %scan3A_1932 : i32
      %multiple_of3A = tpu.assume_multiple %mul3A_1942, 128 : i32
      %multiple_of3A_1943 = tpu.assume_multiple %sub3A_1940, 8 : i32
      %dma_start3A_1944 = arith.constant 0 : i32
      %dma_start3A_1945 = arith.constant 0 : i32
      %dma_start3A_1946 = tpu.memref_slice %arg5[%dma_start3A_1945, %multiple_of3A] : memref<8x8064xf32, #tpu.memory_space<vmem>> -> memref<8x4096xf32, #tpu.memory_space<vmem>>
      %dma_start3A_1947 = arith.constant 0 : i32
      %dma_start3A_1948 = tpu.memref_slice %arg3[%dma_start3A_1944, %select_n3A_668, %multiple_of3A_1943, %dma_start3A_1947] : memref<1x16x4096x4096xf32, #tpu.memory_space<hbm>> -> memref<1x1x8x4096xf32, #tpu.memory_space<hbm>>
      %dma_start3A_1949 = tpu.memref_squeeze %dma_start3A_1948 : memref<1x1x8x4096xf32, #tpu.memory_space<hbm>> -> memref<8x4096xf32, #tpu.memory_space<hbm>>
      %dma_start3A_1950 = arith.constant 0 : i32
      %dma_start3A_1951 = tpu.memref_slice %arg3[%dma_start3A_1944, %select_n3A_668, %multiple_of3A_1943, %dma_start3A_1950] : memref<1x16x4096x4096xf32, #tpu.memory_space<hbm>> -> memref<1x1x8x4096xf32, #tpu.memory_space<hbm>>
      %dma_start3A_1952 = tpu.memref_squeeze %dma_start3A_1951 : memref<1x1x8x4096xf32, #tpu.memory_space<hbm>> -> memref<8x4096xf32, #tpu.memory_space<hbm>>
      %dma_start3A_1953 = arith.constant 0 : i32
      %dma_start3A_1954 = tpu.memref_slice %arg5[%dma_start3A_1953, %multiple_of3A] : memref<8x8064xf32, #tpu.memory_space<vmem>> -> memref<8x4096xf32, #tpu.memory_space<vmem>>
      tpu.enqueue_dma source(%dma_start3A_1954 : memref<8x4096xf32, #tpu.memory_space<vmem>>) target(%dma_start3A_1952 : memref<8x4096xf32, #tpu.memory_space<hbm>>) target_semaphore(%arg6 : memref<!tpu.dma_semaphore, #tpu.memory_space<semaphore_mem>>)
      %ge3A = arith.constant 8 : i32
      %ge3A_1955 = arith.cmpi sge, %scan3A_1932, %ge3A : i32
      %convert_element_type3A = arith.extui %ge3A_1955 : i1 to i32
      %cond3A = arith.constant 0 : i32
      %cond3A_1956 = arith.cmpi ne, %convert_element_type3A, %cond3A : i32
      scf.if %cond3A_1956 {
        %dma_wait3A_1958 = arith.constant 0 : i32
        %dma_wait3A_1959 = arith.constant 0 : i32
        %dma_wait3A_1960 = tpu.memref_slice %arg4[%dma_wait3A_1958, %dma_wait3A_1959] : memref<8x8064xf32, #tpu.memory_space<vmem>> -> memref<8x4096xf32, #tpu.memory_space<vmem>>
        %dma_wait3A_1961 = arith.constant 0 : i32
        %dma_wait3A_1962 = arith.constant 0 : i32
        %dma_wait3A_1963 = tpu.memref_slice %arg3[%scan3A_875, %scan3A_876, %dma_wait3A_1961, %dma_wait3A_1962] : memref<1x16x4096x4096xf32, #tpu.memory_space<hbm>> -> memref<1x1x8x4096xf32, #tpu.memory_space<hbm>>
        %dma_wait3A_1964 = tpu.memref_squeeze %dma_wait3A_1963 : memref<1x1x8x4096xf32, #tpu.memory_space<hbm>> -> memref<8x4096xf32, #tpu.memory_space<hbm>>
        %dma_wait3A_1965 = arith.constant 0 : i32
        %dma_wait3A_1966 = arith.constant 0 : i32
        %dma_wait3A_1967 = tpu.memref_slice %arg3[%scan3A_875, %scan3A_876, %dma_wait3A_1965, %dma_wait3A_1966] : memref<1x16x4096x4096xf32, #tpu.memory_space<hbm>> -> memref<1x1x8x4096xf32, #tpu.memory_space<hbm>>
        %dma_wait3A_1968 = tpu.memref_squeeze %dma_wait3A_1967 : memref<1x1x8x4096xf32, #tpu.memory_space<hbm>> -> memref<8x4096xf32, #tpu.memory_space<hbm>>
        %dma_wait3A_1969 = arith.constant 0 : i32
        %dma_wait3A_1970 = arith.constant 0 : i32
        %dma_wait3A_1971 = tpu.memref_slice %arg4[%dma_wait3A_1969, %dma_wait3A_1970] : memref<8x8064xf32, #tpu.memory_space<vmem>> -> memref<8x4096xf32, #tpu.memory_space<vmem>>
        tpu.wait_dma2 semaphore(%arg6 : memref<!tpu.dma_semaphore, #tpu.memory_space<semaphore_mem>>) src(%dma_wait3A_1971 : memref<8x4096xf32, #tpu.memory_space<vmem>>) dst(%dma_wait3A_1968 : memref<8x4096xf32, #tpu.memory_space<hbm>>)
      } else {
      }
      %scan3A_1957 = arith.constant 0 : i32
      scf.yield %scan3A_1957 : i32
    }
    %scan3A_883 = arith.constant 32 : i32
    %mul3A_884 = arith.constant 8 : i32
    %mul3A_885 = arith.muli %add3A, %mul3A_884 : i32
    %add3A_886 = arith.constant 4 : i32
    %add3A_887 = arith.addi %mul3A_885, %add3A_886 : i32
    %jit3A_888 = arith.constant 16 : i32
    %div3A_889 = arith.divsi %add3A_887, %jit3A_888 : i32
    %sign3A_890 = arith.constant 0 : i32
    %sign3A_891 = arith.cmpi sgt, %add3A_887, %sign3A_890 : i32
    %sign3A_892 = arith.extui %sign3A_891 : i1 to i32
    %sign3A_893 = arith.constant 0 : i32
    %sign3A_894 = arith.cmpi slt, %add3A_887, %sign3A_893 : i32
    %sign3A_895 = arith.extui %sign3A_894 : i1 to i32
    %sign3A_896 = arith.subi %sign3A_892, %sign3A_895 : i32
    %sign3A_897 = arith.constant 0 : i32
    %sign3A_898 = arith.cmpi sgt, %jit3A_888, %sign3A_897 : i32
    %sign3A_899 = arith.extui %sign3A_898 : i1 to i32
    %sign3A_900 = arith.constant 0 : i32
    %sign3A_901 = arith.cmpi slt, %jit3A_888, %sign3A_900 : i32
    %sign3A_902 = arith.extui %sign3A_901 : i1 to i32
    %sign3A_903 = arith.subi %sign3A_899, %sign3A_902 : i32
    %ne3A_904 = arith.cmpi ne, %sign3A_896, %sign3A_903 : i32
    %rem3A_905 = arith.remsi %add3A_887, %jit3A_888 : i32
    %ne3A_906 = arith.constant 0 : i32
    %ne3A_907 = arith.cmpi ne, %rem3A_905, %ne3A_906 : i32
    %and3A_908 = arith.andi %ne3A_904, %ne3A_907 : i1
    %sub3A_909 = arith.constant 1 : i32
    %sub3A_910 = arith.subi %div3A_889, %sub3A_909 : i32
    %select_n3A_911 = arith.select %and3A_908, %sub3A_910, %div3A_889 : i32
    %jit3A_912 = arith.constant 16 : i32
    %eq3A_913 = arith.constant 0 : i32
    %eq3A_914 = arith.cmpi eq, %jit3A_912, %eq3A_913 : i32
    %jit3A_915 = arith.constant 1 : i32
    %select_n3A_916 = arith.select %eq3A_914, %jit3A_915, %jit3A_912 : i32
    %rem3A_917 = arith.remsi %add3A_887, %select_n3A_916 : i32
    %ne3A_918 = arith.constant 0 : i32
    %ne3A_919 = arith.cmpi ne, %rem3A_917, %ne3A_918 : i32
    %lt3A_920 = arith.constant 0 : i32
    %lt3A_921 = arith.cmpi slt, %rem3A_917, %lt3A_920 : i32
    %lt3A_922 = arith.constant 0 : i32
    %lt3A_923 = arith.cmpi slt, %select_n3A_916, %lt3A_922 : i32
    %ne3A_924 = arith.xori %lt3A_921, %lt3A_923 : i1
    %and3A_925 = arith.andi %ne3A_924, %ne3A_919 : i1
    %add3A_926 = arith.addi %rem3A_917, %select_n3A_916 : i32
    %select_n3A_927 = arith.select %and3A_925, %add3A_926, %rem3A_917 : i32
    %dma_wait3A_928 = arith.constant 0 : i32
    %dma_wait3A_929 = arith.constant 0 : i32
    %dma_wait3A_930 = arith.constant 0 : i32
    %dma_wait3A_931 = arith.constant 0 : i32
    %dma_wait3A_932 = tpu.memref_slice %arg4[%dma_wait3A_930, %dma_wait3A_931] : memref<8x8064xf32, #tpu.memory_space<vmem>> -> memref<8x4096xf32, #tpu.memory_space<vmem>>
    %dma_wait3A_933 = arith.constant 0 : i32
    %dma_wait3A_934 = arith.constant 0 : i32
    %dma_wait3A_935 = tpu.memref_slice %arg3[%dma_wait3A_928, %dma_wait3A_929, %dma_wait3A_933, %dma_wait3A_934] : memref<1x16x4096x4096xf32, #tpu.memory_space<hbm>> -> memref<1x1x8x4096xf32, #tpu.memory_space<hbm>>
    %dma_wait3A_936 = tpu.memref_squeeze %dma_wait3A_935 : memref<1x1x8x4096xf32, #tpu.memory_space<hbm>> -> memref<8x4096xf32, #tpu.memory_space<hbm>>
    %dma_wait3A_937 = arith.constant 0 : i32
    %dma_wait3A_938 = arith.constant 0 : i32
    %dma_wait3A_939 = tpu.memref_slice %arg3[%dma_wait3A_928, %dma_wait3A_929, %dma_wait3A_937, %dma_wait3A_938] : memref<1x16x4096x4096xf32, #tpu.memory_space<hbm>> -> memref<1x1x8x4096xf32, #tpu.memory_space<hbm>>
    %dma_wait3A_940 = tpu.memref_squeeze %dma_wait3A_939 : memref<1x1x8x4096xf32, #tpu.memory_space<hbm>> -> memref<8x4096xf32, #tpu.memory_space<hbm>>
    %dma_wait3A_941 = arith.constant 0 : i32
    %dma_wait3A_942 = arith.constant 0 : i32
    %dma_wait3A_943 = tpu.memref_slice %arg4[%dma_wait3A_941, %dma_wait3A_942] : memref<8x8064xf32, #tpu.memory_space<vmem>> -> memref<8x4096xf32, #tpu.memory_space<vmem>>
    tpu.wait_dma2 semaphore(%arg6 : memref<!tpu.dma_semaphore, #tpu.memory_space<semaphore_mem>>) src(%dma_wait3A_943 : memref<8x4096xf32, #tpu.memory_space<vmem>>) dst(%dma_wait3A_940 : memref<8x4096xf32, #tpu.memory_space<hbm>>)
    %dma_wait3A_944 = arith.constant 0 : i32
    %dma_wait3A_945 = arith.constant 0 : i32
    %dma_wait3A_946 = arith.constant 0 : i32
    %dma_wait3A_947 = arith.constant 0 : i32
    %dma_wait3A_948 = tpu.memref_slice %arg4[%dma_wait3A_946, %dma_wait3A_947] : memref<8x8064xf32, #tpu.memory_space<vmem>> -> memref<8x4096xf32, #tpu.memory_space<vmem>>
    %dma_wait3A_949 = arith.constant 0 : i32
    %dma_wait3A_950 = arith.constant 0 : i32
    %dma_wait3A_951 = tpu.memref_slice %arg3[%dma_wait3A_944, %dma_wait3A_945, %dma_wait3A_949, %dma_wait3A_950] : memref<1x16x4096x4096xf32, #tpu.memory_space<hbm>> -> memref<1x1x8x4096xf32, #tpu.memory_space<hbm>>
    %dma_wait3A_952 = tpu.memref_squeeze %dma_wait3A_951 : memref<1x1x8x4096xf32, #tpu.memory_space<hbm>> -> memref<8x4096xf32, #tpu.memory_space<hbm>>
    %dma_wait3A_953 = arith.constant 0 : i32
    %dma_wait3A_954 = arith.constant 0 : i32
    %dma_wait3A_955 = tpu.memref_slice %arg3[%dma_wait3A_944, %dma_wait3A_945, %dma_wait3A_953, %dma_wait3A_954] : memref<1x16x4096x4096xf32, #tpu.memory_space<hbm>> -> memref<1x1x8x4096xf32, #tpu.memory_space<hbm>>
    %dma_wait3A_956 = tpu.memref_squeeze %dma_wait3A_955 : memref<1x1x8x4096xf32, #tpu.memory_space<hbm>> -> memref<8x4096xf32, #tpu.memory_space<hbm>>
    %dma_wait3A_957 = arith.constant 0 : i32
    %dma_wait3A_958 = arith.constant 0 : i32
    %dma_wait3A_959 = tpu.memref_slice %arg4[%dma_wait3A_957, %dma_wait3A_958] : memref<8x8064xf32, #tpu.memory_space<vmem>> -> memref<8x4096xf32, #tpu.memory_space<vmem>>
    tpu.wait_dma2 semaphore(%arg6 : memref<!tpu.dma_semaphore, #tpu.memory_space<semaphore_mem>>) src(%dma_wait3A_959 : memref<8x4096xf32, #tpu.memory_space<vmem>>) dst(%dma_wait3A_956 : memref<8x4096xf32, #tpu.memory_space<hbm>>)
    %dma_wait3A_960 = arith.constant 0 : i32
    %dma_wait3A_961 = arith.constant 0 : i32
    %dma_wait3A_962 = arith.constant 0 : i32
    %dma_wait3A_963 = arith.constant 0 : i32
    %dma_wait3A_964 = tpu.memref_slice %arg4[%dma_wait3A_962, %dma_wait3A_963] : memref<8x8064xf32, #tpu.memory_space<vmem>> -> memref<8x4096xf32, #tpu.memory_space<vmem>>
    %dma_wait3A_965 = arith.constant 0 : i32
    %dma_wait3A_966 = arith.constant 0 : i32
    %dma_wait3A_967 = tpu.memref_slice %arg3[%dma_wait3A_960, %dma_wait3A_961, %dma_wait3A_965, %dma_wait3A_966] : memref<1x16x4096x4096xf32, #tpu.memory_space<hbm>> -> memref<1x1x8x4096xf32, #tpu.memory_space<hbm>>
    %dma_wait3A_968 = tpu.memref_squeeze %dma_wait3A_967 : memref<1x1x8x4096xf32, #tpu.memory_space<hbm>> -> memref<8x4096xf32, #tpu.memory_space<hbm>>
    %dma_wait3A_969 = arith.constant 0 : i32
    %dma_wait3A_970 = arith.constant 0 : i32
    %dma_wait3A_971 = tpu.memref_slice %arg3[%dma_wait3A_960, %dma_wait3A_961, %dma_wait3A_969, %dma_wait3A_970] : memref<1x16x4096x4096xf32, #tpu.memory_space<hbm>> -> memref<1x1x8x4096xf32, #tpu.memory_space<hbm>>
    %dma_wait3A_972 = tpu.memref_squeeze %dma_wait3A_971 : memref<1x1x8x4096xf32, #tpu.memory_space<hbm>> -> memref<8x4096xf32, #tpu.memory_space<hbm>>
    %dma_wait3A_973 = arith.constant 0 : i32
    %dma_wait3A_974 = arith.constant 0 : i32
    %dma_wait3A_975 = tpu.memref_slice %arg4[%dma_wait3A_973, %dma_wait3A_974] : memref<8x8064xf32, #tpu.memory_space<vmem>> -> memref<8x4096xf32, #tpu.memory_space<vmem>>
    tpu.wait_dma2 semaphore(%arg6 : memref<!tpu.dma_semaphore, #tpu.memory_space<semaphore_mem>>) src(%dma_wait3A_975 : memref<8x4096xf32, #tpu.memory_space<vmem>>) dst(%dma_wait3A_972 : memref<8x4096xf32, #tpu.memory_space<hbm>>)
    %dma_wait3A_976 = arith.constant 0 : i32
    %dma_wait3A_977 = arith.constant 0 : i32
    %dma_wait3A_978 = arith.constant 0 : i32
    %dma_wait3A_979 = arith.constant 0 : i32
    %dma_wait3A_980 = tpu.memref_slice %arg4[%dma_wait3A_978, %dma_wait3A_979] : memref<8x8064xf32, #tpu.memory_space<vmem>> -> memref<8x4096xf32, #tpu.memory_space<vmem>>
    %dma_wait3A_981 = arith.constant 0 : i32
    %dma_wait3A_982 = arith.constant 0 : i32
    %dma_wait3A_983 = tpu.memref_slice %arg3[%dma_wait3A_976, %dma_wait3A_977, %dma_wait3A_981, %dma_wait3A_982] : memref<1x16x4096x4096xf32, #tpu.memory_space<hbm>> -> memref<1x1x8x4096xf32, #tpu.memory_space<hbm>>
    %dma_wait3A_984 = tpu.memref_squeeze %dma_wait3A_983 : memref<1x1x8x4096xf32, #tpu.memory_space<hbm>> -> memref<8x4096xf32, #tpu.memory_space<hbm>>
    %dma_wait3A_985 = arith.constant 0 : i32
    %dma_wait3A_986 = arith.constant 0 : i32
    %dma_wait3A_987 = tpu.memref_slice %arg3[%dma_wait3A_976, %dma_wait3A_977, %dma_wait3A_985, %dma_wait3A_986] : memref<1x16x4096x4096xf32, #tpu.memory_space<hbm>> -> memref<1x1x8x4096xf32, #tpu.memory_space<hbm>>
    %dma_wait3A_988 = tpu.memref_squeeze %dma_wait3A_987 : memref<1x1x8x4096xf32, #tpu.memory_space<hbm>> -> memref<8x4096xf32, #tpu.memory_space<hbm>>
    %dma_wait3A_989 = arith.constant 0 : i32
    %dma_wait3A_990 = arith.constant 0 : i32
    %dma_wait3A_991 = tpu.memref_slice %arg4[%dma_wait3A_989, %dma_wait3A_990] : memref<8x8064xf32, #tpu.memory_space<vmem>> -> memref<8x4096xf32, #tpu.memory_space<vmem>>
    tpu.wait_dma2 semaphore(%arg6 : memref<!tpu.dma_semaphore, #tpu.memory_space<semaphore_mem>>) src(%dma_wait3A_991 : memref<8x4096xf32, #tpu.memory_space<vmem>>) dst(%dma_wait3A_988 : memref<8x4096xf32, #tpu.memory_space<hbm>>)
    %dma_wait3A_992 = arith.constant 0 : i32
    %dma_wait3A_993 = arith.constant 0 : i32
    %dma_wait3A_994 = arith.constant 0 : i32
    %dma_wait3A_995 = arith.constant 0 : i32
    %dma_wait3A_996 = tpu.memref_slice %arg4[%dma_wait3A_994, %dma_wait3A_995] : memref<8x8064xf32, #tpu.memory_space<vmem>> -> memref<8x4096xf32, #tpu.memory_space<vmem>>
    %dma_wait3A_997 = arith.constant 0 : i32
    %dma_wait3A_998 = arith.constant 0 : i32
    %dma_wait3A_999 = tpu.memref_slice %arg3[%dma_wait3A_992, %dma_wait3A_993, %dma_wait3A_997, %dma_wait3A_998] : memref<1x16x4096x4096xf32, #tpu.memory_space<hbm>> -> memref<1x1x8x4096xf32, #tpu.memory_space<hbm>>
    %dma_wait3A_1000 = tpu.memref_squeeze %dma_wait3A_999 : memref<1x1x8x4096xf32, #tpu.memory_space<hbm>> -> memref<8x4096xf32, #tpu.memory_space<hbm>>
    %dma_wait3A_1001 = arith.constant 0 : i32
    %dma_wait3A_1002 = arith.constant 0 : i32
    %dma_wait3A_1003 = tpu.memref_slice %arg3[%dma_wait3A_992, %dma_wait3A_993, %dma_wait3A_1001, %dma_wait3A_1002] : memref<1x16x4096x4096xf32, #tpu.memory_space<hbm>> -> memref<1x1x8x4096xf32, #tpu.memory_space<hbm>>
    %dma_wait3A_1004 = tpu.memref_squeeze %dma_wait3A_1003 : memref<1x1x8x4096xf32, #tpu.memory_space<hbm>> -> memref<8x4096xf32, #tpu.memory_space<hbm>>
    %dma_wait3A_1005 = arith.constant 0 : i32
    %dma_wait3A_1006 = arith.constant 0 : i32
    %dma_wait3A_1007 = tpu.memref_slice %arg4[%dma_wait3A_1005, %dma_wait3A_1006] : memref<8x8064xf32, #tpu.memory_space<vmem>> -> memref<8x4096xf32, #tpu.memory_space<vmem>>
    tpu.wait_dma2 semaphore(%arg6 : memref<!tpu.dma_semaphore, #tpu.memory_space<semaphore_mem>>) src(%dma_wait3A_1007 : memref<8x4096xf32, #tpu.memory_space<vmem>>) dst(%dma_wait3A_1004 : memref<8x4096xf32, #tpu.memory_space<hbm>>)
    %dma_wait3A_1008 = arith.constant 0 : i32
    %dma_wait3A_1009 = arith.constant 0 : i32
    %dma_wait3A_1010 = arith.constant 0 : i32
    %dma_wait3A_1011 = arith.constant 0 : i32
    %dma_wait3A_1012 = tpu.memref_slice %arg4[%dma_wait3A_1010, %dma_wait3A_1011] : memref<8x8064xf32, #tpu.memory_space<vmem>> -> memref<8x4096xf32, #tpu.memory_space<vmem>>
    %dma_wait3A_1013 = arith.constant 0 : i32
    %dma_wait3A_1014 = arith.constant 0 : i32
    %dma_wait3A_1015 = tpu.memref_slice %arg3[%dma_wait3A_1008, %dma_wait3A_1009, %dma_wait3A_1013, %dma_wait3A_1014] : memref<1x16x4096x4096xf32, #tpu.memory_space<hbm>> -> memref<1x1x8x4096xf32, #tpu.memory_space<hbm>>
    %dma_wait3A_1016 = tpu.memref_squeeze %dma_wait3A_1015 : memref<1x1x8x4096xf32, #tpu.memory_space<hbm>> -> memref<8x4096xf32, #tpu.memory_space<hbm>>
    %dma_wait3A_1017 = arith.constant 0 : i32
    %dma_wait3A_1018 = arith.constant 0 : i32
    %dma_wait3A_1019 = tpu.memref_slice %arg3[%dma_wait3A_1008, %dma_wait3A_1009, %dma_wait3A_1017, %dma_wait3A_1018] : memref<1x16x4096x4096xf32, #tpu.memory_space<hbm>> -> memref<1x1x8x4096xf32, #tpu.memory_space<hbm>>
    %dma_wait3A_1020 = tpu.memref_squeeze %dma_wait3A_1019 : memref<1x1x8x4096xf32, #tpu.memory_space<hbm>> -> memref<8x4096xf32, #tpu.memory_space<hbm>>
    %dma_wait3A_1021 = arith.constant 0 : i32
    %dma_wait3A_1022 = arith.constant 0 : i32
    %dma_wait3A_1023 = tpu.memref_slice %arg4[%dma_wait3A_1021, %dma_wait3A_1022] : memref<8x8064xf32, #tpu.memory_space<vmem>> -> memref<8x4096xf32, #tpu.memory_space<vmem>>
    tpu.wait_dma2 semaphore(%arg6 : memref<!tpu.dma_semaphore, #tpu.memory_space<semaphore_mem>>) src(%dma_wait3A_1023 : memref<8x4096xf32, #tpu.memory_space<vmem>>) dst(%dma_wait3A_1020 : memref<8x4096xf32, #tpu.memory_space<hbm>>)
    %dma_wait3A_1024 = arith.constant 0 : i32
    %dma_wait3A_1025 = arith.constant 0 : i32
    %dma_wait3A_1026 = arith.constant 0 : i32
    %dma_wait3A_1027 = arith.constant 0 : i32
    %dma_wait3A_1028 = tpu.memref_slice %arg4[%dma_wait3A_1026, %dma_wait3A_1027] : memref<8x8064xf32, #tpu.memory_space<vmem>> -> memref<8x4096xf32, #tpu.memory_space<vmem>>
    %dma_wait3A_1029 = arith.constant 0 : i32
    %dma_wait3A_1030 = arith.constant 0 : i32
    %dma_wait3A_1031 = tpu.memref_slice %arg3[%dma_wait3A_1024, %dma_wait3A_1025, %dma_wait3A_1029, %dma_wait3A_1030] : memref<1x16x4096x4096xf32, #tpu.memory_space<hbm>> -> memref<1x1x8x4096xf32, #tpu.memory_space<hbm>>
    %dma_wait3A_1032 = tpu.memref_squeeze %dma_wait3A_1031 : memref<1x1x8x4096xf32, #tpu.memory_space<hbm>> -> memref<8x4096xf32, #tpu.memory_space<hbm>>
    %dma_wait3A_1033 = arith.constant 0 : i32
    %dma_wait3A_1034 = arith.constant 0 : i32
    %dma_wait3A_1035 = tpu.memref_slice %arg3[%dma_wait3A_1024, %dma_wait3A_1025, %dma_wait3A_1033, %dma_wait3A_1034] : memref<1x16x4096x4096xf32, #tpu.memory_space<hbm>> -> memref<1x1x8x4096xf32, #tpu.memory_space<hbm>>
    %dma_wait3A_1036 = tpu.memref_squeeze %dma_wait3A_1035 : memref<1x1x8x4096xf32, #tpu.memory_space<hbm>> -> memref<8x4096xf32, #tpu.memory_space<hbm>>
    %dma_wait3A_1037 = arith.constant 0 : i32
    %dma_wait3A_1038 = arith.constant 0 : i32
    %dma_wait3A_1039 = tpu.memref_slice %arg4[%dma_wait3A_1037, %dma_wait3A_1038] : memref<8x8064xf32, #tpu.memory_space<vmem>> -> memref<8x4096xf32, #tpu.memory_space<vmem>>
    tpu.wait_dma2 semaphore(%arg6 : memref<!tpu.dma_semaphore, #tpu.memory_space<semaphore_mem>>) src(%dma_wait3A_1039 : memref<8x4096xf32, #tpu.memory_space<vmem>>) dst(%dma_wait3A_1036 : memref<8x4096xf32, #tpu.memory_space<hbm>>)
    %dma_wait3A_1040 = arith.constant 0 : i32
    %dma_wait3A_1041 = arith.constant 0 : i32
    %dma_wait3A_1042 = arith.constant 0 : i32
    %dma_wait3A_1043 = arith.constant 0 : i32
    %dma_wait3A_1044 = tpu.memref_slice %arg4[%dma_wait3A_1042, %dma_wait3A_1043] : memref<8x8064xf32, #tpu.memory_space<vmem>> -> memref<8x4096xf32, #tpu.memory_space<vmem>>
    %dma_wait3A_1045 = arith.constant 0 : i32
    %dma_wait3A_1046 = arith.constant 0 : i32
    %dma_wait3A_1047 = tpu.memref_slice %arg3[%dma_wait3A_1040, %dma_wait3A_1041, %dma_wait3A_1045, %dma_wait3A_1046] : memref<1x16x4096x4096xf32, #tpu.memory_space<hbm>> -> memref<1x1x8x4096xf32, #tpu.memory_space<hbm>>
    %dma_wait3A_1048 = tpu.memref_squeeze %dma_wait3A_1047 : memref<1x1x8x4096xf32, #tpu.memory_space<hbm>> -> memref<8x4096xf32, #tpu.memory_space<hbm>>
    %dma_wait3A_1049 = arith.constant 0 : i32
    %dma_wait3A_1050 = arith.constant 0 : i32
    %dma_wait3A_1051 = tpu.memref_slice %arg3[%dma_wait3A_1040, %dma_wait3A_1041, %dma_wait3A_1049, %dma_wait3A_1050] : memref<1x16x4096x4096xf32, #tpu.memory_space<hbm>> -> memref<1x1x8x4096xf32, #tpu.memory_space<hbm>>
    %dma_wait3A_1052 = tpu.memref_squeeze %dma_wait3A_1051 : memref<1x1x8x4096xf32, #tpu.memory_space<hbm>> -> memref<8x4096xf32, #tpu.memory_space<hbm>>
    %dma_wait3A_1053 = arith.constant 0 : i32
    %dma_wait3A_1054 = arith.constant 0 : i32
    %dma_wait3A_1055 = tpu.memref_slice %arg4[%dma_wait3A_1053, %dma_wait3A_1054] : memref<8x8064xf32, #tpu.memory_space<vmem>> -> memref<8x4096xf32, #tpu.memory_space<vmem>>
    tpu.wait_dma2 semaphore(%arg6 : memref<!tpu.dma_semaphore, #tpu.memory_space<semaphore_mem>>) src(%dma_wait3A_1055 : memref<8x4096xf32, #tpu.memory_space<vmem>>) dst(%dma_wait3A_1052 : memref<8x4096xf32, #tpu.memory_space<hbm>>)
    %dma_wait3A_1056 = arith.constant 0 : i32
    %dma_wait3A_1057 = arith.constant 0 : i32
    %dma_wait3A_1058 = arith.constant 0 : i32
    %dma_wait3A_1059 = arith.constant 0 : i32
    %dma_wait3A_1060 = tpu.memref_slice %arg2[%dma_wait3A_1056, %dma_wait3A_1057, %dma_wait3A_1058, %dma_wait3A_1059] : memref<16x16x8x8064xf32, #tpu.memory_space<hbm>> -> memref<1x1x8x8064xf32, #tpu.memory_space<hbm>>
    %dma_wait3A_1061 = tpu.memref_squeeze %dma_wait3A_1060 : memref<1x1x8x8064xf32, #tpu.memory_space<hbm>> -> memref<8x8064xf32, #tpu.memory_space<hbm>>
    %dma_wait3A_1062 = arith.constant 0 : i32
    %dma_wait3A_1063 = arith.constant 0 : i32
    %dma_wait3A_1064 = tpu.memref_slice %arg2[%dma_wait3A_1056, %dma_wait3A_1057, %dma_wait3A_1062, %dma_wait3A_1063] : memref<16x16x8x8064xf32, #tpu.memory_space<hbm>> -> memref<1x1x8x8064xf32, #tpu.memory_space<hbm>>
    %dma_wait3A_1065 = tpu.memref_squeeze %dma_wait3A_1064 : memref<1x1x8x8064xf32, #tpu.memory_space<hbm>> -> memref<8x8064xf32, #tpu.memory_space<hbm>>
    tpu.wait_dma2 semaphore(%arg7 : memref<!tpu.dma_semaphore, #tpu.memory_space<semaphore_mem>>) src(%dma_wait3A_1065 : memref<8x8064xf32, #tpu.memory_space<hbm>>) dst(%arg4 : memref<8x8064xf32, #tpu.memory_space<vmem>>)
    %mul3A_1066 = arith.constant 8 : i32
    %mul3A_1067 = arith.muli %add3A, %mul3A_1066 : i32
    %add3A_1068 = arith.constant 5 : i32
    %add3A_1069 = arith.addi %mul3A_1067, %add3A_1068 : i32
    %jit3A_1070 = arith.constant 16 : i32
    %div3A_1071 = arith.divsi %add3A_1069, %jit3A_1070 : i32
    %sign3A_1072 = arith.constant 0 : i32
    %sign3A_1073 = arith.cmpi sgt, %add3A_1069, %sign3A_1072 : i32
    %sign3A_1074 = arith.extui %sign3A_1073 : i1 to i32
    %sign3A_1075 = arith.constant 0 : i32
    %sign3A_1076 = arith.cmpi slt, %add3A_1069, %sign3A_1075 : i32
    %sign3A_1077 = arith.extui %sign3A_1076 : i1 to i32
    %sign3A_1078 = arith.subi %sign3A_1074, %sign3A_1077 : i32
    %sign3A_1079 = arith.constant 0 : i32
    %sign3A_1080 = arith.cmpi sgt, %jit3A_1070, %sign3A_1079 : i32
    %sign3A_1081 = arith.extui %sign3A_1080 : i1 to i32
    %sign3A_1082 = arith.constant 0 : i32
    %sign3A_1083 = arith.cmpi slt, %jit3A_1070, %sign3A_1082 : i32
    %sign3A_1084 = arith.extui %sign3A_1083 : i1 to i32
    %sign3A_1085 = arith.subi %sign3A_1081, %sign3A_1084 : i32
    %ne3A_1086 = arith.cmpi ne, %sign3A_1078, %sign3A_1085 : i32
    %rem3A_1087 = arith.remsi %add3A_1069, %jit3A_1070 : i32
    %ne3A_1088 = arith.constant 0 : i32
    %ne3A_1089 = arith.cmpi ne, %rem3A_1087, %ne3A_1088 : i32
    %and3A_1090 = arith.andi %ne3A_1086, %ne3A_1089 : i1
    %sub3A_1091 = arith.constant 1 : i32
    %sub3A_1092 = arith.subi %div3A_1071, %sub3A_1091 : i32
    %select_n3A_1093 = arith.select %and3A_1090, %sub3A_1092, %div3A_1071 : i32
    %jit3A_1094 = arith.constant 16 : i32
    %eq3A_1095 = arith.constant 0 : i32
    %eq3A_1096 = arith.cmpi eq, %jit3A_1094, %eq3A_1095 : i32
    %jit3A_1097 = arith.constant 1 : i32
    %select_n3A_1098 = arith.select %eq3A_1096, %jit3A_1097, %jit3A_1094 : i32
    %rem3A_1099 = arith.remsi %add3A_1069, %select_n3A_1098 : i32
    %ne3A_1100 = arith.constant 0 : i32
    %ne3A_1101 = arith.cmpi ne, %rem3A_1099, %ne3A_1100 : i32
    %lt3A_1102 = arith.constant 0 : i32
    %lt3A_1103 = arith.cmpi slt, %rem3A_1099, %lt3A_1102 : i32
    %lt3A_1104 = arith.constant 0 : i32
    %lt3A_1105 = arith.cmpi slt, %select_n3A_1098, %lt3A_1104 : i32
    %ne3A_1106 = arith.xori %lt3A_1103, %lt3A_1105 : i1
    %and3A_1107 = arith.andi %ne3A_1106, %ne3A_1101 : i1
    %add3A_1108 = arith.addi %rem3A_1099, %select_n3A_1098 : i32
    %select_n3A_1109 = arith.select %and3A_1107, %add3A_1108, %rem3A_1099 : i32
    %dma_start3A_1110 = arith.constant 0 : i32
    %dma_start3A_1111 = arith.constant 0 : i32
    %dma_start3A_1112 = tpu.memref_slice %arg2[%select_n3A_1093, %select_n3A_1109, %dma_start3A_1110, %dma_start3A_1111] : memref<16x16x8x8064xf32, #tpu.memory_space<hbm>> -> memref<1x1x8x8064xf32, #tpu.memory_space<hbm>>
    %dma_start3A_1113 = tpu.memref_squeeze %dma_start3A_1112 : memref<1x1x8x8064xf32, #tpu.memory_space<hbm>> -> memref<8x8064xf32, #tpu.memory_space<hbm>>
    %dma_start3A_1114 = arith.constant 0 : i32
    %dma_start3A_1115 = arith.constant 0 : i32
    %dma_start3A_1116 = tpu.memref_slice %arg2[%select_n3A_1093, %select_n3A_1109, %dma_start3A_1114, %dma_start3A_1115] : memref<16x16x8x8064xf32, #tpu.memory_space<hbm>> -> memref<1x1x8x8064xf32, #tpu.memory_space<hbm>>
    %dma_start3A_1117 = tpu.memref_squeeze %dma_start3A_1116 : memref<1x1x8x8064xf32, #tpu.memory_space<hbm>> -> memref<8x8064xf32, #tpu.memory_space<hbm>>
    tpu.enqueue_dma source(%dma_start3A_1117 : memref<8x8064xf32, #tpu.memory_space<hbm>>) target(%arg5 : memref<8x8064xf32, #tpu.memory_space<vmem>>) target_semaphore(%arg7 : memref<!tpu.dma_semaphore, #tpu.memory_space<semaphore_mem>>)
    %scan3A_1118 = arith.constant 0 : i32
    %scan3A_1119 = arith.constant 0 : i32
    %scan3A_1120 = arith.constant 0 : i32
    %scan3A_1121 = arith.constant 0 : i32
    %scan3A_1122 = arith.constant 32 : i32
    %scan3A_1123 = arith.addi %scan3A_1121, %scan3A_1122 : i32
    %scan3A_1124 = arith.constant 1 : i32
    %scan3A_1125 = scf.for %scan3A_1932 = %scan3A_1121 to %scan3A_1123 step %scan3A_1124 iter_args(%scan3A_1933 = %scan3A_1120) -> (i32)  : i32 {
      %mul3A_1934 = arith.constant 128 : i32
      %mul3A_1935 = arith.muli %mul3A_1934, %scan3A_1932 : i32
      %sub3A_1936 = arith.constant 4088 : i32
      %sub3A_1937 = arith.subi %sub3A_1936, %mul3A_1935 : i32
      %mul3A_1938 = arith.constant 8 : i32
      %mul3A_1939 = arith.muli %mul3A_1938, %select_n3A_927 : i32
      %sub3A_1940 = arith.subi %sub3A_1937, %mul3A_1939 : i32
      %mul3A_1941 = arith.constant 128 : i32
      %mul3A_1942 = arith.muli %mul3A_1941, %scan3A_1932 : i32
      %multiple_of3A = tpu.assume_multiple %mul3A_1942, 128 : i32
      %multiple_of3A_1943 = tpu.assume_multiple %sub3A_1940, 8 : i32
      %dma_start3A_1944 = arith.constant 0 : i32
      %dma_start3A_1945 = arith.constant 0 : i32
      %dma_start3A_1946 = tpu.memref_slice %arg4[%dma_start3A_1945, %multiple_of3A] : memref<8x8064xf32, #tpu.memory_space<vmem>> -> memref<8x4096xf32, #tpu.memory_space<vmem>>
      %dma_start3A_1947 = arith.constant 0 : i32
      %dma_start3A_1948 = tpu.memref_slice %arg3[%dma_start3A_1944, %select_n3A_911, %multiple_of3A_1943, %dma_start3A_1947] : memref<1x16x4096x4096xf32, #tpu.memory_space<hbm>> -> memref<1x1x8x4096xf32, #tpu.memory_space<hbm>>
      %dma_start3A_1949 = tpu.memref_squeeze %dma_start3A_1948 : memref<1x1x8x4096xf32, #tpu.memory_space<hbm>> -> memref<8x4096xf32, #tpu.memory_space<hbm>>
      %dma_start3A_1950 = arith.constant 0 : i32
      %dma_start3A_1951 = tpu.memref_slice %arg3[%dma_start3A_1944, %select_n3A_911, %multiple_of3A_1943, %dma_start3A_1950] : memref<1x16x4096x4096xf32, #tpu.memory_space<hbm>> -> memref<1x1x8x4096xf32, #tpu.memory_space<hbm>>
      %dma_start3A_1952 = tpu.memref_squeeze %dma_start3A_1951 : memref<1x1x8x4096xf32, #tpu.memory_space<hbm>> -> memref<8x4096xf32, #tpu.memory_space<hbm>>
      %dma_start3A_1953 = arith.constant 0 : i32
      %dma_start3A_1954 = tpu.memref_slice %arg4[%dma_start3A_1953, %multiple_of3A] : memref<8x8064xf32, #tpu.memory_space<vmem>> -> memref<8x4096xf32, #tpu.memory_space<vmem>>
      tpu.enqueue_dma source(%dma_start3A_1954 : memref<8x4096xf32, #tpu.memory_space<vmem>>) target(%dma_start3A_1952 : memref<8x4096xf32, #tpu.memory_space<hbm>>) target_semaphore(%arg6 : memref<!tpu.dma_semaphore, #tpu.memory_space<semaphore_mem>>)
      %ge3A = arith.constant 8 : i32
      %ge3A_1955 = arith.cmpi sge, %scan3A_1932, %ge3A : i32
      %convert_element_type3A = arith.extui %ge3A_1955 : i1 to i32
      %cond3A = arith.constant 0 : i32
      %cond3A_1956 = arith.cmpi ne, %convert_element_type3A, %cond3A : i32
      scf.if %cond3A_1956 {
        %dma_wait3A_1958 = arith.constant 0 : i32
        %dma_wait3A_1959 = arith.constant 0 : i32
        %dma_wait3A_1960 = tpu.memref_slice %arg4[%dma_wait3A_1958, %dma_wait3A_1959] : memref<8x8064xf32, #tpu.memory_space<vmem>> -> memref<8x4096xf32, #tpu.memory_space<vmem>>
        %dma_wait3A_1961 = arith.constant 0 : i32
        %dma_wait3A_1962 = arith.constant 0 : i32
        %dma_wait3A_1963 = tpu.memref_slice %arg3[%scan3A_1118, %scan3A_1119, %dma_wait3A_1961, %dma_wait3A_1962] : memref<1x16x4096x4096xf32, #tpu.memory_space<hbm>> -> memref<1x1x8x4096xf32, #tpu.memory_space<hbm>>
        %dma_wait3A_1964 = tpu.memref_squeeze %dma_wait3A_1963 : memref<1x1x8x4096xf32, #tpu.memory_space<hbm>> -> memref<8x4096xf32, #tpu.memory_space<hbm>>
        %dma_wait3A_1965 = arith.constant 0 : i32
        %dma_wait3A_1966 = arith.constant 0 : i32
        %dma_wait3A_1967 = tpu.memref_slice %arg3[%scan3A_1118, %scan3A_1119, %dma_wait3A_1965, %dma_wait3A_1966] : memref<1x16x4096x4096xf32, #tpu.memory_space<hbm>> -> memref<1x1x8x4096xf32, #tpu.memory_space<hbm>>
        %dma_wait3A_1968 = tpu.memref_squeeze %dma_wait3A_1967 : memref<1x1x8x4096xf32, #tpu.memory_space<hbm>> -> memref<8x4096xf32, #tpu.memory_space<hbm>>
        %dma_wait3A_1969 = arith.constant 0 : i32
        %dma_wait3A_1970 = arith.constant 0 : i32
        %dma_wait3A_1971 = tpu.memref_slice %arg4[%dma_wait3A_1969, %dma_wait3A_1970] : memref<8x8064xf32, #tpu.memory_space<vmem>> -> memref<8x4096xf32, #tpu.memory_space<vmem>>
        tpu.wait_dma2 semaphore(%arg6 : memref<!tpu.dma_semaphore, #tpu.memory_space<semaphore_mem>>) src(%dma_wait3A_1971 : memref<8x4096xf32, #tpu.memory_space<vmem>>) dst(%dma_wait3A_1968 : memref<8x4096xf32, #tpu.memory_space<hbm>>)
      } else {
      }
      %scan3A_1957 = arith.constant 0 : i32
      scf.yield %scan3A_1957 : i32
    }
    %scan3A_1126 = arith.constant 32 : i32
    %mul3A_1127 = arith.constant 8 : i32
    %mul3A_1128 = arith.muli %add3A, %mul3A_1127 : i32
    %add3A_1129 = arith.constant 5 : i32
    %add3A_1130 = arith.addi %mul3A_1128, %add3A_1129 : i32
    %jit3A_1131 = arith.constant 16 : i32
    %div3A_1132 = arith.divsi %add3A_1130, %jit3A_1131 : i32
    %sign3A_1133 = arith.constant 0 : i32
    %sign3A_1134 = arith.cmpi sgt, %add3A_1130, %sign3A_1133 : i32
    %sign3A_1135 = arith.extui %sign3A_1134 : i1 to i32
    %sign3A_1136 = arith.constant 0 : i32
    %sign3A_1137 = arith.cmpi slt, %add3A_1130, %sign3A_1136 : i32
    %sign3A_1138 = arith.extui %sign3A_1137 : i1 to i32
    %sign3A_1139 = arith.subi %sign3A_1135, %sign3A_1138 : i32
    %sign3A_1140 = arith.constant 0 : i32
    %sign3A_1141 = arith.cmpi sgt, %jit3A_1131, %sign3A_1140 : i32
    %sign3A_1142 = arith.extui %sign3A_1141 : i1 to i32
    %sign3A_1143 = arith.constant 0 : i32
    %sign3A_1144 = arith.cmpi slt, %jit3A_1131, %sign3A_1143 : i32
    %sign3A_1145 = arith.extui %sign3A_1144 : i1 to i32
    %sign3A_1146 = arith.subi %sign3A_1142, %sign3A_1145 : i32
    %ne3A_1147 = arith.cmpi ne, %sign3A_1139, %sign3A_1146 : i32
    %rem3A_1148 = arith.remsi %add3A_1130, %jit3A_1131 : i32
    %ne3A_1149 = arith.constant 0 : i32
    %ne3A_1150 = arith.cmpi ne, %rem3A_1148, %ne3A_1149 : i32
    %and3A_1151 = arith.andi %ne3A_1147, %ne3A_1150 : i1
    %sub3A_1152 = arith.constant 1 : i32
    %sub3A_1153 = arith.subi %div3A_1132, %sub3A_1152 : i32
    %select_n3A_1154 = arith.select %and3A_1151, %sub3A_1153, %div3A_1132 : i32
    %jit3A_1155 = arith.constant 16 : i32
    %eq3A_1156 = arith.constant 0 : i32
    %eq3A_1157 = arith.cmpi eq, %jit3A_1155, %eq3A_1156 : i32
    %jit3A_1158 = arith.constant 1 : i32
    %select_n3A_1159 = arith.select %eq3A_1157, %jit3A_1158, %jit3A_1155 : i32
    %rem3A_1160 = arith.remsi %add3A_1130, %select_n3A_1159 : i32
    %ne3A_1161 = arith.constant 0 : i32
    %ne3A_1162 = arith.cmpi ne, %rem3A_1160, %ne3A_1161 : i32
    %lt3A_1163 = arith.constant 0 : i32
    %lt3A_1164 = arith.cmpi slt, %rem3A_1160, %lt3A_1163 : i32
    %lt3A_1165 = arith.constant 0 : i32
    %lt3A_1166 = arith.cmpi slt, %select_n3A_1159, %lt3A_1165 : i32
    %ne3A_1167 = arith.xori %lt3A_1164, %lt3A_1166 : i1
    %and3A_1168 = arith.andi %ne3A_1167, %ne3A_1162 : i1
    %add3A_1169 = arith.addi %rem3A_1160, %select_n3A_1159 : i32
    %select_n3A_1170 = arith.select %and3A_1168, %add3A_1169, %rem3A_1160 : i32
    %dma_wait3A_1171 = arith.constant 0 : i32
    %dma_wait3A_1172 = arith.constant 0 : i32
    %dma_wait3A_1173 = arith.constant 0 : i32
    %dma_wait3A_1174 = arith.constant 0 : i32
    %dma_wait3A_1175 = tpu.memref_slice %arg4[%dma_wait3A_1173, %dma_wait3A_1174] : memref<8x8064xf32, #tpu.memory_space<vmem>> -> memref<8x4096xf32, #tpu.memory_space<vmem>>
    %dma_wait3A_1176 = arith.constant 0 : i32
    %dma_wait3A_1177 = arith.constant 0 : i32
    %dma_wait3A_1178 = tpu.memref_slice %arg3[%dma_wait3A_1171, %dma_wait3A_1172, %dma_wait3A_1176, %dma_wait3A_1177] : memref<1x16x4096x4096xf32, #tpu.memory_space<hbm>> -> memref<1x1x8x4096xf32, #tpu.memory_space<hbm>>
    %dma_wait3A_1179 = tpu.memref_squeeze %dma_wait3A_1178 : memref<1x1x8x4096xf32, #tpu.memory_space<hbm>> -> memref<8x4096xf32, #tpu.memory_space<hbm>>
    %dma_wait3A_1180 = arith.constant 0 : i32
    %dma_wait3A_1181 = arith.constant 0 : i32
    %dma_wait3A_1182 = tpu.memref_slice %arg3[%dma_wait3A_1171, %dma_wait3A_1172, %dma_wait3A_1180, %dma_wait3A_1181] : memref<1x16x4096x4096xf32, #tpu.memory_space<hbm>> -> memref<1x1x8x4096xf32, #tpu.memory_space<hbm>>
    %dma_wait3A_1183 = tpu.memref_squeeze %dma_wait3A_1182 : memref<1x1x8x4096xf32, #tpu.memory_space<hbm>> -> memref<8x4096xf32, #tpu.memory_space<hbm>>
    %dma_wait3A_1184 = arith.constant 0 : i32
    %dma_wait3A_1185 = arith.constant 0 : i32
    %dma_wait3A_1186 = tpu.memref_slice %arg4[%dma_wait3A_1184, %dma_wait3A_1185] : memref<8x8064xf32, #tpu.memory_space<vmem>> -> memref<8x4096xf32, #tpu.memory_space<vmem>>
    tpu.wait_dma2 semaphore(%arg6 : memref<!tpu.dma_semaphore, #tpu.memory_space<semaphore_mem>>) src(%dma_wait3A_1186 : memref<8x4096xf32, #tpu.memory_space<vmem>>) dst(%dma_wait3A_1183 : memref<8x4096xf32, #tpu.memory_space<hbm>>)
    %dma_wait3A_1187 = arith.constant 0 : i32
    %dma_wait3A_1188 = arith.constant 0 : i32
    %dma_wait3A_1189 = arith.constant 0 : i32
    %dma_wait3A_1190 = arith.constant 0 : i32
    %dma_wait3A_1191 = tpu.memref_slice %arg4[%dma_wait3A_1189, %dma_wait3A_1190] : memref<8x8064xf32, #tpu.memory_space<vmem>> -> memref<8x4096xf32, #tpu.memory_space<vmem>>
    %dma_wait3A_1192 = arith.constant 0 : i32
    %dma_wait3A_1193 = arith.constant 0 : i32
    %dma_wait3A_1194 = tpu.memref_slice %arg3[%dma_wait3A_1187, %dma_wait3A_1188, %dma_wait3A_1192, %dma_wait3A_1193] : memref<1x16x4096x4096xf32, #tpu.memory_space<hbm>> -> memref<1x1x8x4096xf32, #tpu.memory_space<hbm>>
    %dma_wait3A_1195 = tpu.memref_squeeze %dma_wait3A_1194 : memref<1x1x8x4096xf32, #tpu.memory_space<hbm>> -> memref<8x4096xf32, #tpu.memory_space<hbm>>
    %dma_wait3A_1196 = arith.constant 0 : i32
    %dma_wait3A_1197 = arith.constant 0 : i32
    %dma_wait3A_1198 = tpu.memref_slice %arg3[%dma_wait3A_1187, %dma_wait3A_1188, %dma_wait3A_1196, %dma_wait3A_1197] : memref<1x16x4096x4096xf32, #tpu.memory_space<hbm>> -> memref<1x1x8x4096xf32, #tpu.memory_space<hbm>>
    %dma_wait3A_1199 = tpu.memref_squeeze %dma_wait3A_1198 : memref<1x1x8x4096xf32, #tpu.memory_space<hbm>> -> memref<8x4096xf32, #tpu.memory_space<hbm>>
    %dma_wait3A_1200 = arith.constant 0 : i32
    %dma_wait3A_1201 = arith.constant 0 : i32
    %dma_wait3A_1202 = tpu.memref_slice %arg4[%dma_wait3A_1200, %dma_wait3A_1201] : memref<8x8064xf32, #tpu.memory_space<vmem>> -> memref<8x4096xf32, #tpu.memory_space<vmem>>
    tpu.wait_dma2 semaphore(%arg6 : memref<!tpu.dma_semaphore, #tpu.memory_space<semaphore_mem>>) src(%dma_wait3A_1202 : memref<8x4096xf32, #tpu.memory_space<vmem>>) dst(%dma_wait3A_1199 : memref<8x4096xf32, #tpu.memory_space<hbm>>)
    %dma_wait3A_1203 = arith.constant 0 : i32
    %dma_wait3A_1204 = arith.constant 0 : i32
    %dma_wait3A_1205 = arith.constant 0 : i32
    %dma_wait3A_1206 = arith.constant 0 : i32
    %dma_wait3A_1207 = tpu.memref_slice %arg4[%dma_wait3A_1205, %dma_wait3A_1206] : memref<8x8064xf32, #tpu.memory_space<vmem>> -> memref<8x4096xf32, #tpu.memory_space<vmem>>
    %dma_wait3A_1208 = arith.constant 0 : i32
    %dma_wait3A_1209 = arith.constant 0 : i32
    %dma_wait3A_1210 = tpu.memref_slice %arg3[%dma_wait3A_1203, %dma_wait3A_1204, %dma_wait3A_1208, %dma_wait3A_1209] : memref<1x16x4096x4096xf32, #tpu.memory_space<hbm>> -> memref<1x1x8x4096xf32, #tpu.memory_space<hbm>>
    %dma_wait3A_1211 = tpu.memref_squeeze %dma_wait3A_1210 : memref<1x1x8x4096xf32, #tpu.memory_space<hbm>> -> memref<8x4096xf32, #tpu.memory_space<hbm>>
    %dma_wait3A_1212 = arith.constant 0 : i32
    %dma_wait3A_1213 = arith.constant 0 : i32
    %dma_wait3A_1214 = tpu.memref_slice %arg3[%dma_wait3A_1203, %dma_wait3A_1204, %dma_wait3A_1212, %dma_wait3A_1213] : memref<1x16x4096x4096xf32, #tpu.memory_space<hbm>> -> memref<1x1x8x4096xf32, #tpu.memory_space<hbm>>
    %dma_wait3A_1215 = tpu.memref_squeeze %dma_wait3A_1214 : memref<1x1x8x4096xf32, #tpu.memory_space<hbm>> -> memref<8x4096xf32, #tpu.memory_space<hbm>>
    %dma_wait3A_1216 = arith.constant 0 : i32
    %dma_wait3A_1217 = arith.constant 0 : i32
    %dma_wait3A_1218 = tpu.memref_slice %arg4[%dma_wait3A_1216, %dma_wait3A_1217] : memref<8x8064xf32, #tpu.memory_space<vmem>> -> memref<8x4096xf32, #tpu.memory_space<vmem>>
    tpu.wait_dma2 semaphore(%arg6 : memref<!tpu.dma_semaphore, #tpu.memory_space<semaphore_mem>>) src(%dma_wait3A_1218 : memref<8x4096xf32, #tpu.memory_space<vmem>>) dst(%dma_wait3A_1215 : memref<8x4096xf32, #tpu.memory_space<hbm>>)
    %dma_wait3A_1219 = arith.constant 0 : i32
    %dma_wait3A_1220 = arith.constant 0 : i32
    %dma_wait3A_1221 = arith.constant 0 : i32
    %dma_wait3A_1222 = arith.constant 0 : i32
    %dma_wait3A_1223 = tpu.memref_slice %arg4[%dma_wait3A_1221, %dma_wait3A_1222] : memref<8x8064xf32, #tpu.memory_space<vmem>> -> memref<8x4096xf32, #tpu.memory_space<vmem>>
    %dma_wait3A_1224 = arith.constant 0 : i32
    %dma_wait3A_1225 = arith.constant 0 : i32
    %dma_wait3A_1226 = tpu.memref_slice %arg3[%dma_wait3A_1219, %dma_wait3A_1220, %dma_wait3A_1224, %dma_wait3A_1225] : memref<1x16x4096x4096xf32, #tpu.memory_space<hbm>> -> memref<1x1x8x4096xf32, #tpu.memory_space<hbm>>
    %dma_wait3A_1227 = tpu.memref_squeeze %dma_wait3A_1226 : memref<1x1x8x4096xf32, #tpu.memory_space<hbm>> -> memref<8x4096xf32, #tpu.memory_space<hbm>>
    %dma_wait3A_1228 = arith.constant 0 : i32
    %dma_wait3A_1229 = arith.constant 0 : i32
    %dma_wait3A_1230 = tpu.memref_slice %arg3[%dma_wait3A_1219, %dma_wait3A_1220, %dma_wait3A_1228, %dma_wait3A_1229] : memref<1x16x4096x4096xf32, #tpu.memory_space<hbm>> -> memref<1x1x8x4096xf32, #tpu.memory_space<hbm>>
    %dma_wait3A_1231 = tpu.memref_squeeze %dma_wait3A_1230 : memref<1x1x8x4096xf32, #tpu.memory_space<hbm>> -> memref<8x4096xf32, #tpu.memory_space<hbm>>
    %dma_wait3A_1232 = arith.constant 0 : i32
    %dma_wait3A_1233 = arith.constant 0 : i32
    %dma_wait3A_1234 = tpu.memref_slice %arg4[%dma_wait3A_1232, %dma_wait3A_1233] : memref<8x8064xf32, #tpu.memory_space<vmem>> -> memref<8x4096xf32, #tpu.memory_space<vmem>>
    tpu.wait_dma2 semaphore(%arg6 : memref<!tpu.dma_semaphore, #tpu.memory_space<semaphore_mem>>) src(%dma_wait3A_1234 : memref<8x4096xf32, #tpu.memory_space<vmem>>) dst(%dma_wait3A_1231 : memref<8x4096xf32, #tpu.memory_space<hbm>>)
    %dma_wait3A_1235 = arith.constant 0 : i32
    %dma_wait3A_1236 = arith.constant 0 : i32
    %dma_wait3A_1237 = arith.constant 0 : i32
    %dma_wait3A_1238 = arith.constant 0 : i32
    %dma_wait3A_1239 = tpu.memref_slice %arg4[%dma_wait3A_1237, %dma_wait3A_1238] : memref<8x8064xf32, #tpu.memory_space<vmem>> -> memref<8x4096xf32, #tpu.memory_space<vmem>>
    %dma_wait3A_1240 = arith.constant 0 : i32
    %dma_wait3A_1241 = arith.constant 0 : i32
    %dma_wait3A_1242 = tpu.memref_slice %arg3[%dma_wait3A_1235, %dma_wait3A_1236, %dma_wait3A_1240, %dma_wait3A_1241] : memref<1x16x4096x4096xf32, #tpu.memory_space<hbm>> -> memref<1x1x8x4096xf32, #tpu.memory_space<hbm>>
    %dma_wait3A_1243 = tpu.memref_squeeze %dma_wait3A_1242 : memref<1x1x8x4096xf32, #tpu.memory_space<hbm>> -> memref<8x4096xf32, #tpu.memory_space<hbm>>
    %dma_wait3A_1244 = arith.constant 0 : i32
    %dma_wait3A_1245 = arith.constant 0 : i32
    %dma_wait3A_1246 = tpu.memref_slice %arg3[%dma_wait3A_1235, %dma_wait3A_1236, %dma_wait3A_1244, %dma_wait3A_1245] : memref<1x16x4096x4096xf32, #tpu.memory_space<hbm>> -> memref<1x1x8x4096xf32, #tpu.memory_space<hbm>>
    %dma_wait3A_1247 = tpu.memref_squeeze %dma_wait3A_1246 : memref<1x1x8x4096xf32, #tpu.memory_space<hbm>> -> memref<8x4096xf32, #tpu.memory_space<hbm>>
    %dma_wait3A_1248 = arith.constant 0 : i32
    %dma_wait3A_1249 = arith.constant 0 : i32
    %dma_wait3A_1250 = tpu.memref_slice %arg4[%dma_wait3A_1248, %dma_wait3A_1249] : memref<8x8064xf32, #tpu.memory_space<vmem>> -> memref<8x4096xf32, #tpu.memory_space<vmem>>
    tpu.wait_dma2 semaphore(%arg6 : memref<!tpu.dma_semaphore, #tpu.memory_space<semaphore_mem>>) src(%dma_wait3A_1250 : memref<8x4096xf32, #tpu.memory_space<vmem>>) dst(%dma_wait3A_1247 : memref<8x4096xf32, #tpu.memory_space<hbm>>)
    %dma_wait3A_1251 = arith.constant 0 : i32
    %dma_wait3A_1252 = arith.constant 0 : i32
    %dma_wait3A_1253 = arith.constant 0 : i32
    %dma_wait3A_1254 = arith.constant 0 : i32
    %dma_wait3A_1255 = tpu.memref_slice %arg4[%dma_wait3A_1253, %dma_wait3A_1254] : memref<8x8064xf32, #tpu.memory_space<vmem>> -> memref<8x4096xf32, #tpu.memory_space<vmem>>
    %dma_wait3A_1256 = arith.constant 0 : i32
    %dma_wait3A_1257 = arith.constant 0 : i32
    %dma_wait3A_1258 = tpu.memref_slice %arg3[%dma_wait3A_1251, %dma_wait3A_1252, %dma_wait3A_1256, %dma_wait3A_1257] : memref<1x16x4096x4096xf32, #tpu.memory_space<hbm>> -> memref<1x1x8x4096xf32, #tpu.memory_space<hbm>>
    %dma_wait3A_1259 = tpu.memref_squeeze %dma_wait3A_1258 : memref<1x1x8x4096xf32, #tpu.memory_space<hbm>> -> memref<8x4096xf32, #tpu.memory_space<hbm>>
    %dma_wait3A_1260 = arith.constant 0 : i32
    %dma_wait3A_1261 = arith.constant 0 : i32
    %dma_wait3A_1262 = tpu.memref_slice %arg3[%dma_wait3A_1251, %dma_wait3A_1252, %dma_wait3A_1260, %dma_wait3A_1261] : memref<1x16x4096x4096xf32, #tpu.memory_space<hbm>> -> memref<1x1x8x4096xf32, #tpu.memory_space<hbm>>
    %dma_wait3A_1263 = tpu.memref_squeeze %dma_wait3A_1262 : memref<1x1x8x4096xf32, #tpu.memory_space<hbm>> -> memref<8x4096xf32, #tpu.memory_space<hbm>>
    %dma_wait3A_1264 = arith.constant 0 : i32
    %dma_wait3A_1265 = arith.constant 0 : i32
    %dma_wait3A_1266 = tpu.memref_slice %arg4[%dma_wait3A_1264, %dma_wait3A_1265] : memref<8x8064xf32, #tpu.memory_space<vmem>> -> memref<8x4096xf32, #tpu.memory_space<vmem>>
    tpu.wait_dma2 semaphore(%arg6 : memref<!tpu.dma_semaphore, #tpu.memory_space<semaphore_mem>>) src(%dma_wait3A_1266 : memref<8x4096xf32, #tpu.memory_space<vmem>>) dst(%dma_wait3A_1263 : memref<8x4096xf32, #tpu.memory_space<hbm>>)
    %dma_wait3A_1267 = arith.constant 0 : i32
    %dma_wait3A_1268 = arith.constant 0 : i32
    %dma_wait3A_1269 = arith.constant 0 : i32
    %dma_wait3A_1270 = arith.constant 0 : i32
    %dma_wait3A_1271 = tpu.memref_slice %arg4[%dma_wait3A_1269, %dma_wait3A_1270] : memref<8x8064xf32, #tpu.memory_space<vmem>> -> memref<8x4096xf32, #tpu.memory_space<vmem>>
    %dma_wait3A_1272 = arith.constant 0 : i32
    %dma_wait3A_1273 = arith.constant 0 : i32
    %dma_wait3A_1274 = tpu.memref_slice %arg3[%dma_wait3A_1267, %dma_wait3A_1268, %dma_wait3A_1272, %dma_wait3A_1273] : memref<1x16x4096x4096xf32, #tpu.memory_space<hbm>> -> memref<1x1x8x4096xf32, #tpu.memory_space<hbm>>
    %dma_wait3A_1275 = tpu.memref_squeeze %dma_wait3A_1274 : memref<1x1x8x4096xf32, #tpu.memory_space<hbm>> -> memref<8x4096xf32, #tpu.memory_space<hbm>>
    %dma_wait3A_1276 = arith.constant 0 : i32
    %dma_wait3A_1277 = arith.constant 0 : i32
    %dma_wait3A_1278 = tpu.memref_slice %arg3[%dma_wait3A_1267, %dma_wait3A_1268, %dma_wait3A_1276, %dma_wait3A_1277] : memref<1x16x4096x4096xf32, #tpu.memory_space<hbm>> -> memref<1x1x8x4096xf32, #tpu.memory_space<hbm>>
    %dma_wait3A_1279 = tpu.memref_squeeze %dma_wait3A_1278 : memref<1x1x8x4096xf32, #tpu.memory_space<hbm>> -> memref<8x4096xf32, #tpu.memory_space<hbm>>
    %dma_wait3A_1280 = arith.constant 0 : i32
    %dma_wait3A_1281 = arith.constant 0 : i32
    %dma_wait3A_1282 = tpu.memref_slice %arg4[%dma_wait3A_1280, %dma_wait3A_1281] : memref<8x8064xf32, #tpu.memory_space<vmem>> -> memref<8x4096xf32, #tpu.memory_space<vmem>>
    tpu.wait_dma2 semaphore(%arg6 : memref<!tpu.dma_semaphore, #tpu.memory_space<semaphore_mem>>) src(%dma_wait3A_1282 : memref<8x4096xf32, #tpu.memory_space<vmem>>) dst(%dma_wait3A_1279 : memref<8x4096xf32, #tpu.memory_space<hbm>>)
    %dma_wait3A_1283 = arith.constant 0 : i32
    %dma_wait3A_1284 = arith.constant 0 : i32
    %dma_wait3A_1285 = arith.constant 0 : i32
    %dma_wait3A_1286 = arith.constant 0 : i32
    %dma_wait3A_1287 = tpu.memref_slice %arg4[%dma_wait3A_1285, %dma_wait3A_1286] : memref<8x8064xf32, #tpu.memory_space<vmem>> -> memref<8x4096xf32, #tpu.memory_space<vmem>>
    %dma_wait3A_1288 = arith.constant 0 : i32
    %dma_wait3A_1289 = arith.constant 0 : i32
    %dma_wait3A_1290 = tpu.memref_slice %arg3[%dma_wait3A_1283, %dma_wait3A_1284, %dma_wait3A_1288, %dma_wait3A_1289] : memref<1x16x4096x4096xf32, #tpu.memory_space<hbm>> -> memref<1x1x8x4096xf32, #tpu.memory_space<hbm>>
    %dma_wait3A_1291 = tpu.memref_squeeze %dma_wait3A_1290 : memref<1x1x8x4096xf32, #tpu.memory_space<hbm>> -> memref<8x4096xf32, #tpu.memory_space<hbm>>
    %dma_wait3A_1292 = arith.constant 0 : i32
    %dma_wait3A_1293 = arith.constant 0 : i32
    %dma_wait3A_1294 = tpu.memref_slice %arg3[%dma_wait3A_1283, %dma_wait3A_1284, %dma_wait3A_1292, %dma_wait3A_1293] : memref<1x16x4096x4096xf32, #tpu.memory_space<hbm>> -> memref<1x1x8x4096xf32, #tpu.memory_space<hbm>>
    %dma_wait3A_1295 = tpu.memref_squeeze %dma_wait3A_1294 : memref<1x1x8x4096xf32, #tpu.memory_space<hbm>> -> memref<8x4096xf32, #tpu.memory_space<hbm>>
    %dma_wait3A_1296 = arith.constant 0 : i32
    %dma_wait3A_1297 = arith.constant 0 : i32
    %dma_wait3A_1298 = tpu.memref_slice %arg4[%dma_wait3A_1296, %dma_wait3A_1297] : memref<8x8064xf32, #tpu.memory_space<vmem>> -> memref<8x4096xf32, #tpu.memory_space<vmem>>
    tpu.wait_dma2 semaphore(%arg6 : memref<!tpu.dma_semaphore, #tpu.memory_space<semaphore_mem>>) src(%dma_wait3A_1298 : memref<8x4096xf32, #tpu.memory_space<vmem>>) dst(%dma_wait3A_1295 : memref<8x4096xf32, #tpu.memory_space<hbm>>)
    %dma_wait3A_1299 = arith.constant 0 : i32
    %dma_wait3A_1300 = arith.constant 0 : i32
    %dma_wait3A_1301 = arith.constant 0 : i32
    %dma_wait3A_1302 = arith.constant 0 : i32
    %dma_wait3A_1303 = tpu.memref_slice %arg2[%dma_wait3A_1299, %dma_wait3A_1300, %dma_wait3A_1301, %dma_wait3A_1302] : memref<16x16x8x8064xf32, #tpu.memory_space<hbm>> -> memref<1x1x8x8064xf32, #tpu.memory_space<hbm>>
    %dma_wait3A_1304 = tpu.memref_squeeze %dma_wait3A_1303 : memref<1x1x8x8064xf32, #tpu.memory_space<hbm>> -> memref<8x8064xf32, #tpu.memory_space<hbm>>
    %dma_wait3A_1305 = arith.constant 0 : i32
    %dma_wait3A_1306 = arith.constant 0 : i32
    %dma_wait3A_1307 = tpu.memref_slice %arg2[%dma_wait3A_1299, %dma_wait3A_1300, %dma_wait3A_1305, %dma_wait3A_1306] : memref<16x16x8x8064xf32, #tpu.memory_space<hbm>> -> memref<1x1x8x8064xf32, #tpu.memory_space<hbm>>
    %dma_wait3A_1308 = tpu.memref_squeeze %dma_wait3A_1307 : memref<1x1x8x8064xf32, #tpu.memory_space<hbm>> -> memref<8x8064xf32, #tpu.memory_space<hbm>>
    tpu.wait_dma2 semaphore(%arg7 : memref<!tpu.dma_semaphore, #tpu.memory_space<semaphore_mem>>) src(%dma_wait3A_1308 : memref<8x8064xf32, #tpu.memory_space<hbm>>) dst(%arg4 : memref<8x8064xf32, #tpu.memory_space<vmem>>)
    %mul3A_1309 = arith.constant 8 : i32
    %mul3A_1310 = arith.muli %add3A, %mul3A_1309 : i32
    %add3A_1311 = arith.constant 6 : i32
    %add3A_1312 = arith.addi %mul3A_1310, %add3A_1311 : i32
    %jit3A_1313 = arith.constant 16 : i32
    %div3A_1314 = arith.divsi %add3A_1312, %jit3A_1313 : i32
    %sign3A_1315 = arith.constant 0 : i32
    %sign3A_1316 = arith.cmpi sgt, %add3A_1312, %sign3A_1315 : i32
    %sign3A_1317 = arith.extui %sign3A_1316 : i1 to i32
    %sign3A_1318 = arith.constant 0 : i32
    %sign3A_1319 = arith.cmpi slt, %add3A_1312, %sign3A_1318 : i32
    %sign3A_1320 = arith.extui %sign3A_1319 : i1 to i32
    %sign3A_1321 = arith.subi %sign3A_1317, %sign3A_1320 : i32
    %sign3A_1322 = arith.constant 0 : i32
    %sign3A_1323 = arith.cmpi sgt, %jit3A_1313, %sign3A_1322 : i32
    %sign3A_1324 = arith.extui %sign3A_1323 : i1 to i32
    %sign3A_1325 = arith.constant 0 : i32
    %sign3A_1326 = arith.cmpi slt, %jit3A_1313, %sign3A_1325 : i32
    %sign3A_1327 = arith.extui %sign3A_1326 : i1 to i32
    %sign3A_1328 = arith.subi %sign3A_1324, %sign3A_1327 : i32
    %ne3A_1329 = arith.cmpi ne, %sign3A_1321, %sign3A_1328 : i32
    %rem3A_1330 = arith.remsi %add3A_1312, %jit3A_1313 : i32
    %ne3A_1331 = arith.constant 0 : i32
    %ne3A_1332 = arith.cmpi ne, %rem3A_1330, %ne3A_1331 : i32
    %and3A_1333 = arith.andi %ne3A_1329, %ne3A_1332 : i1
    %sub3A_1334 = arith.constant 1 : i32
    %sub3A_1335 = arith.subi %div3A_1314, %sub3A_1334 : i32
    %select_n3A_1336 = arith.select %and3A_1333, %sub3A_1335, %div3A_1314 : i32
    %jit3A_1337 = arith.constant 16 : i32
    %eq3A_1338 = arith.constant 0 : i32
    %eq3A_1339 = arith.cmpi eq, %jit3A_1337, %eq3A_1338 : i32
    %jit3A_1340 = arith.constant 1 : i32
    %select_n3A_1341 = arith.select %eq3A_1339, %jit3A_1340, %jit3A_1337 : i32
    %rem3A_1342 = arith.remsi %add3A_1312, %select_n3A_1341 : i32
    %ne3A_1343 = arith.constant 0 : i32
    %ne3A_1344 = arith.cmpi ne, %rem3A_1342, %ne3A_1343 : i32
    %lt3A_1345 = arith.constant 0 : i32
    %lt3A_1346 = arith.cmpi slt, %rem3A_1342, %lt3A_1345 : i32
    %lt3A_1347 = arith.constant 0 : i32
    %lt3A_1348 = arith.cmpi slt, %select_n3A_1341, %lt3A_1347 : i32
    %ne3A_1349 = arith.xori %lt3A_1346, %lt3A_1348 : i1
    %and3A_1350 = arith.andi %ne3A_1349, %ne3A_1344 : i1
    %add3A_1351 = arith.addi %rem3A_1342, %select_n3A_1341 : i32
    %select_n3A_1352 = arith.select %and3A_1350, %add3A_1351, %rem3A_1342 : i32
    %dma_start3A_1353 = arith.constant 0 : i32
    %dma_start3A_1354 = arith.constant 0 : i32
    %dma_start3A_1355 = tpu.memref_slice %arg2[%select_n3A_1336, %select_n3A_1352, %dma_start3A_1353, %dma_start3A_1354] : memref<16x16x8x8064xf32, #tpu.memory_space<hbm>> -> memref<1x1x8x8064xf32, #tpu.memory_space<hbm>>
    %dma_start3A_1356 = tpu.memref_squeeze %dma_start3A_1355 : memref<1x1x8x8064xf32, #tpu.memory_space<hbm>> -> memref<8x8064xf32, #tpu.memory_space<hbm>>
    %dma_start3A_1357 = arith.constant 0 : i32
    %dma_start3A_1358 = arith.constant 0 : i32
    %dma_start3A_1359 = tpu.memref_slice %arg2[%select_n3A_1336, %select_n3A_1352, %dma_start3A_1357, %dma_start3A_1358] : memref<16x16x8x8064xf32, #tpu.memory_space<hbm>> -> memref<1x1x8x8064xf32, #tpu.memory_space<hbm>>
    %dma_start3A_1360 = tpu.memref_squeeze %dma_start3A_1359 : memref<1x1x8x8064xf32, #tpu.memory_space<hbm>> -> memref<8x8064xf32, #tpu.memory_space<hbm>>
    tpu.enqueue_dma source(%dma_start3A_1360 : memref<8x8064xf32, #tpu.memory_space<hbm>>) target(%arg4 : memref<8x8064xf32, #tpu.memory_space<vmem>>) target_semaphore(%arg7 : memref<!tpu.dma_semaphore, #tpu.memory_space<semaphore_mem>>)
    %scan3A_1361 = arith.constant 0 : i32
    %scan3A_1362 = arith.constant 0 : i32
    %scan3A_1363 = arith.constant 0 : i32
    %scan3A_1364 = arith.constant 0 : i32
    %scan3A_1365 = arith.constant 32 : i32
    %scan3A_1366 = arith.addi %scan3A_1364, %scan3A_1365 : i32
    %scan3A_1367 = arith.constant 1 : i32
    %scan3A_1368 = scf.for %scan3A_1932 = %scan3A_1364 to %scan3A_1366 step %scan3A_1367 iter_args(%scan3A_1933 = %scan3A_1363) -> (i32)  : i32 {
      %mul3A_1934 = arith.constant 128 : i32
      %mul3A_1935 = arith.muli %mul3A_1934, %scan3A_1932 : i32
      %sub3A_1936 = arith.constant 4088 : i32
      %sub3A_1937 = arith.subi %sub3A_1936, %mul3A_1935 : i32
      %mul3A_1938 = arith.constant 8 : i32
      %mul3A_1939 = arith.muli %mul3A_1938, %select_n3A_1170 : i32
      %sub3A_1940 = arith.subi %sub3A_1937, %mul3A_1939 : i32
      %mul3A_1941 = arith.constant 128 : i32
      %mul3A_1942 = arith.muli %mul3A_1941, %scan3A_1932 : i32
      %multiple_of3A = tpu.assume_multiple %mul3A_1942, 128 : i32
      %multiple_of3A_1943 = tpu.assume_multiple %sub3A_1940, 8 : i32
      %dma_start3A_1944 = arith.constant 0 : i32
      %dma_start3A_1945 = arith.constant 0 : i32
      %dma_start3A_1946 = tpu.memref_slice %arg5[%dma_start3A_1945, %multiple_of3A] : memref<8x8064xf32, #tpu.memory_space<vmem>> -> memref<8x4096xf32, #tpu.memory_space<vmem>>
      %dma_start3A_1947 = arith.constant 0 : i32
      %dma_start3A_1948 = tpu.memref_slice %arg3[%dma_start3A_1944, %select_n3A_1154, %multiple_of3A_1943, %dma_start3A_1947] : memref<1x16x4096x4096xf32, #tpu.memory_space<hbm>> -> memref<1x1x8x4096xf32, #tpu.memory_space<hbm>>
      %dma_start3A_1949 = tpu.memref_squeeze %dma_start3A_1948 : memref<1x1x8x4096xf32, #tpu.memory_space<hbm>> -> memref<8x4096xf32, #tpu.memory_space<hbm>>
      %dma_start3A_1950 = arith.constant 0 : i32
      %dma_start3A_1951 = tpu.memref_slice %arg3[%dma_start3A_1944, %select_n3A_1154, %multiple_of3A_1943, %dma_start3A_1950] : memref<1x16x4096x4096xf32, #tpu.memory_space<hbm>> -> memref<1x1x8x4096xf32, #tpu.memory_space<hbm>>
      %dma_start3A_1952 = tpu.memref_squeeze %dma_start3A_1951 : memref<1x1x8x4096xf32, #tpu.memory_space<hbm>> -> memref<8x4096xf32, #tpu.memory_space<hbm>>
      %dma_start3A_1953 = arith.constant 0 : i32
      %dma_start3A_1954 = tpu.memref_slice %arg5[%dma_start3A_1953, %multiple_of3A] : memref<8x8064xf32, #tpu.memory_space<vmem>> -> memref<8x4096xf32, #tpu.memory_space<vmem>>
      tpu.enqueue_dma source(%dma_start3A_1954 : memref<8x4096xf32, #tpu.memory_space<vmem>>) target(%dma_start3A_1952 : memref<8x4096xf32, #tpu.memory_space<hbm>>) target_semaphore(%arg6 : memref<!tpu.dma_semaphore, #tpu.memory_space<semaphore_mem>>)
      %ge3A = arith.constant 8 : i32
      %ge3A_1955 = arith.cmpi sge, %scan3A_1932, %ge3A : i32
      %convert_element_type3A = arith.extui %ge3A_1955 : i1 to i32
      %cond3A = arith.constant 0 : i32
      %cond3A_1956 = arith.cmpi ne, %convert_element_type3A, %cond3A : i32
      scf.if %cond3A_1956 {
        %dma_wait3A_1958 = arith.constant 0 : i32
        %dma_wait3A_1959 = arith.constant 0 : i32
        %dma_wait3A_1960 = tpu.memref_slice %arg4[%dma_wait3A_1958, %dma_wait3A_1959] : memref<8x8064xf32, #tpu.memory_space<vmem>> -> memref<8x4096xf32, #tpu.memory_space<vmem>>
        %dma_wait3A_1961 = arith.constant 0 : i32
        %dma_wait3A_1962 = arith.constant 0 : i32
        %dma_wait3A_1963 = tpu.memref_slice %arg3[%scan3A_1361, %scan3A_1362, %dma_wait3A_1961, %dma_wait3A_1962] : memref<1x16x4096x4096xf32, #tpu.memory_space<hbm>> -> memref<1x1x8x4096xf32, #tpu.memory_space<hbm>>
        %dma_wait3A_1964 = tpu.memref_squeeze %dma_wait3A_1963 : memref<1x1x8x4096xf32, #tpu.memory_space<hbm>> -> memref<8x4096xf32, #tpu.memory_space<hbm>>
        %dma_wait3A_1965 = arith.constant 0 : i32
        %dma_wait3A_1966 = arith.constant 0 : i32
        %dma_wait3A_1967 = tpu.memref_slice %arg3[%scan3A_1361, %scan3A_1362, %dma_wait3A_1965, %dma_wait3A_1966] : memref<1x16x4096x4096xf32, #tpu.memory_space<hbm>> -> memref<1x1x8x4096xf32, #tpu.memory_space<hbm>>
        %dma_wait3A_1968 = tpu.memref_squeeze %dma_wait3A_1967 : memref<1x1x8x4096xf32, #tpu.memory_space<hbm>> -> memref<8x4096xf32, #tpu.memory_space<hbm>>
        %dma_wait3A_1969 = arith.constant 0 : i32
        %dma_wait3A_1970 = arith.constant 0 : i32
        %dma_wait3A_1971 = tpu.memref_slice %arg4[%dma_wait3A_1969, %dma_wait3A_1970] : memref<8x8064xf32, #tpu.memory_space<vmem>> -> memref<8x4096xf32, #tpu.memory_space<vmem>>
        tpu.wait_dma2 semaphore(%arg6 : memref<!tpu.dma_semaphore, #tpu.memory_space<semaphore_mem>>) src(%dma_wait3A_1971 : memref<8x4096xf32, #tpu.memory_space<vmem>>) dst(%dma_wait3A_1968 : memref<8x4096xf32, #tpu.memory_space<hbm>>)
      } else {
      }
      %scan3A_1957 = arith.constant 0 : i32
      scf.yield %scan3A_1957 : i32
    }
    %scan3A_1369 = arith.constant 32 : i32
    %mul3A_1370 = arith.constant 8 : i32
    %mul3A_1371 = arith.muli %add3A, %mul3A_1370 : i32
    %add3A_1372 = arith.constant 6 : i32
    %add3A_1373 = arith.addi %mul3A_1371, %add3A_1372 : i32
    %jit3A_1374 = arith.constant 16 : i32
    %div3A_1375 = arith.divsi %add3A_1373, %jit3A_1374 : i32
    %sign3A_1376 = arith.constant 0 : i32
    %sign3A_1377 = arith.cmpi sgt, %add3A_1373, %sign3A_1376 : i32
    %sign3A_1378 = arith.extui %sign3A_1377 : i1 to i32
    %sign3A_1379 = arith.constant 0 : i32
    %sign3A_1380 = arith.cmpi slt, %add3A_1373, %sign3A_1379 : i32
    %sign3A_1381 = arith.extui %sign3A_1380 : i1 to i32
    %sign3A_1382 = arith.subi %sign3A_1378, %sign3A_1381 : i32
    %sign3A_1383 = arith.constant 0 : i32
    %sign3A_1384 = arith.cmpi sgt, %jit3A_1374, %sign3A_1383 : i32
    %sign3A_1385 = arith.extui %sign3A_1384 : i1 to i32
    %sign3A_1386 = arith.constant 0 : i32
    %sign3A_1387 = arith.cmpi slt, %jit3A_1374, %sign3A_1386 : i32
    %sign3A_1388 = arith.extui %sign3A_1387 : i1 to i32
    %sign3A_1389 = arith.subi %sign3A_1385, %sign3A_1388 : i32
    %ne3A_1390 = arith.cmpi ne, %sign3A_1382, %sign3A_1389 : i32
    %rem3A_1391 = arith.remsi %add3A_1373, %jit3A_1374 : i32
    %ne3A_1392 = arith.constant 0 : i32
    %ne3A_1393 = arith.cmpi ne, %rem3A_1391, %ne3A_1392 : i32
    %and3A_1394 = arith.andi %ne3A_1390, %ne3A_1393 : i1
    %sub3A_1395 = arith.constant 1 : i32
    %sub3A_1396 = arith.subi %div3A_1375, %sub3A_1395 : i32
    %select_n3A_1397 = arith.select %and3A_1394, %sub3A_1396, %div3A_1375 : i32
    %jit3A_1398 = arith.constant 16 : i32
    %eq3A_1399 = arith.constant 0 : i32
    %eq3A_1400 = arith.cmpi eq, %jit3A_1398, %eq3A_1399 : i32
    %jit3A_1401 = arith.constant 1 : i32
    %select_n3A_1402 = arith.select %eq3A_1400, %jit3A_1401, %jit3A_1398 : i32
    %rem3A_1403 = arith.remsi %add3A_1373, %select_n3A_1402 : i32
    %ne3A_1404 = arith.constant 0 : i32
    %ne3A_1405 = arith.cmpi ne, %rem3A_1403, %ne3A_1404 : i32
    %lt3A_1406 = arith.constant 0 : i32
    %lt3A_1407 = arith.cmpi slt, %rem3A_1403, %lt3A_1406 : i32
    %lt3A_1408 = arith.constant 0 : i32
    %lt3A_1409 = arith.cmpi slt, %select_n3A_1402, %lt3A_1408 : i32
    %ne3A_1410 = arith.xori %lt3A_1407, %lt3A_1409 : i1
    %and3A_1411 = arith.andi %ne3A_1410, %ne3A_1405 : i1
    %add3A_1412 = arith.addi %rem3A_1403, %select_n3A_1402 : i32
    %select_n3A_1413 = arith.select %and3A_1411, %add3A_1412, %rem3A_1403 : i32
    %dma_wait3A_1414 = arith.constant 0 : i32
    %dma_wait3A_1415 = arith.constant 0 : i32
    %dma_wait3A_1416 = arith.constant 0 : i32
    %dma_wait3A_1417 = arith.constant 0 : i32
    %dma_wait3A_1418 = tpu.memref_slice %arg4[%dma_wait3A_1416, %dma_wait3A_1417] : memref<8x8064xf32, #tpu.memory_space<vmem>> -> memref<8x4096xf32, #tpu.memory_space<vmem>>
    %dma_wait3A_1419 = arith.constant 0 : i32
    %dma_wait3A_1420 = arith.constant 0 : i32
    %dma_wait3A_1421 = tpu.memref_slice %arg3[%dma_wait3A_1414, %dma_wait3A_1415, %dma_wait3A_1419, %dma_wait3A_1420] : memref<1x16x4096x4096xf32, #tpu.memory_space<hbm>> -> memref<1x1x8x4096xf32, #tpu.memory_space<hbm>>
    %dma_wait3A_1422 = tpu.memref_squeeze %dma_wait3A_1421 : memref<1x1x8x4096xf32, #tpu.memory_space<hbm>> -> memref<8x4096xf32, #tpu.memory_space<hbm>>
    %dma_wait3A_1423 = arith.constant 0 : i32
    %dma_wait3A_1424 = arith.constant 0 : i32
    %dma_wait3A_1425 = tpu.memref_slice %arg3[%dma_wait3A_1414, %dma_wait3A_1415, %dma_wait3A_1423, %dma_wait3A_1424] : memref<1x16x4096x4096xf32, #tpu.memory_space<hbm>> -> memref<1x1x8x4096xf32, #tpu.memory_space<hbm>>
    %dma_wait3A_1426 = tpu.memref_squeeze %dma_wait3A_1425 : memref<1x1x8x4096xf32, #tpu.memory_space<hbm>> -> memref<8x4096xf32, #tpu.memory_space<hbm>>
    %dma_wait3A_1427 = arith.constant 0 : i32
    %dma_wait3A_1428 = arith.constant 0 : i32
    %dma_wait3A_1429 = tpu.memref_slice %arg4[%dma_wait3A_1427, %dma_wait3A_1428] : memref<8x8064xf32, #tpu.memory_space<vmem>> -> memref<8x4096xf32, #tpu.memory_space<vmem>>
    tpu.wait_dma2 semaphore(%arg6 : memref<!tpu.dma_semaphore, #tpu.memory_space<semaphore_mem>>) src(%dma_wait3A_1429 : memref<8x4096xf32, #tpu.memory_space<vmem>>) dst(%dma_wait3A_1426 : memref<8x4096xf32, #tpu.memory_space<hbm>>)
    %dma_wait3A_1430 = arith.constant 0 : i32
    %dma_wait3A_1431 = arith.constant 0 : i32
    %dma_wait3A_1432 = arith.constant 0 : i32
    %dma_wait3A_1433 = arith.constant 0 : i32
    %dma_wait3A_1434 = tpu.memref_slice %arg4[%dma_wait3A_1432, %dma_wait3A_1433] : memref<8x8064xf32, #tpu.memory_space<vmem>> -> memref<8x4096xf32, #tpu.memory_space<vmem>>
    %dma_wait3A_1435 = arith.constant 0 : i32
    %dma_wait3A_1436 = arith.constant 0 : i32
    %dma_wait3A_1437 = tpu.memref_slice %arg3[%dma_wait3A_1430, %dma_wait3A_1431, %dma_wait3A_1435, %dma_wait3A_1436] : memref<1x16x4096x4096xf32, #tpu.memory_space<hbm>> -> memref<1x1x8x4096xf32, #tpu.memory_space<hbm>>
    %dma_wait3A_1438 = tpu.memref_squeeze %dma_wait3A_1437 : memref<1x1x8x4096xf32, #tpu.memory_space<hbm>> -> memref<8x4096xf32, #tpu.memory_space<hbm>>
    %dma_wait3A_1439 = arith.constant 0 : i32
    %dma_wait3A_1440 = arith.constant 0 : i32
    %dma_wait3A_1441 = tpu.memref_slice %arg3[%dma_wait3A_1430, %dma_wait3A_1431, %dma_wait3A_1439, %dma_wait3A_1440] : memref<1x16x4096x4096xf32, #tpu.memory_space<hbm>> -> memref<1x1x8x4096xf32, #tpu.memory_space<hbm>>
    %dma_wait3A_1442 = tpu.memref_squeeze %dma_wait3A_1441 : memref<1x1x8x4096xf32, #tpu.memory_space<hbm>> -> memref<8x4096xf32, #tpu.memory_space<hbm>>
    %dma_wait3A_1443 = arith.constant 0 : i32
    %dma_wait3A_1444 = arith.constant 0 : i32
    %dma_wait3A_1445 = tpu.memref_slice %arg4[%dma_wait3A_1443, %dma_wait3A_1444] : memref<8x8064xf32, #tpu.memory_space<vmem>> -> memref<8x4096xf32, #tpu.memory_space<vmem>>
    tpu.wait_dma2 semaphore(%arg6 : memref<!tpu.dma_semaphore, #tpu.memory_space<semaphore_mem>>) src(%dma_wait3A_1445 : memref<8x4096xf32, #tpu.memory_space<vmem>>) dst(%dma_wait3A_1442 : memref<8x4096xf32, #tpu.memory_space<hbm>>)
    %dma_wait3A_1446 = arith.constant 0 : i32
    %dma_wait3A_1447 = arith.constant 0 : i32
    %dma_wait3A_1448 = arith.constant 0 : i32
    %dma_wait3A_1449 = arith.constant 0 : i32
    %dma_wait3A_1450 = tpu.memref_slice %arg4[%dma_wait3A_1448, %dma_wait3A_1449] : memref<8x8064xf32, #tpu.memory_space<vmem>> -> memref<8x4096xf32, #tpu.memory_space<vmem>>
    %dma_wait3A_1451 = arith.constant 0 : i32
    %dma_wait3A_1452 = arith.constant 0 : i32
    %dma_wait3A_1453 = tpu.memref_slice %arg3[%dma_wait3A_1446, %dma_wait3A_1447, %dma_wait3A_1451, %dma_wait3A_1452] : memref<1x16x4096x4096xf32, #tpu.memory_space<hbm>> -> memref<1x1x8x4096xf32, #tpu.memory_space<hbm>>
    %dma_wait3A_1454 = tpu.memref_squeeze %dma_wait3A_1453 : memref<1x1x8x4096xf32, #tpu.memory_space<hbm>> -> memref<8x4096xf32, #tpu.memory_space<hbm>>
    %dma_wait3A_1455 = arith.constant 0 : i32
    %dma_wait3A_1456 = arith.constant 0 : i32
    %dma_wait3A_1457 = tpu.memref_slice %arg3[%dma_wait3A_1446, %dma_wait3A_1447, %dma_wait3A_1455, %dma_wait3A_1456] : memref<1x16x4096x4096xf32, #tpu.memory_space<hbm>> -> memref<1x1x8x4096xf32, #tpu.memory_space<hbm>>
    %dma_wait3A_1458 = tpu.memref_squeeze %dma_wait3A_1457 : memref<1x1x8x4096xf32, #tpu.memory_space<hbm>> -> memref<8x4096xf32, #tpu.memory_space<hbm>>
    %dma_wait3A_1459 = arith.constant 0 : i32
    %dma_wait3A_1460 = arith.constant 0 : i32
    %dma_wait3A_1461 = tpu.memref_slice %arg4[%dma_wait3A_1459, %dma_wait3A_1460] : memref<8x8064xf32, #tpu.memory_space<vmem>> -> memref<8x4096xf32, #tpu.memory_space<vmem>>
    tpu.wait_dma2 semaphore(%arg6 : memref<!tpu.dma_semaphore, #tpu.memory_space<semaphore_mem>>) src(%dma_wait3A_1461 : memref<8x4096xf32, #tpu.memory_space<vmem>>) dst(%dma_wait3A_1458 : memref<8x4096xf32, #tpu.memory_space<hbm>>)
    %dma_wait3A_1462 = arith.constant 0 : i32
    %dma_wait3A_1463 = arith.constant 0 : i32
    %dma_wait3A_1464 = arith.constant 0 : i32
    %dma_wait3A_1465 = arith.constant 0 : i32
    %dma_wait3A_1466 = tpu.memref_slice %arg4[%dma_wait3A_1464, %dma_wait3A_1465] : memref<8x8064xf32, #tpu.memory_space<vmem>> -> memref<8x4096xf32, #tpu.memory_space<vmem>>
    %dma_wait3A_1467 = arith.constant 0 : i32
    %dma_wait3A_1468 = arith.constant 0 : i32
    %dma_wait3A_1469 = tpu.memref_slice %arg3[%dma_wait3A_1462, %dma_wait3A_1463, %dma_wait3A_1467, %dma_wait3A_1468] : memref<1x16x4096x4096xf32, #tpu.memory_space<hbm>> -> memref<1x1x8x4096xf32, #tpu.memory_space<hbm>>
    %dma_wait3A_1470 = tpu.memref_squeeze %dma_wait3A_1469 : memref<1x1x8x4096xf32, #tpu.memory_space<hbm>> -> memref<8x4096xf32, #tpu.memory_space<hbm>>
    %dma_wait3A_1471 = arith.constant 0 : i32
    %dma_wait3A_1472 = arith.constant 0 : i32
    %dma_wait3A_1473 = tpu.memref_slice %arg3[%dma_wait3A_1462, %dma_wait3A_1463, %dma_wait3A_1471, %dma_wait3A_1472] : memref<1x16x4096x4096xf32, #tpu.memory_space<hbm>> -> memref<1x1x8x4096xf32, #tpu.memory_space<hbm>>
    %dma_wait3A_1474 = tpu.memref_squeeze %dma_wait3A_1473 : memref<1x1x8x4096xf32, #tpu.memory_space<hbm>> -> memref<8x4096xf32, #tpu.memory_space<hbm>>
    %dma_wait3A_1475 = arith.constant 0 : i32
    %dma_wait3A_1476 = arith.constant 0 : i32
    %dma_wait3A_1477 = tpu.memref_slice %arg4[%dma_wait3A_1475, %dma_wait3A_1476] : memref<8x8064xf32, #tpu.memory_space<vmem>> -> memref<8x4096xf32, #tpu.memory_space<vmem>>
    tpu.wait_dma2 semaphore(%arg6 : memref<!tpu.dma_semaphore, #tpu.memory_space<semaphore_mem>>) src(%dma_wait3A_1477 : memref<8x4096xf32, #tpu.memory_space<vmem>>) dst(%dma_wait3A_1474 : memref<8x4096xf32, #tpu.memory_space<hbm>>)
    %dma_wait3A_1478 = arith.constant 0 : i32
    %dma_wait3A_1479 = arith.constant 0 : i32
    %dma_wait3A_1480 = arith.constant 0 : i32
    %dma_wait3A_1481 = arith.constant 0 : i32
    %dma_wait3A_1482 = tpu.memref_slice %arg4[%dma_wait3A_1480, %dma_wait3A_1481] : memref<8x8064xf32, #tpu.memory_space<vmem>> -> memref<8x4096xf32, #tpu.memory_space<vmem>>
    %dma_wait3A_1483 = arith.constant 0 : i32
    %dma_wait3A_1484 = arith.constant 0 : i32
    %dma_wait3A_1485 = tpu.memref_slice %arg3[%dma_wait3A_1478, %dma_wait3A_1479, %dma_wait3A_1483, %dma_wait3A_1484] : memref<1x16x4096x4096xf32, #tpu.memory_space<hbm>> -> memref<1x1x8x4096xf32, #tpu.memory_space<hbm>>
    %dma_wait3A_1486 = tpu.memref_squeeze %dma_wait3A_1485 : memref<1x1x8x4096xf32, #tpu.memory_space<hbm>> -> memref<8x4096xf32, #tpu.memory_space<hbm>>
    %dma_wait3A_1487 = arith.constant 0 : i32
    %dma_wait3A_1488 = arith.constant 0 : i32
    %dma_wait3A_1489 = tpu.memref_slice %arg3[%dma_wait3A_1478, %dma_wait3A_1479, %dma_wait3A_1487, %dma_wait3A_1488] : memref<1x16x4096x4096xf32, #tpu.memory_space<hbm>> -> memref<1x1x8x4096xf32, #tpu.memory_space<hbm>>
    %dma_wait3A_1490 = tpu.memref_squeeze %dma_wait3A_1489 : memref<1x1x8x4096xf32, #tpu.memory_space<hbm>> -> memref<8x4096xf32, #tpu.memory_space<hbm>>
    %dma_wait3A_1491 = arith.constant 0 : i32
    %dma_wait3A_1492 = arith.constant 0 : i32
    %dma_wait3A_1493 = tpu.memref_slice %arg4[%dma_wait3A_1491, %dma_wait3A_1492] : memref<8x8064xf32, #tpu.memory_space<vmem>> -> memref<8x4096xf32, #tpu.memory_space<vmem>>
    tpu.wait_dma2 semaphore(%arg6 : memref<!tpu.dma_semaphore, #tpu.memory_space<semaphore_mem>>) src(%dma_wait3A_1493 : memref<8x4096xf32, #tpu.memory_space<vmem>>) dst(%dma_wait3A_1490 : memref<8x4096xf32, #tpu.memory_space<hbm>>)
    %dma_wait3A_1494 = arith.constant 0 : i32
    %dma_wait3A_1495 = arith.constant 0 : i32
    %dma_wait3A_1496 = arith.constant 0 : i32
    %dma_wait3A_1497 = arith.constant 0 : i32
    %dma_wait3A_1498 = tpu.memref_slice %arg4[%dma_wait3A_1496, %dma_wait3A_1497] : memref<8x8064xf32, #tpu.memory_space<vmem>> -> memref<8x4096xf32, #tpu.memory_space<vmem>>
    %dma_wait3A_1499 = arith.constant 0 : i32
    %dma_wait3A_1500 = arith.constant 0 : i32
    %dma_wait3A_1501 = tpu.memref_slice %arg3[%dma_wait3A_1494, %dma_wait3A_1495, %dma_wait3A_1499, %dma_wait3A_1500] : memref<1x16x4096x4096xf32, #tpu.memory_space<hbm>> -> memref<1x1x8x4096xf32, #tpu.memory_space<hbm>>
    %dma_wait3A_1502 = tpu.memref_squeeze %dma_wait3A_1501 : memref<1x1x8x4096xf32, #tpu.memory_space<hbm>> -> memref<8x4096xf32, #tpu.memory_space<hbm>>
    %dma_wait3A_1503 = arith.constant 0 : i32
    %dma_wait3A_1504 = arith.constant 0 : i32
    %dma_wait3A_1505 = tpu.memref_slice %arg3[%dma_wait3A_1494, %dma_wait3A_1495, %dma_wait3A_1503, %dma_wait3A_1504] : memref<1x16x4096x4096xf32, #tpu.memory_space<hbm>> -> memref<1x1x8x4096xf32, #tpu.memory_space<hbm>>
    %dma_wait3A_1506 = tpu.memref_squeeze %dma_wait3A_1505 : memref<1x1x8x4096xf32, #tpu.memory_space<hbm>> -> memref<8x4096xf32, #tpu.memory_space<hbm>>
    %dma_wait3A_1507 = arith.constant 0 : i32
    %dma_wait3A_1508 = arith.constant 0 : i32
    %dma_wait3A_1509 = tpu.memref_slice %arg4[%dma_wait3A_1507, %dma_wait3A_1508] : memref<8x8064xf32, #tpu.memory_space<vmem>> -> memref<8x4096xf32, #tpu.memory_space<vmem>>
    tpu.wait_dma2 semaphore(%arg6 : memref<!tpu.dma_semaphore, #tpu.memory_space<semaphore_mem>>) src(%dma_wait3A_1509 : memref<8x4096xf32, #tpu.memory_space<vmem>>) dst(%dma_wait3A_1506 : memref<8x4096xf32, #tpu.memory_space<hbm>>)
    %dma_wait3A_1510 = arith.constant 0 : i32
    %dma_wait3A_1511 = arith.constant 0 : i32
    %dma_wait3A_1512 = arith.constant 0 : i32
    %dma_wait3A_1513 = arith.constant 0 : i32
    %dma_wait3A_1514 = tpu.memref_slice %arg4[%dma_wait3A_1512, %dma_wait3A_1513] : memref<8x8064xf32, #tpu.memory_space<vmem>> -> memref<8x4096xf32, #tpu.memory_space<vmem>>
    %dma_wait3A_1515 = arith.constant 0 : i32
    %dma_wait3A_1516 = arith.constant 0 : i32
    %dma_wait3A_1517 = tpu.memref_slice %arg3[%dma_wait3A_1510, %dma_wait3A_1511, %dma_wait3A_1515, %dma_wait3A_1516] : memref<1x16x4096x4096xf32, #tpu.memory_space<hbm>> -> memref<1x1x8x4096xf32, #tpu.memory_space<hbm>>
    %dma_wait3A_1518 = tpu.memref_squeeze %dma_wait3A_1517 : memref<1x1x8x4096xf32, #tpu.memory_space<hbm>> -> memref<8x4096xf32, #tpu.memory_space<hbm>>
    %dma_wait3A_1519 = arith.constant 0 : i32
    %dma_wait3A_1520 = arith.constant 0 : i32
    %dma_wait3A_1521 = tpu.memref_slice %arg3[%dma_wait3A_1510, %dma_wait3A_1511, %dma_wait3A_1519, %dma_wait3A_1520] : memref<1x16x4096x4096xf32, #tpu.memory_space<hbm>> -> memref<1x1x8x4096xf32, #tpu.memory_space<hbm>>
    %dma_wait3A_1522 = tpu.memref_squeeze %dma_wait3A_1521 : memref<1x1x8x4096xf32, #tpu.memory_space<hbm>> -> memref<8x4096xf32, #tpu.memory_space<hbm>>
    %dma_wait3A_1523 = arith.constant 0 : i32
    %dma_wait3A_1524 = arith.constant 0 : i32
    %dma_wait3A_1525 = tpu.memref_slice %arg4[%dma_wait3A_1523, %dma_wait3A_1524] : memref<8x8064xf32, #tpu.memory_space<vmem>> -> memref<8x4096xf32, #tpu.memory_space<vmem>>
    tpu.wait_dma2 semaphore(%arg6 : memref<!tpu.dma_semaphore, #tpu.memory_space<semaphore_mem>>) src(%dma_wait3A_1525 : memref<8x4096xf32, #tpu.memory_space<vmem>>) dst(%dma_wait3A_1522 : memref<8x4096xf32, #tpu.memory_space<hbm>>)
    %dma_wait3A_1526 = arith.constant 0 : i32
    %dma_wait3A_1527 = arith.constant 0 : i32
    %dma_wait3A_1528 = arith.constant 0 : i32
    %dma_wait3A_1529 = arith.constant 0 : i32
    %dma_wait3A_1530 = tpu.memref_slice %arg4[%dma_wait3A_1528, %dma_wait3A_1529] : memref<8x8064xf32, #tpu.memory_space<vmem>> -> memref<8x4096xf32, #tpu.memory_space<vmem>>
    %dma_wait3A_1531 = arith.constant 0 : i32
    %dma_wait3A_1532 = arith.constant 0 : i32
    %dma_wait3A_1533 = tpu.memref_slice %arg3[%dma_wait3A_1526, %dma_wait3A_1527, %dma_wait3A_1531, %dma_wait3A_1532] : memref<1x16x4096x4096xf32, #tpu.memory_space<hbm>> -> memref<1x1x8x4096xf32, #tpu.memory_space<hbm>>
    %dma_wait3A_1534 = tpu.memref_squeeze %dma_wait3A_1533 : memref<1x1x8x4096xf32, #tpu.memory_space<hbm>> -> memref<8x4096xf32, #tpu.memory_space<hbm>>
    %dma_wait3A_1535 = arith.constant 0 : i32
    %dma_wait3A_1536 = arith.constant 0 : i32
    %dma_wait3A_1537 = tpu.memref_slice %arg3[%dma_wait3A_1526, %dma_wait3A_1527, %dma_wait3A_1535, %dma_wait3A_1536] : memref<1x16x4096x4096xf32, #tpu.memory_space<hbm>> -> memref<1x1x8x4096xf32, #tpu.memory_space<hbm>>
    %dma_wait3A_1538 = tpu.memref_squeeze %dma_wait3A_1537 : memref<1x1x8x4096xf32, #tpu.memory_space<hbm>> -> memref<8x4096xf32, #tpu.memory_space<hbm>>
    %dma_wait3A_1539 = arith.constant 0 : i32
    %dma_wait3A_1540 = arith.constant 0 : i32
    %dma_wait3A_1541 = tpu.memref_slice %arg4[%dma_wait3A_1539, %dma_wait3A_1540] : memref<8x8064xf32, #tpu.memory_space<vmem>> -> memref<8x4096xf32, #tpu.memory_space<vmem>>
    tpu.wait_dma2 semaphore(%arg6 : memref<!tpu.dma_semaphore, #tpu.memory_space<semaphore_mem>>) src(%dma_wait3A_1541 : memref<8x4096xf32, #tpu.memory_space<vmem>>) dst(%dma_wait3A_1538 : memref<8x4096xf32, #tpu.memory_space<hbm>>)
    %dma_wait3A_1542 = arith.constant 0 : i32
    %dma_wait3A_1543 = arith.constant 0 : i32
    %dma_wait3A_1544 = arith.constant 0 : i32
    %dma_wait3A_1545 = arith.constant 0 : i32
    %dma_wait3A_1546 = tpu.memref_slice %arg2[%dma_wait3A_1542, %dma_wait3A_1543, %dma_wait3A_1544, %dma_wait3A_1545] : memref<16x16x8x8064xf32, #tpu.memory_space<hbm>> -> memref<1x1x8x8064xf32, #tpu.memory_space<hbm>>
    %dma_wait3A_1547 = tpu.memref_squeeze %dma_wait3A_1546 : memref<1x1x8x8064xf32, #tpu.memory_space<hbm>> -> memref<8x8064xf32, #tpu.memory_space<hbm>>
    %dma_wait3A_1548 = arith.constant 0 : i32
    %dma_wait3A_1549 = arith.constant 0 : i32
    %dma_wait3A_1550 = tpu.memref_slice %arg2[%dma_wait3A_1542, %dma_wait3A_1543, %dma_wait3A_1548, %dma_wait3A_1549] : memref<16x16x8x8064xf32, #tpu.memory_space<hbm>> -> memref<1x1x8x8064xf32, #tpu.memory_space<hbm>>
    %dma_wait3A_1551 = tpu.memref_squeeze %dma_wait3A_1550 : memref<1x1x8x8064xf32, #tpu.memory_space<hbm>> -> memref<8x8064xf32, #tpu.memory_space<hbm>>
    tpu.wait_dma2 semaphore(%arg7 : memref<!tpu.dma_semaphore, #tpu.memory_space<semaphore_mem>>) src(%dma_wait3A_1551 : memref<8x8064xf32, #tpu.memory_space<hbm>>) dst(%arg4 : memref<8x8064xf32, #tpu.memory_space<vmem>>)
    %mul3A_1552 = arith.constant 8 : i32
    %mul3A_1553 = arith.muli %add3A, %mul3A_1552 : i32
    %add3A_1554 = arith.constant 7 : i32
    %add3A_1555 = arith.addi %mul3A_1553, %add3A_1554 : i32
    %jit3A_1556 = arith.constant 16 : i32
    %div3A_1557 = arith.divsi %add3A_1555, %jit3A_1556 : i32
    %sign3A_1558 = arith.constant 0 : i32
    %sign3A_1559 = arith.cmpi sgt, %add3A_1555, %sign3A_1558 : i32
    %sign3A_1560 = arith.extui %sign3A_1559 : i1 to i32
    %sign3A_1561 = arith.constant 0 : i32
    %sign3A_1562 = arith.cmpi slt, %add3A_1555, %sign3A_1561 : i32
    %sign3A_1563 = arith.extui %sign3A_1562 : i1 to i32
    %sign3A_1564 = arith.subi %sign3A_1560, %sign3A_1563 : i32
    %sign3A_1565 = arith.constant 0 : i32
    %sign3A_1566 = arith.cmpi sgt, %jit3A_1556, %sign3A_1565 : i32
    %sign3A_1567 = arith.extui %sign3A_1566 : i1 to i32
    %sign3A_1568 = arith.constant 0 : i32
    %sign3A_1569 = arith.cmpi slt, %jit3A_1556, %sign3A_1568 : i32
    %sign3A_1570 = arith.extui %sign3A_1569 : i1 to i32
    %sign3A_1571 = arith.subi %sign3A_1567, %sign3A_1570 : i32
    %ne3A_1572 = arith.cmpi ne, %sign3A_1564, %sign3A_1571 : i32
    %rem3A_1573 = arith.remsi %add3A_1555, %jit3A_1556 : i32
    %ne3A_1574 = arith.constant 0 : i32
    %ne3A_1575 = arith.cmpi ne, %rem3A_1573, %ne3A_1574 : i32
    %and3A_1576 = arith.andi %ne3A_1572, %ne3A_1575 : i1
    %sub3A_1577 = arith.constant 1 : i32
    %sub3A_1578 = arith.subi %div3A_1557, %sub3A_1577 : i32
    %select_n3A_1579 = arith.select %and3A_1576, %sub3A_1578, %div3A_1557 : i32
    %jit3A_1580 = arith.constant 16 : i32
    %eq3A_1581 = arith.constant 0 : i32
    %eq3A_1582 = arith.cmpi eq, %jit3A_1580, %eq3A_1581 : i32
    %jit3A_1583 = arith.constant 1 : i32
    %select_n3A_1584 = arith.select %eq3A_1582, %jit3A_1583, %jit3A_1580 : i32
    %rem3A_1585 = arith.remsi %add3A_1555, %select_n3A_1584 : i32
    %ne3A_1586 = arith.constant 0 : i32
    %ne3A_1587 = arith.cmpi ne, %rem3A_1585, %ne3A_1586 : i32
    %lt3A_1588 = arith.constant 0 : i32
    %lt3A_1589 = arith.cmpi slt, %rem3A_1585, %lt3A_1588 : i32
    %lt3A_1590 = arith.constant 0 : i32
    %lt3A_1591 = arith.cmpi slt, %select_n3A_1584, %lt3A_1590 : i32
    %ne3A_1592 = arith.xori %lt3A_1589, %lt3A_1591 : i1
    %and3A_1593 = arith.andi %ne3A_1592, %ne3A_1587 : i1
    %add3A_1594 = arith.addi %rem3A_1585, %select_n3A_1584 : i32
    %select_n3A_1595 = arith.select %and3A_1593, %add3A_1594, %rem3A_1585 : i32
    %dma_start3A_1596 = arith.constant 0 : i32
    %dma_start3A_1597 = arith.constant 0 : i32
    %dma_start3A_1598 = tpu.memref_slice %arg2[%select_n3A_1579, %select_n3A_1595, %dma_start3A_1596, %dma_start3A_1597] : memref<16x16x8x8064xf32, #tpu.memory_space<hbm>> -> memref<1x1x8x8064xf32, #tpu.memory_space<hbm>>
    %dma_start3A_1599 = tpu.memref_squeeze %dma_start3A_1598 : memref<1x1x8x8064xf32, #tpu.memory_space<hbm>> -> memref<8x8064xf32, #tpu.memory_space<hbm>>
    %dma_start3A_1600 = arith.constant 0 : i32
    %dma_start3A_1601 = arith.constant 0 : i32
    %dma_start3A_1602 = tpu.memref_slice %arg2[%select_n3A_1579, %select_n3A_1595, %dma_start3A_1600, %dma_start3A_1601] : memref<16x16x8x8064xf32, #tpu.memory_space<hbm>> -> memref<1x1x8x8064xf32, #tpu.memory_space<hbm>>
    %dma_start3A_1603 = tpu.memref_squeeze %dma_start3A_1602 : memref<1x1x8x8064xf32, #tpu.memory_space<hbm>> -> memref<8x8064xf32, #tpu.memory_space<hbm>>
    tpu.enqueue_dma source(%dma_start3A_1603 : memref<8x8064xf32, #tpu.memory_space<hbm>>) target(%arg5 : memref<8x8064xf32, #tpu.memory_space<vmem>>) target_semaphore(%arg7 : memref<!tpu.dma_semaphore, #tpu.memory_space<semaphore_mem>>)
    %scan3A_1604 = arith.constant 0 : i32
    %scan3A_1605 = arith.constant 0 : i32
    %scan3A_1606 = arith.constant 0 : i32
    %scan3A_1607 = arith.constant 0 : i32
    %scan3A_1608 = arith.constant 32 : i32
    %scan3A_1609 = arith.addi %scan3A_1607, %scan3A_1608 : i32
    %scan3A_1610 = arith.constant 1 : i32
    %scan3A_1611 = scf.for %scan3A_1932 = %scan3A_1607 to %scan3A_1609 step %scan3A_1610 iter_args(%scan3A_1933 = %scan3A_1606) -> (i32)  : i32 {
      %mul3A_1934 = arith.constant 128 : i32
      %mul3A_1935 = arith.muli %mul3A_1934, %scan3A_1932 : i32
      %sub3A_1936 = arith.constant 4088 : i32
      %sub3A_1937 = arith.subi %sub3A_1936, %mul3A_1935 : i32
      %mul3A_1938 = arith.constant 8 : i32
      %mul3A_1939 = arith.muli %mul3A_1938, %select_n3A_1413 : i32
      %sub3A_1940 = arith.subi %sub3A_1937, %mul3A_1939 : i32
      %mul3A_1941 = arith.constant 128 : i32
      %mul3A_1942 = arith.muli %mul3A_1941, %scan3A_1932 : i32
      %multiple_of3A = tpu.assume_multiple %mul3A_1942, 128 : i32
      %multiple_of3A_1943 = tpu.assume_multiple %sub3A_1940, 8 : i32
      %dma_start3A_1944 = arith.constant 0 : i32
      %dma_start3A_1945 = arith.constant 0 : i32
      %dma_start3A_1946 = tpu.memref_slice %arg4[%dma_start3A_1945, %multiple_of3A] : memref<8x8064xf32, #tpu.memory_space<vmem>> -> memref<8x4096xf32, #tpu.memory_space<vmem>>
      %dma_start3A_1947 = arith.constant 0 : i32
      %dma_start3A_1948 = tpu.memref_slice %arg3[%dma_start3A_1944, %select_n3A_1397, %multiple_of3A_1943, %dma_start3A_1947] : memref<1x16x4096x4096xf32, #tpu.memory_space<hbm>> -> memref<1x1x8x4096xf32, #tpu.memory_space<hbm>>
      %dma_start3A_1949 = tpu.memref_squeeze %dma_start3A_1948 : memref<1x1x8x4096xf32, #tpu.memory_space<hbm>> -> memref<8x4096xf32, #tpu.memory_space<hbm>>
      %dma_start3A_1950 = arith.constant 0 : i32
      %dma_start3A_1951 = tpu.memref_slice %arg3[%dma_start3A_1944, %select_n3A_1397, %multiple_of3A_1943, %dma_start3A_1950] : memref<1x16x4096x4096xf32, #tpu.memory_space<hbm>> -> memref<1x1x8x4096xf32, #tpu.memory_space<hbm>>
      %dma_start3A_1952 = tpu.memref_squeeze %dma_start3A_1951 : memref<1x1x8x4096xf32, #tpu.memory_space<hbm>> -> memref<8x4096xf32, #tpu.memory_space<hbm>>
      %dma_start3A_1953 = arith.constant 0 : i32
      %dma_start3A_1954 = tpu.memref_slice %arg4[%dma_start3A_1953, %multiple_of3A] : memref<8x8064xf32, #tpu.memory_space<vmem>> -> memref<8x4096xf32, #tpu.memory_space<vmem>>
      tpu.enqueue_dma source(%dma_start3A_1954 : memref<8x4096xf32, #tpu.memory_space<vmem>>) target(%dma_start3A_1952 : memref<8x4096xf32, #tpu.memory_space<hbm>>) target_semaphore(%arg6 : memref<!tpu.dma_semaphore, #tpu.memory_space<semaphore_mem>>)
      %ge3A = arith.constant 8 : i32
      %ge3A_1955 = arith.cmpi sge, %scan3A_1932, %ge3A : i32
      %convert_element_type3A = arith.extui %ge3A_1955 : i1 to i32
      %cond3A = arith.constant 0 : i32
      %cond3A_1956 = arith.cmpi ne, %convert_element_type3A, %cond3A : i32
      scf.if %cond3A_1956 {
        %dma_wait3A_1958 = arith.constant 0 : i32
        %dma_wait3A_1959 = arith.constant 0 : i32
        %dma_wait3A_1960 = tpu.memref_slice %arg4[%dma_wait3A_1958, %dma_wait3A_1959] : memref<8x8064xf32, #tpu.memory_space<vmem>> -> memref<8x4096xf32, #tpu.memory_space<vmem>>
        %dma_wait3A_1961 = arith.constant 0 : i32
        %dma_wait3A_1962 = arith.constant 0 : i32
        %dma_wait3A_1963 = tpu.memref_slice %arg3[%scan3A_1604, %scan3A_1605, %dma_wait3A_1961, %dma_wait3A_1962] : memref<1x16x4096x4096xf32, #tpu.memory_space<hbm>> -> memref<1x1x8x4096xf32, #tpu.memory_space<hbm>>
        %dma_wait3A_1964 = tpu.memref_squeeze %dma_wait3A_1963 : memref<1x1x8x4096xf32, #tpu.memory_space<hbm>> -> memref<8x4096xf32, #tpu.memory_space<hbm>>
        %dma_wait3A_1965 = arith.constant 0 : i32
        %dma_wait3A_1966 = arith.constant 0 : i32
        %dma_wait3A_1967 = tpu.memref_slice %arg3[%scan3A_1604, %scan3A_1605, %dma_wait3A_1965, %dma_wait3A_1966] : memref<1x16x4096x4096xf32, #tpu.memory_space<hbm>> -> memref<1x1x8x4096xf32, #tpu.memory_space<hbm>>
        %dma_wait3A_1968 = tpu.memref_squeeze %dma_wait3A_1967 : memref<1x1x8x4096xf32, #tpu.memory_space<hbm>> -> memref<8x4096xf32, #tpu.memory_space<hbm>>
        %dma_wait3A_1969 = arith.constant 0 : i32
        %dma_wait3A_1970 = arith.constant 0 : i32
        %dma_wait3A_1971 = tpu.memref_slice %arg4[%dma_wait3A_1969, %dma_wait3A_1970] : memref<8x8064xf32, #tpu.memory_space<vmem>> -> memref<8x4096xf32, #tpu.memory_space<vmem>>
        tpu.wait_dma2 semaphore(%arg6 : memref<!tpu.dma_semaphore, #tpu.memory_space<semaphore_mem>>) src(%dma_wait3A_1971 : memref<8x4096xf32, #tpu.memory_space<vmem>>) dst(%dma_wait3A_1968 : memref<8x4096xf32, #tpu.memory_space<hbm>>)
      } else {
      }
      %scan3A_1957 = arith.constant 0 : i32
      scf.yield %scan3A_1957 : i32
    }
    %scan3A_1612 = arith.constant 32 : i32
    %mul3A_1613 = arith.constant 8 : i32
    %mul3A_1614 = arith.muli %add3A, %mul3A_1613 : i32
    %add3A_1615 = arith.constant 7 : i32
    %add3A_1616 = arith.addi %mul3A_1614, %add3A_1615 : i32
    %jit3A_1617 = arith.constant 16 : i32
    %div3A_1618 = arith.divsi %add3A_1616, %jit3A_1617 : i32
    %sign3A_1619 = arith.constant 0 : i32
    %sign3A_1620 = arith.cmpi sgt, %add3A_1616, %sign3A_1619 : i32
    %sign3A_1621 = arith.extui %sign3A_1620 : i1 to i32
    %sign3A_1622 = arith.constant 0 : i32
    %sign3A_1623 = arith.cmpi slt, %add3A_1616, %sign3A_1622 : i32
    %sign3A_1624 = arith.extui %sign3A_1623 : i1 to i32
    %sign3A_1625 = arith.subi %sign3A_1621, %sign3A_1624 : i32
    %sign3A_1626 = arith.constant 0 : i32
    %sign3A_1627 = arith.cmpi sgt, %jit3A_1617, %sign3A_1626 : i32
    %sign3A_1628 = arith.extui %sign3A_1627 : i1 to i32
    %sign3A_1629 = arith.constant 0 : i32
    %sign3A_1630 = arith.cmpi slt, %jit3A_1617, %sign3A_1629 : i32
    %sign3A_1631 = arith.extui %sign3A_1630 : i1 to i32
    %sign3A_1632 = arith.subi %sign3A_1628, %sign3A_1631 : i32
    %ne3A_1633 = arith.cmpi ne, %sign3A_1625, %sign3A_1632 : i32
    %rem3A_1634 = arith.remsi %add3A_1616, %jit3A_1617 : i32
    %ne3A_1635 = arith.constant 0 : i32
    %ne3A_1636 = arith.cmpi ne, %rem3A_1634, %ne3A_1635 : i32
    %and3A_1637 = arith.andi %ne3A_1633, %ne3A_1636 : i1
    %sub3A_1638 = arith.constant 1 : i32
    %sub3A_1639 = arith.subi %div3A_1618, %sub3A_1638 : i32
    %select_n3A_1640 = arith.select %and3A_1637, %sub3A_1639, %div3A_1618 : i32
    %jit3A_1641 = arith.constant 16 : i32
    %eq3A_1642 = arith.constant 0 : i32
    %eq3A_1643 = arith.cmpi eq, %jit3A_1641, %eq3A_1642 : i32
    %jit3A_1644 = arith.constant 1 : i32
    %select_n3A_1645 = arith.select %eq3A_1643, %jit3A_1644, %jit3A_1641 : i32
    %rem3A_1646 = arith.remsi %add3A_1616, %select_n3A_1645 : i32
    %ne3A_1647 = arith.constant 0 : i32
    %ne3A_1648 = arith.cmpi ne, %rem3A_1646, %ne3A_1647 : i32
    %lt3A_1649 = arith.constant 0 : i32
    %lt3A_1650 = arith.cmpi slt, %rem3A_1646, %lt3A_1649 : i32
    %lt3A_1651 = arith.constant 0 : i32
    %lt3A_1652 = arith.cmpi slt, %select_n3A_1645, %lt3A_1651 : i32
    %ne3A_1653 = arith.xori %lt3A_1650, %lt3A_1652 : i1
    %and3A_1654 = arith.andi %ne3A_1653, %ne3A_1648 : i1
    %add3A_1655 = arith.addi %rem3A_1646, %select_n3A_1645 : i32
    %select_n3A_1656 = arith.select %and3A_1654, %add3A_1655, %rem3A_1646 : i32
    %dma_wait3A_1657 = arith.constant 0 : i32
    %dma_wait3A_1658 = arith.constant 0 : i32
    %dma_wait3A_1659 = arith.constant 0 : i32
    %dma_wait3A_1660 = arith.constant 0 : i32
    %dma_wait3A_1661 = tpu.memref_slice %arg4[%dma_wait3A_1659, %dma_wait3A_1660] : memref<8x8064xf32, #tpu.memory_space<vmem>> -> memref<8x4096xf32, #tpu.memory_space<vmem>>
    %dma_wait3A_1662 = arith.constant 0 : i32
    %dma_wait3A_1663 = arith.constant 0 : i32
    %dma_wait3A_1664 = tpu.memref_slice %arg3[%dma_wait3A_1657, %dma_wait3A_1658, %dma_wait3A_1662, %dma_wait3A_1663] : memref<1x16x4096x4096xf32, #tpu.memory_space<hbm>> -> memref<1x1x8x4096xf32, #tpu.memory_space<hbm>>
    %dma_wait3A_1665 = tpu.memref_squeeze %dma_wait3A_1664 : memref<1x1x8x4096xf32, #tpu.memory_space<hbm>> -> memref<8x4096xf32, #tpu.memory_space<hbm>>
    %dma_wait3A_1666 = arith.constant 0 : i32
    %dma_wait3A_1667 = arith.constant 0 : i32
    %dma_wait3A_1668 = tpu.memref_slice %arg3[%dma_wait3A_1657, %dma_wait3A_1658, %dma_wait3A_1666, %dma_wait3A_1667] : memref<1x16x4096x4096xf32, #tpu.memory_space<hbm>> -> memref<1x1x8x4096xf32, #tpu.memory_space<hbm>>
    %dma_wait3A_1669 = tpu.memref_squeeze %dma_wait3A_1668 : memref<1x1x8x4096xf32, #tpu.memory_space<hbm>> -> memref<8x4096xf32, #tpu.memory_space<hbm>>
    %dma_wait3A_1670 = arith.constant 0 : i32
    %dma_wait3A_1671 = arith.constant 0 : i32
    %dma_wait3A_1672 = tpu.memref_slice %arg4[%dma_wait3A_1670, %dma_wait3A_1671] : memref<8x8064xf32, #tpu.memory_space<vmem>> -> memref<8x4096xf32, #tpu.memory_space<vmem>>
    tpu.wait_dma2 semaphore(%arg6 : memref<!tpu.dma_semaphore, #tpu.memory_space<semaphore_mem>>) src(%dma_wait3A_1672 : memref<8x4096xf32, #tpu.memory_space<vmem>>) dst(%dma_wait3A_1669 : memref<8x4096xf32, #tpu.memory_space<hbm>>)
    %dma_wait3A_1673 = arith.constant 0 : i32
    %dma_wait3A_1674 = arith.constant 0 : i32
    %dma_wait3A_1675 = arith.constant 0 : i32
    %dma_wait3A_1676 = arith.constant 0 : i32
    %dma_wait3A_1677 = tpu.memref_slice %arg4[%dma_wait3A_1675, %dma_wait3A_1676] : memref<8x8064xf32, #tpu.memory_space<vmem>> -> memref<8x4096xf32, #tpu.memory_space<vmem>>
    %dma_wait3A_1678 = arith.constant 0 : i32
    %dma_wait3A_1679 = arith.constant 0 : i32
    %dma_wait3A_1680 = tpu.memref_slice %arg3[%dma_wait3A_1673, %dma_wait3A_1674, %dma_wait3A_1678, %dma_wait3A_1679] : memref<1x16x4096x4096xf32, #tpu.memory_space<hbm>> -> memref<1x1x8x4096xf32, #tpu.memory_space<hbm>>
    %dma_wait3A_1681 = tpu.memref_squeeze %dma_wait3A_1680 : memref<1x1x8x4096xf32, #tpu.memory_space<hbm>> -> memref<8x4096xf32, #tpu.memory_space<hbm>>
    %dma_wait3A_1682 = arith.constant 0 : i32
    %dma_wait3A_1683 = arith.constant 0 : i32
    %dma_wait3A_1684 = tpu.memref_slice %arg3[%dma_wait3A_1673, %dma_wait3A_1674, %dma_wait3A_1682, %dma_wait3A_1683] : memref<1x16x4096x4096xf32, #tpu.memory_space<hbm>> -> memref<1x1x8x4096xf32, #tpu.memory_space<hbm>>
    %dma_wait3A_1685 = tpu.memref_squeeze %dma_wait3A_1684 : memref<1x1x8x4096xf32, #tpu.memory_space<hbm>> -> memref<8x4096xf32, #tpu.memory_space<hbm>>
    %dma_wait3A_1686 = arith.constant 0 : i32
    %dma_wait3A_1687 = arith.constant 0 : i32
    %dma_wait3A_1688 = tpu.memref_slice %arg4[%dma_wait3A_1686, %dma_wait3A_1687] : memref<8x8064xf32, #tpu.memory_space<vmem>> -> memref<8x4096xf32, #tpu.memory_space<vmem>>
    tpu.wait_dma2 semaphore(%arg6 : memref<!tpu.dma_semaphore, #tpu.memory_space<semaphore_mem>>) src(%dma_wait3A_1688 : memref<8x4096xf32, #tpu.memory_space<vmem>>) dst(%dma_wait3A_1685 : memref<8x4096xf32, #tpu.memory_space<hbm>>)
    %dma_wait3A_1689 = arith.constant 0 : i32
    %dma_wait3A_1690 = arith.constant 0 : i32
    %dma_wait3A_1691 = arith.constant 0 : i32
    %dma_wait3A_1692 = arith.constant 0 : i32
    %dma_wait3A_1693 = tpu.memref_slice %arg4[%dma_wait3A_1691, %dma_wait3A_1692] : memref<8x8064xf32, #tpu.memory_space<vmem>> -> memref<8x4096xf32, #tpu.memory_space<vmem>>
    %dma_wait3A_1694 = arith.constant 0 : i32
    %dma_wait3A_1695 = arith.constant 0 : i32
    %dma_wait3A_1696 = tpu.memref_slice %arg3[%dma_wait3A_1689, %dma_wait3A_1690, %dma_wait3A_1694, %dma_wait3A_1695] : memref<1x16x4096x4096xf32, #tpu.memory_space<hbm>> -> memref<1x1x8x4096xf32, #tpu.memory_space<hbm>>
    %dma_wait3A_1697 = tpu.memref_squeeze %dma_wait3A_1696 : memref<1x1x8x4096xf32, #tpu.memory_space<hbm>> -> memref<8x4096xf32, #tpu.memory_space<hbm>>
    %dma_wait3A_1698 = arith.constant 0 : i32
    %dma_wait3A_1699 = arith.constant 0 : i32
    %dma_wait3A_1700 = tpu.memref_slice %arg3[%dma_wait3A_1689, %dma_wait3A_1690, %dma_wait3A_1698, %dma_wait3A_1699] : memref<1x16x4096x4096xf32, #tpu.memory_space<hbm>> -> memref<1x1x8x4096xf32, #tpu.memory_space<hbm>>
    %dma_wait3A_1701 = tpu.memref_squeeze %dma_wait3A_1700 : memref<1x1x8x4096xf32, #tpu.memory_space<hbm>> -> memref<8x4096xf32, #tpu.memory_space<hbm>>
    %dma_wait3A_1702 = arith.constant 0 : i32
    %dma_wait3A_1703 = arith.constant 0 : i32
    %dma_wait3A_1704 = tpu.memref_slice %arg4[%dma_wait3A_1702, %dma_wait3A_1703] : memref<8x8064xf32, #tpu.memory_space<vmem>> -> memref<8x4096xf32, #tpu.memory_space<vmem>>
    tpu.wait_dma2 semaphore(%arg6 : memref<!tpu.dma_semaphore, #tpu.memory_space<semaphore_mem>>) src(%dma_wait3A_1704 : memref<8x4096xf32, #tpu.memory_space<vmem>>) dst(%dma_wait3A_1701 : memref<8x4096xf32, #tpu.memory_space<hbm>>)
    %dma_wait3A_1705 = arith.constant 0 : i32
    %dma_wait3A_1706 = arith.constant 0 : i32
    %dma_wait3A_1707 = arith.constant 0 : i32
    %dma_wait3A_1708 = arith.constant 0 : i32
    %dma_wait3A_1709 = tpu.memref_slice %arg4[%dma_wait3A_1707, %dma_wait3A_1708] : memref<8x8064xf32, #tpu.memory_space<vmem>> -> memref<8x4096xf32, #tpu.memory_space<vmem>>
    %dma_wait3A_1710 = arith.constant 0 : i32
    %dma_wait3A_1711 = arith.constant 0 : i32
    %dma_wait3A_1712 = tpu.memref_slice %arg3[%dma_wait3A_1705, %dma_wait3A_1706, %dma_wait3A_1710, %dma_wait3A_1711] : memref<1x16x4096x4096xf32, #tpu.memory_space<hbm>> -> memref<1x1x8x4096xf32, #tpu.memory_space<hbm>>
    %dma_wait3A_1713 = tpu.memref_squeeze %dma_wait3A_1712 : memref<1x1x8x4096xf32, #tpu.memory_space<hbm>> -> memref<8x4096xf32, #tpu.memory_space<hbm>>
    %dma_wait3A_1714 = arith.constant 0 : i32
    %dma_wait3A_1715 = arith.constant 0 : i32
    %dma_wait3A_1716 = tpu.memref_slice %arg3[%dma_wait3A_1705, %dma_wait3A_1706, %dma_wait3A_1714, %dma_wait3A_1715] : memref<1x16x4096x4096xf32, #tpu.memory_space<hbm>> -> memref<1x1x8x4096xf32, #tpu.memory_space<hbm>>
    %dma_wait3A_1717 = tpu.memref_squeeze %dma_wait3A_1716 : memref<1x1x8x4096xf32, #tpu.memory_space<hbm>> -> memref<8x4096xf32, #tpu.memory_space<hbm>>
    %dma_wait3A_1718 = arith.constant 0 : i32
    %dma_wait3A_1719 = arith.constant 0 : i32
    %dma_wait3A_1720 = tpu.memref_slice %arg4[%dma_wait3A_1718, %dma_wait3A_1719] : memref<8x8064xf32, #tpu.memory_space<vmem>> -> memref<8x4096xf32, #tpu.memory_space<vmem>>
    tpu.wait_dma2 semaphore(%arg6 : memref<!tpu.dma_semaphore, #tpu.memory_space<semaphore_mem>>) src(%dma_wait3A_1720 : memref<8x4096xf32, #tpu.memory_space<vmem>>) dst(%dma_wait3A_1717 : memref<8x4096xf32, #tpu.memory_space<hbm>>)
    %dma_wait3A_1721 = arith.constant 0 : i32
    %dma_wait3A_1722 = arith.constant 0 : i32
    %dma_wait3A_1723 = arith.constant 0 : i32
    %dma_wait3A_1724 = arith.constant 0 : i32
    %dma_wait3A_1725 = tpu.memref_slice %arg4[%dma_wait3A_1723, %dma_wait3A_1724] : memref<8x8064xf32, #tpu.memory_space<vmem>> -> memref<8x4096xf32, #tpu.memory_space<vmem>>
    %dma_wait3A_1726 = arith.constant 0 : i32
    %dma_wait3A_1727 = arith.constant 0 : i32
    %dma_wait3A_1728 = tpu.memref_slice %arg3[%dma_wait3A_1721, %dma_wait3A_1722, %dma_wait3A_1726, %dma_wait3A_1727] : memref<1x16x4096x4096xf32, #tpu.memory_space<hbm>> -> memref<1x1x8x4096xf32, #tpu.memory_space<hbm>>
    %dma_wait3A_1729 = tpu.memref_squeeze %dma_wait3A_1728 : memref<1x1x8x4096xf32, #tpu.memory_space<hbm>> -> memref<8x4096xf32, #tpu.memory_space<hbm>>
    %dma_wait3A_1730 = arith.constant 0 : i32
    %dma_wait3A_1731 = arith.constant 0 : i32
    %dma_wait3A_1732 = tpu.memref_slice %arg3[%dma_wait3A_1721, %dma_wait3A_1722, %dma_wait3A_1730, %dma_wait3A_1731] : memref<1x16x4096x4096xf32, #tpu.memory_space<hbm>> -> memref<1x1x8x4096xf32, #tpu.memory_space<hbm>>
    %dma_wait3A_1733 = tpu.memref_squeeze %dma_wait3A_1732 : memref<1x1x8x4096xf32, #tpu.memory_space<hbm>> -> memref<8x4096xf32, #tpu.memory_space<hbm>>
    %dma_wait3A_1734 = arith.constant 0 : i32
    %dma_wait3A_1735 = arith.constant 0 : i32
    %dma_wait3A_1736 = tpu.memref_slice %arg4[%dma_wait3A_1734, %dma_wait3A_1735] : memref<8x8064xf32, #tpu.memory_space<vmem>> -> memref<8x4096xf32, #tpu.memory_space<vmem>>
    tpu.wait_dma2 semaphore(%arg6 : memref<!tpu.dma_semaphore, #tpu.memory_space<semaphore_mem>>) src(%dma_wait3A_1736 : memref<8x4096xf32, #tpu.memory_space<vmem>>) dst(%dma_wait3A_1733 : memref<8x4096xf32, #tpu.memory_space<hbm>>)
    %dma_wait3A_1737 = arith.constant 0 : i32
    %dma_wait3A_1738 = arith.constant 0 : i32
    %dma_wait3A_1739 = arith.constant 0 : i32
    %dma_wait3A_1740 = arith.constant 0 : i32
    %dma_wait3A_1741 = tpu.memref_slice %arg4[%dma_wait3A_1739, %dma_wait3A_1740] : memref<8x8064xf32, #tpu.memory_space<vmem>> -> memref<8x4096xf32, #tpu.memory_space<vmem>>
    %dma_wait3A_1742 = arith.constant 0 : i32
    %dma_wait3A_1743 = arith.constant 0 : i32
    %dma_wait3A_1744 = tpu.memref_slice %arg3[%dma_wait3A_1737, %dma_wait3A_1738, %dma_wait3A_1742, %dma_wait3A_1743] : memref<1x16x4096x4096xf32, #tpu.memory_space<hbm>> -> memref<1x1x8x4096xf32, #tpu.memory_space<hbm>>
    %dma_wait3A_1745 = tpu.memref_squeeze %dma_wait3A_1744 : memref<1x1x8x4096xf32, #tpu.memory_space<hbm>> -> memref<8x4096xf32, #tpu.memory_space<hbm>>
    %dma_wait3A_1746 = arith.constant 0 : i32
    %dma_wait3A_1747 = arith.constant 0 : i32
    %dma_wait3A_1748 = tpu.memref_slice %arg3[%dma_wait3A_1737, %dma_wait3A_1738, %dma_wait3A_1746, %dma_wait3A_1747] : memref<1x16x4096x4096xf32, #tpu.memory_space<hbm>> -> memref<1x1x8x4096xf32, #tpu.memory_space<hbm>>
    %dma_wait3A_1749 = tpu.memref_squeeze %dma_wait3A_1748 : memref<1x1x8x4096xf32, #tpu.memory_space<hbm>> -> memref<8x4096xf32, #tpu.memory_space<hbm>>
    %dma_wait3A_1750 = arith.constant 0 : i32
    %dma_wait3A_1751 = arith.constant 0 : i32
    %dma_wait3A_1752 = tpu.memref_slice %arg4[%dma_wait3A_1750, %dma_wait3A_1751] : memref<8x8064xf32, #tpu.memory_space<vmem>> -> memref<8x4096xf32, #tpu.memory_space<vmem>>
    tpu.wait_dma2 semaphore(%arg6 : memref<!tpu.dma_semaphore, #tpu.memory_space<semaphore_mem>>) src(%dma_wait3A_1752 : memref<8x4096xf32, #tpu.memory_space<vmem>>) dst(%dma_wait3A_1749 : memref<8x4096xf32, #tpu.memory_space<hbm>>)
    %dma_wait3A_1753 = arith.constant 0 : i32
    %dma_wait3A_1754 = arith.constant 0 : i32
    %dma_wait3A_1755 = arith.constant 0 : i32
    %dma_wait3A_1756 = arith.constant 0 : i32
    %dma_wait3A_1757 = tpu.memref_slice %arg4[%dma_wait3A_1755, %dma_wait3A_1756] : memref<8x8064xf32, #tpu.memory_space<vmem>> -> memref<8x4096xf32, #tpu.memory_space<vmem>>
    %dma_wait3A_1758 = arith.constant 0 : i32
    %dma_wait3A_1759 = arith.constant 0 : i32
    %dma_wait3A_1760 = tpu.memref_slice %arg3[%dma_wait3A_1753, %dma_wait3A_1754, %dma_wait3A_1758, %dma_wait3A_1759] : memref<1x16x4096x4096xf32, #tpu.memory_space<hbm>> -> memref<1x1x8x4096xf32, #tpu.memory_space<hbm>>
    %dma_wait3A_1761 = tpu.memref_squeeze %dma_wait3A_1760 : memref<1x1x8x4096xf32, #tpu.memory_space<hbm>> -> memref<8x4096xf32, #tpu.memory_space<hbm>>
    %dma_wait3A_1762 = arith.constant 0 : i32
    %dma_wait3A_1763 = arith.constant 0 : i32
    %dma_wait3A_1764 = tpu.memref_slice %arg3[%dma_wait3A_1753, %dma_wait3A_1754, %dma_wait3A_1762, %dma_wait3A_1763] : memref<1x16x4096x4096xf32, #tpu.memory_space<hbm>> -> memref<1x1x8x4096xf32, #tpu.memory_space<hbm>>
    %dma_wait3A_1765 = tpu.memref_squeeze %dma_wait3A_1764 : memref<1x1x8x4096xf32, #tpu.memory_space<hbm>> -> memref<8x4096xf32, #tpu.memory_space<hbm>>
    %dma_wait3A_1766 = arith.constant 0 : i32
    %dma_wait3A_1767 = arith.constant 0 : i32
    %dma_wait3A_1768 = tpu.memref_slice %arg4[%dma_wait3A_1766, %dma_wait3A_1767] : memref<8x8064xf32, #tpu.memory_space<vmem>> -> memref<8x4096xf32, #tpu.memory_space<vmem>>
    tpu.wait_dma2 semaphore(%arg6 : memref<!tpu.dma_semaphore, #tpu.memory_space<semaphore_mem>>) src(%dma_wait3A_1768 : memref<8x4096xf32, #tpu.memory_space<vmem>>) dst(%dma_wait3A_1765 : memref<8x4096xf32, #tpu.memory_space<hbm>>)
    %dma_wait3A_1769 = arith.constant 0 : i32
    %dma_wait3A_1770 = arith.constant 0 : i32
    %dma_wait3A_1771 = arith.constant 0 : i32
    %dma_wait3A_1772 = arith.constant 0 : i32
    %dma_wait3A_1773 = tpu.memref_slice %arg4[%dma_wait3A_1771, %dma_wait3A_1772] : memref<8x8064xf32, #tpu.memory_space<vmem>> -> memref<8x4096xf32, #tpu.memory_space<vmem>>
    %dma_wait3A_1774 = arith.constant 0 : i32
    %dma_wait3A_1775 = arith.constant 0 : i32
    %dma_wait3A_1776 = tpu.memref_slice %arg3[%dma_wait3A_1769, %dma_wait3A_1770, %dma_wait3A_1774, %dma_wait3A_1775] : memref<1x16x4096x4096xf32, #tpu.memory_space<hbm>> -> memref<1x1x8x4096xf32, #tpu.memory_space<hbm>>
    %dma_wait3A_1777 = tpu.memref_squeeze %dma_wait3A_1776 : memref<1x1x8x4096xf32, #tpu.memory_space<hbm>> -> memref<8x4096xf32, #tpu.memory_space<hbm>>
    %dma_wait3A_1778 = arith.constant 0 : i32
    %dma_wait3A_1779 = arith.constant 0 : i32
    %dma_wait3A_1780 = tpu.memref_slice %arg3[%dma_wait3A_1769, %dma_wait3A_1770, %dma_wait3A_1778, %dma_wait3A_1779] : memref<1x16x4096x4096xf32, #tpu.memory_space<hbm>> -> memref<1x1x8x4096xf32, #tpu.memory_space<hbm>>
    %dma_wait3A_1781 = tpu.memref_squeeze %dma_wait3A_1780 : memref<1x1x8x4096xf32, #tpu.memory_space<hbm>> -> memref<8x4096xf32, #tpu.memory_space<hbm>>
    %dma_wait3A_1782 = arith.constant 0 : i32
    %dma_wait3A_1783 = arith.constant 0 : i32
    %dma_wait3A_1784 = tpu.memref_slice %arg4[%dma_wait3A_1782, %dma_wait3A_1783] : memref<8x8064xf32, #tpu.memory_space<vmem>> -> memref<8x4096xf32, #tpu.memory_space<vmem>>
    tpu.wait_dma2 semaphore(%arg6 : memref<!tpu.dma_semaphore, #tpu.memory_space<semaphore_mem>>) src(%dma_wait3A_1784 : memref<8x4096xf32, #tpu.memory_space<vmem>>) dst(%dma_wait3A_1781 : memref<8x4096xf32, #tpu.memory_space<hbm>>)
    %dma_wait3A_1785 = arith.constant 0 : i32
    %dma_wait3A_1786 = arith.constant 0 : i32
    %dma_wait3A_1787 = arith.constant 0 : i32
    %dma_wait3A_1788 = arith.constant 0 : i32
    %dma_wait3A_1789 = tpu.memref_slice %arg2[%dma_wait3A_1785, %dma_wait3A_1786, %dma_wait3A_1787, %dma_wait3A_1788] : memref<16x16x8x8064xf32, #tpu.memory_space<hbm>> -> memref<1x1x8x8064xf32, #tpu.memory_space<hbm>>
    %dma_wait3A_1790 = tpu.memref_squeeze %dma_wait3A_1789 : memref<1x1x8x8064xf32, #tpu.memory_space<hbm>> -> memref<8x8064xf32, #tpu.memory_space<hbm>>
    %dma_wait3A_1791 = arith.constant 0 : i32
    %dma_wait3A_1792 = arith.constant 0 : i32
    %dma_wait3A_1793 = tpu.memref_slice %arg2[%dma_wait3A_1785, %dma_wait3A_1786, %dma_wait3A_1791, %dma_wait3A_1792] : memref<16x16x8x8064xf32, #tpu.memory_space<hbm>> -> memref<1x1x8x8064xf32, #tpu.memory_space<hbm>>
    %dma_wait3A_1794 = tpu.memref_squeeze %dma_wait3A_1793 : memref<1x1x8x8064xf32, #tpu.memory_space<hbm>> -> memref<8x8064xf32, #tpu.memory_space<hbm>>
    tpu.wait_dma2 semaphore(%arg7 : memref<!tpu.dma_semaphore, #tpu.memory_space<semaphore_mem>>) src(%dma_wait3A_1794 : memref<8x8064xf32, #tpu.memory_space<hbm>>) dst(%arg4 : memref<8x8064xf32, #tpu.memory_space<vmem>>)
    %scan3A_1795 = arith.constant 0 : i32
    %scan3A_1796 = arith.constant 0 : i32
    %scan3A_1797 = arith.constant 0 : i32
    %scan3A_1798 = arith.constant 0 : i32
    %scan3A_1799 = arith.constant 32 : i32
    %scan3A_1800 = arith.addi %scan3A_1798, %scan3A_1799 : i32
    %scan3A_1801 = arith.constant 1 : i32
    %scan3A_1802 = scf.for %scan3A_1932 = %scan3A_1798 to %scan3A_1800 step %scan3A_1801 iter_args(%scan3A_1933 = %scan3A_1797) -> (i32)  : i32 {
      %mul3A_1934 = arith.constant 128 : i32
      %mul3A_1935 = arith.muli %mul3A_1934, %scan3A_1932 : i32
      %sub3A_1936 = arith.constant 4088 : i32
      %sub3A_1937 = arith.subi %sub3A_1936, %mul3A_1935 : i32
      %mul3A_1938 = arith.constant 8 : i32
      %mul3A_1939 = arith.muli %mul3A_1938, %select_n3A_1656 : i32
      %sub3A_1940 = arith.subi %sub3A_1937, %mul3A_1939 : i32
      %mul3A_1941 = arith.constant 128 : i32
      %mul3A_1942 = arith.muli %mul3A_1941, %scan3A_1932 : i32
      %multiple_of3A = tpu.assume_multiple %mul3A_1942, 128 : i32
      %multiple_of3A_1943 = tpu.assume_multiple %sub3A_1940, 8 : i32
      %dma_start3A_1944 = arith.constant 0 : i32
      %dma_start3A_1945 = arith.constant 0 : i32
      %dma_start3A_1946 = tpu.memref_slice %arg5[%dma_start3A_1945, %multiple_of3A] : memref<8x8064xf32, #tpu.memory_space<vmem>> -> memref<8x4096xf32, #tpu.memory_space<vmem>>
      %dma_start3A_1947 = arith.constant 0 : i32
      %dma_start3A_1948 = tpu.memref_slice %arg3[%dma_start3A_1944, %select_n3A_1640, %multiple_of3A_1943, %dma_start3A_1947] : memref<1x16x4096x4096xf32, #tpu.memory_space<hbm>> -> memref<1x1x8x4096xf32, #tpu.memory_space<hbm>>
      %dma_start3A_1949 = tpu.memref_squeeze %dma_start3A_1948 : memref<1x1x8x4096xf32, #tpu.memory_space<hbm>> -> memref<8x4096xf32, #tpu.memory_space<hbm>>
      %dma_start3A_1950 = arith.constant 0 : i32
      %dma_start3A_1951 = tpu.memref_slice %arg3[%dma_start3A_1944, %select_n3A_1640, %multiple_of3A_1943, %dma_start3A_1950] : memref<1x16x4096x4096xf32, #tpu.memory_space<hbm>> -> memref<1x1x8x4096xf32, #tpu.memory_space<hbm>>
      %dma_start3A_1952 = tpu.memref_squeeze %dma_start3A_1951 : memref<1x1x8x4096xf32, #tpu.memory_space<hbm>> -> memref<8x4096xf32, #tpu.memory_space<hbm>>
      %dma_start3A_1953 = arith.constant 0 : i32
      %dma_start3A_1954 = tpu.memref_slice %arg5[%dma_start3A_1953, %multiple_of3A] : memref<8x8064xf32, #tpu.memory_space<vmem>> -> memref<8x4096xf32, #tpu.memory_space<vmem>>
      tpu.enqueue_dma source(%dma_start3A_1954 : memref<8x4096xf32, #tpu.memory_space<vmem>>) target(%dma_start3A_1952 : memref<8x4096xf32, #tpu.memory_space<hbm>>) target_semaphore(%arg6 : memref<!tpu.dma_semaphore, #tpu.memory_space<semaphore_mem>>)
      %ge3A = arith.constant 8 : i32
      %ge3A_1955 = arith.cmpi sge, %scan3A_1932, %ge3A : i32
      %convert_element_type3A = arith.extui %ge3A_1955 : i1 to i32
      %cond3A = arith.constant 0 : i32
      %cond3A_1956 = arith.cmpi ne, %convert_element_type3A, %cond3A : i32
      scf.if %cond3A_1956 {
        %dma_wait3A_1958 = arith.constant 0 : i32
        %dma_wait3A_1959 = arith.constant 0 : i32
        %dma_wait3A_1960 = tpu.memref_slice %arg4[%dma_wait3A_1958, %dma_wait3A_1959] : memref<8x8064xf32, #tpu.memory_space<vmem>> -> memref<8x4096xf32, #tpu.memory_space<vmem>>
        %dma_wait3A_1961 = arith.constant 0 : i32
        %dma_wait3A_1962 = arith.constant 0 : i32
        %dma_wait3A_1963 = tpu.memref_slice %arg3[%scan3A_1795, %scan3A_1796, %dma_wait3A_1961, %dma_wait3A_1962] : memref<1x16x4096x4096xf32, #tpu.memory_space<hbm>> -> memref<1x1x8x4096xf32, #tpu.memory_space<hbm>>
        %dma_wait3A_1964 = tpu.memref_squeeze %dma_wait3A_1963 : memref<1x1x8x4096xf32, #tpu.memory_space<hbm>> -> memref<8x4096xf32, #tpu.memory_space<hbm>>
        %dma_wait3A_1965 = arith.constant 0 : i32
        %dma_wait3A_1966 = arith.constant 0 : i32
        %dma_wait3A_1967 = tpu.memref_slice %arg3[%scan3A_1795, %scan3A_1796, %dma_wait3A_1965, %dma_wait3A_1966] : memref<1x16x4096x4096xf32, #tpu.memory_space<hbm>> -> memref<1x1x8x4096xf32, #tpu.memory_space<hbm>>
        %dma_wait3A_1968 = tpu.memref_squeeze %dma_wait3A_1967 : memref<1x1x8x4096xf32, #tpu.memory_space<hbm>> -> memref<8x4096xf32, #tpu.memory_space<hbm>>
        %dma_wait3A_1969 = arith.constant 0 : i32
        %dma_wait3A_1970 = arith.constant 0 : i32
        %dma_wait3A_1971 = tpu.memref_slice %arg4[%dma_wait3A_1969, %dma_wait3A_1970] : memref<8x8064xf32, #tpu.memory_space<vmem>> -> memref<8x4096xf32, #tpu.memory_space<vmem>>
        tpu.wait_dma2 semaphore(%arg6 : memref<!tpu.dma_semaphore, #tpu.memory_space<semaphore_mem>>) src(%dma_wait3A_1971 : memref<8x4096xf32, #tpu.memory_space<vmem>>) dst(%dma_wait3A_1968 : memref<8x4096xf32, #tpu.memory_space<hbm>>)
      } else {
      }
      %scan3A_1957 = arith.constant 0 : i32
      scf.yield %scan3A_1957 : i32
    }
    %scan3A_1803 = arith.constant 32 : i32
    %dma_wait3A_1804 = arith.constant 0 : i32
    %dma_wait3A_1805 = arith.constant 0 : i32
    %dma_wait3A_1806 = arith.constant 0 : i32
    %dma_wait3A_1807 = arith.constant 0 : i32
    %dma_wait3A_1808 = tpu.memref_slice %arg4[%dma_wait3A_1806, %dma_wait3A_1807] : memref<8x8064xf32, #tpu.memory_space<vmem>> -> memref<8x4096xf32, #tpu.memory_space<vmem>>
    %dma_wait3A_1809 = arith.constant 0 : i32
    %dma_wait3A_1810 = arith.constant 0 : i32
    %dma_wait3A_1811 = tpu.memref_slice %arg3[%dma_wait3A_1804, %dma_wait3A_1805, %dma_wait3A_1809, %dma_wait3A_1810] : memref<1x16x4096x4096xf32, #tpu.memory_space<hbm>> -> memref<1x1x8x4096xf32, #tpu.memory_space<hbm>>
    %dma_wait3A_1812 = tpu.memref_squeeze %dma_wait3A_1811 : memref<1x1x8x4096xf32, #tpu.memory_space<hbm>> -> memref<8x4096xf32, #tpu.memory_space<hbm>>
    %dma_wait3A_1813 = arith.constant 0 : i32
    %dma_wait3A_1814 = arith.constant 0 : i32
    %dma_wait3A_1815 = tpu.memref_slice %arg3[%dma_wait3A_1804, %dma_wait3A_1805, %dma_wait3A_1813, %dma_wait3A_1814] : memref<1x16x4096x4096xf32, #tpu.memory_space<hbm>> -> memref<1x1x8x4096xf32, #tpu.memory_space<hbm>>
    %dma_wait3A_1816 = tpu.memref_squeeze %dma_wait3A_1815 : memref<1x1x8x4096xf32, #tpu.memory_space<hbm>> -> memref<8x4096xf32, #tpu.memory_space<hbm>>
    %dma_wait3A_1817 = arith.constant 0 : i32
    %dma_wait3A_1818 = arith.constant 0 : i32
    %dma_wait3A_1819 = tpu.memref_slice %arg4[%dma_wait3A_1817, %dma_wait3A_1818] : memref<8x8064xf32, #tpu.memory_space<vmem>> -> memref<8x4096xf32, #tpu.memory_space<vmem>>
    tpu.wait_dma2 semaphore(%arg6 : memref<!tpu.dma_semaphore, #tpu.memory_space<semaphore_mem>>) src(%dma_wait3A_1819 : memref<8x4096xf32, #tpu.memory_space<vmem>>) dst(%dma_wait3A_1816 : memref<8x4096xf32, #tpu.memory_space<hbm>>)
    %dma_wait3A_1820 = arith.constant 0 : i32
    %dma_wait3A_1821 = arith.constant 0 : i32
    %dma_wait3A_1822 = arith.constant 0 : i32
    %dma_wait3A_1823 = arith.constant 0 : i32
    %dma_wait3A_1824 = tpu.memref_slice %arg4[%dma_wait3A_1822, %dma_wait3A_1823] : memref<8x8064xf32, #tpu.memory_space<vmem>> -> memref<8x4096xf32, #tpu.memory_space<vmem>>
    %dma_wait3A_1825 = arith.constant 0 : i32
    %dma_wait3A_1826 = arith.constant 0 : i32
    %dma_wait3A_1827 = tpu.memref_slice %arg3[%dma_wait3A_1820, %dma_wait3A_1821, %dma_wait3A_1825, %dma_wait3A_1826] : memref<1x16x4096x4096xf32, #tpu.memory_space<hbm>> -> memref<1x1x8x4096xf32, #tpu.memory_space<hbm>>
    %dma_wait3A_1828 = tpu.memref_squeeze %dma_wait3A_1827 : memref<1x1x8x4096xf32, #tpu.memory_space<hbm>> -> memref<8x4096xf32, #tpu.memory_space<hbm>>
    %dma_wait3A_1829 = arith.constant 0 : i32
    %dma_wait3A_1830 = arith.constant 0 : i32
    %dma_wait3A_1831 = tpu.memref_slice %arg3[%dma_wait3A_1820, %dma_wait3A_1821, %dma_wait3A_1829, %dma_wait3A_1830] : memref<1x16x4096x4096xf32, #tpu.memory_space<hbm>> -> memref<1x1x8x4096xf32, #tpu.memory_space<hbm>>
    %dma_wait3A_1832 = tpu.memref_squeeze %dma_wait3A_1831 : memref<1x1x8x4096xf32, #tpu.memory_space<hbm>> -> memref<8x4096xf32, #tpu.memory_space<hbm>>
    %dma_wait3A_1833 = arith.constant 0 : i32
    %dma_wait3A_1834 = arith.constant 0 : i32
    %dma_wait3A_1835 = tpu.memref_slice %arg4[%dma_wait3A_1833, %dma_wait3A_1834] : memref<8x8064xf32, #tpu.memory_space<vmem>> -> memref<8x4096xf32, #tpu.memory_space<vmem>>
    tpu.wait_dma2 semaphore(%arg6 : memref<!tpu.dma_semaphore, #tpu.memory_space<semaphore_mem>>) src(%dma_wait3A_1835 : memref<8x4096xf32, #tpu.memory_space<vmem>>) dst(%dma_wait3A_1832 : memref<8x4096xf32, #tpu.memory_space<hbm>>)
    %dma_wait3A_1836 = arith.constant 0 : i32
    %dma_wait3A_1837 = arith.constant 0 : i32
    %dma_wait3A_1838 = arith.constant 0 : i32
    %dma_wait3A_1839 = arith.constant 0 : i32
    %dma_wait3A_1840 = tpu.memref_slice %arg4[%dma_wait3A_1838, %dma_wait3A_1839] : memref<8x8064xf32, #tpu.memory_space<vmem>> -> memref<8x4096xf32, #tpu.memory_space<vmem>>
    %dma_wait3A_1841 = arith.constant 0 : i32
    %dma_wait3A_1842 = arith.constant 0 : i32
    %dma_wait3A_1843 = tpu.memref_slice %arg3[%dma_wait3A_1836, %dma_wait3A_1837, %dma_wait3A_1841, %dma_wait3A_1842] : memref<1x16x4096x4096xf32, #tpu.memory_space<hbm>> -> memref<1x1x8x4096xf32, #tpu.memory_space<hbm>>
    %dma_wait3A_1844 = tpu.memref_squeeze %dma_wait3A_1843 : memref<1x1x8x4096xf32, #tpu.memory_space<hbm>> -> memref<8x4096xf32, #tpu.memory_space<hbm>>
    %dma_wait3A_1845 = arith.constant 0 : i32
    %dma_wait3A_1846 = arith.constant 0 : i32
    %dma_wait3A_1847 = tpu.memref_slice %arg3[%dma_wait3A_1836, %dma_wait3A_1837, %dma_wait3A_1845, %dma_wait3A_1846] : memref<1x16x4096x4096xf32, #tpu.memory_space<hbm>> -> memref<1x1x8x4096xf32, #tpu.memory_space<hbm>>
    %dma_wait3A_1848 = tpu.memref_squeeze %dma_wait3A_1847 : memref<1x1x8x4096xf32, #tpu.memory_space<hbm>> -> memref<8x4096xf32, #tpu.memory_space<hbm>>
    %dma_wait3A_1849 = arith.constant 0 : i32
    %dma_wait3A_1850 = arith.constant 0 : i32
    %dma_wait3A_1851 = tpu.memref_slice %arg4[%dma_wait3A_1849, %dma_wait3A_1850] : memref<8x8064xf32, #tpu.memory_space<vmem>> -> memref<8x4096xf32, #tpu.memory_space<vmem>>
    tpu.wait_dma2 semaphore(%arg6 : memref<!tpu.dma_semaphore, #tpu.memory_space<semaphore_mem>>) src(%dma_wait3A_1851 : memref<8x4096xf32, #tpu.memory_space<vmem>>) dst(%dma_wait3A_1848 : memref<8x4096xf32, #tpu.memory_space<hbm>>)
    %dma_wait3A_1852 = arith.constant 0 : i32
    %dma_wait3A_1853 = arith.constant 0 : i32
    %dma_wait3A_1854 = arith.constant 0 : i32
    %dma_wait3A_1855 = arith.constant 0 : i32
    %dma_wait3A_1856 = tpu.memref_slice %arg4[%dma_wait3A_1854, %dma_wait3A_1855] : memref<8x8064xf32, #tpu.memory_space<vmem>> -> memref<8x4096xf32, #tpu.memory_space<vmem>>
    %dma_wait3A_1857 = arith.constant 0 : i32
    %dma_wait3A_1858 = arith.constant 0 : i32
    %dma_wait3A_1859 = tpu.memref_slice %arg3[%dma_wait3A_1852, %dma_wait3A_1853, %dma_wait3A_1857, %dma_wait3A_1858] : memref<1x16x4096x4096xf32, #tpu.memory_space<hbm>> -> memref<1x1x8x4096xf32, #tpu.memory_space<hbm>>
    %dma_wait3A_1860 = tpu.memref_squeeze %dma_wait3A_1859 : memref<1x1x8x4096xf32, #tpu.memory_space<hbm>> -> memref<8x4096xf32, #tpu.memory_space<hbm>>
    %dma_wait3A_1861 = arith.constant 0 : i32
    %dma_wait3A_1862 = arith.constant 0 : i32
    %dma_wait3A_1863 = tpu.memref_slice %arg3[%dma_wait3A_1852, %dma_wait3A_1853, %dma_wait3A_1861, %dma_wait3A_1862] : memref<1x16x4096x4096xf32, #tpu.memory_space<hbm>> -> memref<1x1x8x4096xf32, #tpu.memory_space<hbm>>
    %dma_wait3A_1864 = tpu.memref_squeeze %dma_wait3A_1863 : memref<1x1x8x4096xf32, #tpu.memory_space<hbm>> -> memref<8x4096xf32, #tpu.memory_space<hbm>>
    %dma_wait3A_1865 = arith.constant 0 : i32
    %dma_wait3A_1866 = arith.constant 0 : i32
    %dma_wait3A_1867 = tpu.memref_slice %arg4[%dma_wait3A_1865, %dma_wait3A_1866] : memref<8x8064xf32, #tpu.memory_space<vmem>> -> memref<8x4096xf32, #tpu.memory_space<vmem>>
    tpu.wait_dma2 semaphore(%arg6 : memref<!tpu.dma_semaphore, #tpu.memory_space<semaphore_mem>>) src(%dma_wait3A_1867 : memref<8x4096xf32, #tpu.memory_space<vmem>>) dst(%dma_wait3A_1864 : memref<8x4096xf32, #tpu.memory_space<hbm>>)
    %dma_wait3A_1868 = arith.constant 0 : i32
    %dma_wait3A_1869 = arith.constant 0 : i32
    %dma_wait3A_1870 = arith.constant 0 : i32
    %dma_wait3A_1871 = arith.constant 0 : i32
    %dma_wait3A_1872 = tpu.memref_slice %arg4[%dma_wait3A_1870, %dma_wait3A_1871] : memref<8x8064xf32, #tpu.memory_space<vmem>> -> memref<8x4096xf32, #tpu.memory_space<vmem>>
    %dma_wait3A_1873 = arith.constant 0 : i32
    %dma_wait3A_1874 = arith.constant 0 : i32
    %dma_wait3A_1875 = tpu.memref_slice %arg3[%dma_wait3A_1868, %dma_wait3A_1869, %dma_wait3A_1873, %dma_wait3A_1874] : memref<1x16x4096x4096xf32, #tpu.memory_space<hbm>> -> memref<1x1x8x4096xf32, #tpu.memory_space<hbm>>
    %dma_wait3A_1876 = tpu.memref_squeeze %dma_wait3A_1875 : memref<1x1x8x4096xf32, #tpu.memory_space<hbm>> -> memref<8x4096xf32, #tpu.memory_space<hbm>>
    %dma_wait3A_1877 = arith.constant 0 : i32
    %dma_wait3A_1878 = arith.constant 0 : i32
    %dma_wait3A_1879 = tpu.memref_slice %arg3[%dma_wait3A_1868, %dma_wait3A_1869, %dma_wait3A_1877, %dma_wait3A_1878] : memref<1x16x4096x4096xf32, #tpu.memory_space<hbm>> -> memref<1x1x8x4096xf32, #tpu.memory_space<hbm>>
    %dma_wait3A_1880 = tpu.memref_squeeze %dma_wait3A_1879 : memref<1x1x8x4096xf32, #tpu.memory_space<hbm>> -> memref<8x4096xf32, #tpu.memory_space<hbm>>
    %dma_wait3A_1881 = arith.constant 0 : i32
    %dma_wait3A_1882 = arith.constant 0 : i32
    %dma_wait3A_1883 = tpu.memref_slice %arg4[%dma_wait3A_1881, %dma_wait3A_1882] : memref<8x8064xf32, #tpu.memory_space<vmem>> -> memref<8x4096xf32, #tpu.memory_space<vmem>>
    tpu.wait_dma2 semaphore(%arg6 : memref<!tpu.dma_semaphore, #tpu.memory_space<semaphore_mem>>) src(%dma_wait3A_1883 : memref<8x4096xf32, #tpu.memory_space<vmem>>) dst(%dma_wait3A_1880 : memref<8x4096xf32, #tpu.memory_space<hbm>>)
    %dma_wait3A_1884 = arith.constant 0 : i32
    %dma_wait3A_1885 = arith.constant 0 : i32
    %dma_wait3A_1886 = arith.constant 0 : i32
    %dma_wait3A_1887 = arith.constant 0 : i32
    %dma_wait3A_1888 = tpu.memref_slice %arg4[%dma_wait3A_1886, %dma_wait3A_1887] : memref<8x8064xf32, #tpu.memory_space<vmem>> -> memref<8x4096xf32, #tpu.memory_space<vmem>>
    %dma_wait3A_1889 = arith.constant 0 : i32
    %dma_wait3A_1890 = arith.constant 0 : i32
    %dma_wait3A_1891 = tpu.memref_slice %arg3[%dma_wait3A_1884, %dma_wait3A_1885, %dma_wait3A_1889, %dma_wait3A_1890] : memref<1x16x4096x4096xf32, #tpu.memory_space<hbm>> -> memref<1x1x8x4096xf32, #tpu.memory_space<hbm>>
    %dma_wait3A_1892 = tpu.memref_squeeze %dma_wait3A_1891 : memref<1x1x8x4096xf32, #tpu.memory_space<hbm>> -> memref<8x4096xf32, #tpu.memory_space<hbm>>
    %dma_wait3A_1893 = arith.constant 0 : i32
    %dma_wait3A_1894 = arith.constant 0 : i32
    %dma_wait3A_1895 = tpu.memref_slice %arg3[%dma_wait3A_1884, %dma_wait3A_1885, %dma_wait3A_1893, %dma_wait3A_1894] : memref<1x16x4096x4096xf32, #tpu.memory_space<hbm>> -> memref<1x1x8x4096xf32, #tpu.memory_space<hbm>>
    %dma_wait3A_1896 = tpu.memref_squeeze %dma_wait3A_1895 : memref<1x1x8x4096xf32, #tpu.memory_space<hbm>> -> memref<8x4096xf32, #tpu.memory_space<hbm>>
    %dma_wait3A_1897 = arith.constant 0 : i32
    %dma_wait3A_1898 = arith.constant 0 : i32
    %dma_wait3A_1899 = tpu.memref_slice %arg4[%dma_wait3A_1897, %dma_wait3A_1898] : memref<8x8064xf32, #tpu.memory_space<vmem>> -> memref<8x4096xf32, #tpu.memory_space<vmem>>
    tpu.wait_dma2 semaphore(%arg6 : memref<!tpu.dma_semaphore, #tpu.memory_space<semaphore_mem>>) src(%dma_wait3A_1899 : memref<8x4096xf32, #tpu.memory_space<vmem>>) dst(%dma_wait3A_1896 : memref<8x4096xf32, #tpu.memory_space<hbm>>)
    %dma_wait3A_1900 = arith.constant 0 : i32
    %dma_wait3A_1901 = arith.constant 0 : i32
    %dma_wait3A_1902 = arith.constant 0 : i32
    %dma_wait3A_1903 = arith.constant 0 : i32
    %dma_wait3A_1904 = tpu.memref_slice %arg4[%dma_wait3A_1902, %dma_wait3A_1903] : memref<8x8064xf32, #tpu.memory_space<vmem>> -> memref<8x4096xf32, #tpu.memory_space<vmem>>
    %dma_wait3A_1905 = arith.constant 0 : i32
    %dma_wait3A_1906 = arith.constant 0 : i32
    %dma_wait3A_1907 = tpu.memref_slice %arg3[%dma_wait3A_1900, %dma_wait3A_1901, %dma_wait3A_1905, %dma_wait3A_1906] : memref<1x16x4096x4096xf32, #tpu.memory_space<hbm>> -> memref<1x1x8x4096xf32, #tpu.memory_space<hbm>>
    %dma_wait3A_1908 = tpu.memref_squeeze %dma_wait3A_1907 : memref<1x1x8x4096xf32, #tpu.memory_space<hbm>> -> memref<8x4096xf32, #tpu.memory_space<hbm>>
    %dma_wait3A_1909 = arith.constant 0 : i32
    %dma_wait3A_1910 = arith.constant 0 : i32
    %dma_wait3A_1911 = tpu.memref_slice %arg3[%dma_wait3A_1900, %dma_wait3A_1901, %dma_wait3A_1909, %dma_wait3A_1910] : memref<1x16x4096x4096xf32, #tpu.memory_space<hbm>> -> memref<1x1x8x4096xf32, #tpu.memory_space<hbm>>
    %dma_wait3A_1912 = tpu.memref_squeeze %dma_wait3A_1911 : memref<1x1x8x4096xf32, #tpu.memory_space<hbm>> -> memref<8x4096xf32, #tpu.memory_space<hbm>>
    %dma_wait3A_1913 = arith.constant 0 : i32
    %dma_wait3A_1914 = arith.constant 0 : i32
    %dma_wait3A_1915 = tpu.memref_slice %arg4[%dma_wait3A_1913, %dma_wait3A_1914] : memref<8x8064xf32, #tpu.memory_space<vmem>> -> memref<8x4096xf32, #tpu.memory_space<vmem>>
    tpu.wait_dma2 semaphore(%arg6 : memref<!tpu.dma_semaphore, #tpu.memory_space<semaphore_mem>>) src(%dma_wait3A_1915 : memref<8x4096xf32, #tpu.memory_space<vmem>>) dst(%dma_wait3A_1912 : memref<8x4096xf32, #tpu.memory_space<hbm>>)
    %dma_wait3A_1916 = arith.constant 0 : i32
    %dma_wait3A_1917 = arith.constant 0 : i32
    %dma_wait3A_1918 = arith.constant 0 : i32
    %dma_wait3A_1919 = arith.constant 0 : i32
    %dma_wait3A_1920 = tpu.memref_slice %arg4[%dma_wait3A_1918, %dma_wait3A_1919] : memref<8x8064xf32, #tpu.memory_space<vmem>> -> memref<8x4096xf32, #tpu.memory_space<vmem>>
    %dma_wait3A_1921 = arith.constant 0 : i32
    %dma_wait3A_1922 = arith.constant 0 : i32
    %dma_wait3A_1923 = tpu.memref_slice %arg3[%dma_wait3A_1916, %dma_wait3A_1917, %dma_wait3A_1921, %dma_wait3A_1922] : memref<1x16x4096x4096xf32, #tpu.memory_space<hbm>> -> memref<1x1x8x4096xf32, #tpu.memory_space<hbm>>
    %dma_wait3A_1924 = tpu.memref_squeeze %dma_wait3A_1923 : memref<1x1x8x4096xf32, #tpu.memory_space<hbm>> -> memref<8x4096xf32, #tpu.memory_space<hbm>>
    %dma_wait3A_1925 = arith.constant 0 : i32
    %dma_wait3A_1926 = arith.constant 0 : i32
    %dma_wait3A_1927 = tpu.memref_slice %arg3[%dma_wait3A_1916, %dma_wait3A_1917, %dma_wait3A_1925, %dma_wait3A_1926] : memref<1x16x4096x4096xf32, #tpu.memory_space<hbm>> -> memref<1x1x8x4096xf32, #tpu.memory_space<hbm>>
    %dma_wait3A_1928 = tpu.memref_squeeze %dma_wait3A_1927 : memref<1x1x8x4096xf32, #tpu.memory_space<hbm>> -> memref<8x4096xf32, #tpu.memory_space<hbm>>
    %dma_wait3A_1929 = arith.constant 0 : i32
    %dma_wait3A_1930 = arith.constant 0 : i32
    %dma_wait3A_1931 = tpu.memref_slice %arg4[%dma_wait3A_1929, %dma_wait3A_1930] : memref<8x8064xf32, #tpu.memory_space<vmem>> -> memref<8x4096xf32, #tpu.memory_space<vmem>>
    tpu.wait_dma2 semaphore(%arg6 : memref<!tpu.dma_semaphore, #tpu.memory_space<semaphore_mem>>) src(%dma_wait3A_1931 : memref<8x4096xf32, #tpu.memory_space<vmem>>) dst(%dma_wait3A_1928 : memref<8x4096xf32, #tpu.memory_space<hbm>>)
    return
  }
}

</mosaic_0001>

<sc_bundles>
// kernel: _expand.3.cloned.1.call-start
scs
__scs_entry_jumppad:
0x0: {  	(pc) =	sbr.rel $0x88, $3  }
0x1: {  	(tag) =	ssettag $0x0;
	lr =	simm.s32 $0x1  }
0x2: {  	[smem:$0x3FA0] =	sst lr;
	_ =	strace $0xD0000000  }
0x3: {  	_ = 	snop  }
0x4: {  	_ = 	snop  }
0x5: {  	_ = 	snop  }
0x6: {  	_ = 	snop  }
0x7: {  	_ = 	snop  }
__scs_overlays_trampoline_lowered:
0x8: {  	[smem:$0x3FAF] =	sst s0  }
0x9: {  	[smem:$0x3FB0] =	sst s1  }
0xa: {  	[smem:$0x3FB1] =	sst s2  }
0xb: {  	[smem:$0x3FB2] =	sst s3  }
0xc: {  	[smem:$0x3FB3] =	sst s4  }
0xd: {  	[smem:$0x3FB4] =	sst s5  }
0xe: {  	[smem:$0x3FB5] =	sst s6  }
0xf: {  	[smem:$0x3FB6] =	sst s7  }
0x10: {  	[smem:$0x3FB7] =	sst s8  }
0x11: {  	[smem:$0x3FB8] =	sst s9;
	s0 =	simm.s32 @!p0 $0x0  }
0x12: {  	s1 =	sld [smem:$0x3F9E];
	s0 =	simm.s32 @p0 $0x1  }
0x13: {  	[smem:$0x3FB9] =	sst s0;
	s0 =	simm.s32 @!p1 $0x0  }
0x14: {  	s2 =	sld [smem:$0x3F9D];
	s0 =	simm.s32 @p1 $0x1  }
0x15: {  	[smem:$0x3FBA] =	sst s0;
	s0 =	simm.s32 @!p2 $0x0  }
0x16: {  	s3 =	sld [smem:$0x3FDB];
	s0 =	simm.s32 @p2 $0x1  }
0x17: {  	s4 =	simm.s32 $0x1BF5;
	[smem:$0x3FBC] =	sst s0  }
0x18: {  	s0 =	sld [smem:$0x3F9F];
	_ =	swait.ge [sflag:s4], $0x0  }
0x19: {  	s7 =	sld [smem:$0x3FA0]  }
0x1a: {  	s8 =	sadd.s32 $0xFFFFE003, lr  }
0x1b: {  	s9 =	sadd.s32 $0xFFFFFEF7, lr;
	s5 =	simm.s32 $0xFFFFFFFF;
	p2 =	slt.u32 s8, $0xFFFFF086  }
0x1c: {  	p1 =	slt.u32 s9, $0xF7A;
	s5 =	simm.s32 @!p2 $0x0  }
0x1d: {  	s5 =	simm.s32 @p1 $0x1;
	p0 =	seq.s32 s7, s2  }
0x1e: {  	s7 =	smul.u32 @!p0 $0xF7A, s2;
	p2 =	seq.s32 @!p0 s5, $0x0  }
0x1f: {  	s9 =	smul.u32 $0xF7A, s1;
	s8 =	simm.s32 @!p0 $0x1BF5;
	p2 =	por !p2, p0  }
0x20: {  	[sflag:s8] =	ssyncset.s32 @!p0 $0xFFFFF086;
	s6 =	sadd.s32 @!p0 s3, s7;
	s7 =	simm.s32 @!p0 $0x108  }
0x21: {  	s3 =	sadd.s32 s3, s9;
	s6 =	sadd.s32 @!p0 $0x88, s6;
	s7 =	simm.s32 @p2 $0x1082  }
0x22: {  	[simem:s7], [sflag:s8] =	dma.local @!p0 [hbm:s6], $0xF7A  }
0x23: {  	s9 =	sor.u32 $0xD0000000, s2;
	s6 =	simm.s32 $0x108;
	_ =	swait.ge @!p0 [sflag:s8], $0x0  }
0x24: {  	s3 =	sadd.s32 $0x88, s3;
	s6 =	simm.s32 @!p1 $0x1082;
	[sflag:s4] =	ssyncset.s32 $0xFFFFF086  }
0x25: {  	[simem:s6], [sflag:s4] =	dma.local [hbm:s3], $0xF7A  }
0x26: {  	[smem:$0x3FA0] =	sst s1;
	(tag) =	ssettag s2;
	_ =	strace s9  }
0x27: {  	s1 =	sld [smem:$0x3FB0]  }
0x28: {  	s2 =	sld [smem:$0x3FB1]  }
0x29: {  	s4 =	sld [smem:$0x3FB3]  }
0x2a: {  	p0 =	seq.s32 s5, $0x0;
	s5 =	sld [smem:$0x3FB4]  }
0x2b: {  	s6 =	sld [smem:$0x3FB5]  }
0x2c: {  	s7 =	sld [smem:$0x3FB6]  }
0x2d: {  	s3 =	simm.s32 $0x108;
	s8 =	sld [smem:$0x3FB7]  }
0x2e: {  	s3 =	simm.s32 @!p0 $0x1082;
	s9 =	sld [smem:$0x3FB8]  }
0x2f: {  	lr =	sadd.s32 s0, s3;
	s0 =	sld [smem:$0x3FAF]  }
0x30: {  	s3 =	sld [smem:$0x3FB2]  }
0x31: {  	[smem:$0x3FBB] =	sst s10  }
0x32: {  	s10 =	sld [smem:$0x3FB9];
	_ =	sdelay $0x3  }
0x33: {  	p0 =	seq.s32 s10, $0x1;
	s10 =	sld [smem:$0x3FBB];
	_ =	sdelay $0x3  }
0x34: {  	[smem:$0x3FBB] =	sst s10  }
0x35: {  	s10 =	sld [smem:$0x3FBA];
	_ =	sdelay $0x3  }
0x36: {  	p1 =	seq.s32 s10, $0x1;
	s10 =	sld [smem:$0x3FBB];
	_ =	sdelay $0x3  }
0x37: {  	[smem:$0x3FBB] =	sst s10  }
0x38: {  	s10 =	sld [smem:$0x3FBC]  }
0x39: {  	_ = 	snop;
	(pc) =	sbr.ind lr, $3  }
0x3a: {  	_ = 	snop  }
0x3b: {  	_ = 	snop  }
0x3c: {  	p2 =	seq.s32 s10, $0x1;
	s10 =	sld [smem:$0x3FBB]  }
0x3d: {  	_ =	shalt  }
0x3e: {  	_ =	shalt  }
0x3f: {  	_ =	shalt  }
0x40: {  	_ =	shalt  }
0x41: {  	_ =	shalt  }
0x42: {  	_ =	shalt  }
0x43: {  	_ =	shalt  }
0x44: {  	_ =	shalt  }
0x45: {  	_ =	shalt  }
0x46: {  	_ =	shalt  }
0x47: {  	_ =	shalt  }
0x48: {  	_ =	shalt  }
0x49: {  	_ =	shalt  }
0x4a: {  	_ =	shalt  }
0x4b: {  	_ =	shalt  }
0x4c: {  	_ =	shalt  }
0x4d: {  	_ =	shalt  }
0x4e: {  	_ =	shalt  }
0x4f: {  	_ =	shalt  }
0x50: {  	_ =	shalt  }
0x51: {  	_ =	shalt  }
0x52: {  	_ =	shalt  }
0x53: {  	_ =	shalt  }
0x54: {  	_ =	shalt  }
0x55: {  	_ =	shalt  }
0x56: {  	_ =	shalt  }
0x57: {  	_ =	shalt  }
0x58: {  	_ =	shalt  }
0x59: {  	_ =	shalt  }
0x5a: {  	_ =	shalt  }
0x5b: {  	_ =	shalt  }
0x5c: {  	_ =	shalt  }
0x5d: {  	_ =	shalt  }
0x5e: {  	_ =	shalt  }
0x5f: {  	_ =	shalt  }
0x60: {  	_ =	shalt  }
0x61: {  	_ =	shalt  }
0x62: {  	_ =	shalt  }
0x63: {  	_ =	shalt  }
0x64: {  	_ =	shalt  }
0x65: {  	_ =	shalt  }
0x66: {  	_ =	shalt  }
0x67: {  	_ =	shalt  }
0x68: {  	_ =	shalt  }
0x69: {  	_ =	shalt  }
0x6a: {  	_ =	shalt  }
0x6b: {  	_ =	shalt  }
0x6c: {  	_ =	shalt  }
0x6d: {  	_ =	shalt  }
0x6e: {  	_ =	shalt  }
0x6f: {  	_ =	shalt  }
0x70: {  	_ =	shalt  }
0x71: {  	_ =	shalt  }
0x72: {  	_ =	shalt  }
0x73: {  	_ =	shalt  }
0x74: {  	_ =	shalt  }
0x75: {  	_ =	shalt  }
0x76: {  	_ =	shalt  }
0x77: {  	_ =	shalt  }
0x78: {  	_ =	shalt  }
0x79: {  	_ =	shalt  }
0x7a: {  	_ =	shalt  }
0x7b: {  	_ =	shalt  }
0x7c: {  	_ =	shalt  }
0x7d: {  	_ =	shalt  }
0x7e: {  	_ =	shalt  }
0x7f: {  	_ =	shalt  }
0x80: {  	_ =	shalt  }
0x81: {  	_ =	shalt  }
0x82: {  	_ =	shalt  }
0x83: {  	_ =	shalt  }
0x84: {  	_ =	shalt  }
0x85: {  	_ =	shalt  }
0x86: {  	_ =	shalt  }
0x87: {  	_ =	shalt  }
.Lfunc_end0:
.L_simem_size_0:
called_computation_lowered:
.L_overlay_start_0:
0x88: {  	s2 =	sld [smem:$0x3FD9]  }
0x89: {  	s3 =	sld [smem:$0x3FFE];
	_ =	sdelay $0x1  }
0x8a: {  	s1 =	srdreg.scid  }
0x8b: {  	s0 =	sand.u32 $0x1, s1  }
0x8c: {  	s18 =	sshll.u32 s0, $0xA;
	s2 =	sadd.s32 s3, s2  }
0x8d: {  	s2 =	sadd.s32 s2, s18  }
0x8e: {  	[smem:$0x3FC7] =	sst s2  }
0x8f: {  	_ = 	snop  }
0x90: {  	s2 =	sld [smem:$0x3FC9]  }
0x91: {  	s19 =	sld [smem:$0x3FD0];
	(tm) =	ssettm $0x1  }
0x92: {  	s4 =	sld [smem:$0x3FFB];
	_ =	sdelay $0x3  }
0x93: {  	_ =	strace s4  }
0x94: {  	s4 =	sld [smem:$0x3FFC];
	_ =	sdelay $0x3  }
0x95: {  	_ =	strace s4  }
0x96: {  	s4 =	sld [smem:$0x3FFD];
	_ =	sdelay $0x3  }
0x97: {  	_ =	strace s4  }
0x98: {  	_ =	strace $0x8FFFFFFF  }
0x99: {  	s20 =	sld [smem:$0x3FDB];
	_ =	sdelay $0x1  }
0x9a: {  	s5 =	simm.s32 $_scs_section_size  }
0x9b: {  	s6 =	simm.s32 $_size__tile_overlayer_lowered;
	s7 =	simm.s32 $_tile_overlayer_lowered  }
0x9c: {  	s23 =	simm.s32 $0x1BFF;
	s22 =	sshll.u32 s7, $0x1;
	s4 =	sadd.s32 s5, s20  }
0x9d: {  	s8 =	simm.s32 $0x0;
	s21 =	sshll.u32 s6, $0x1;
	s6 =	sadd.s32 s22, s4  }
0x9e: {  	[timem:s8], [sflag:s23] =	dma.local [hbm:s6], s21  }
0x9f: {  	_ =	swait.ge [sflag:s23], s21  }
0xa0: {  	s5 =	ssub.s32 $0x0, s21;
	[sflag:s23] =	ssyncset.done $0x0  }
0xa1: {  	[sflag:s23] =	ssyncadd.s32 s5;
	_ =	sdelay $0x1  }
0xa2: {  	s24 =	simm.s32 $0x1B8B  }
0xa3: {  	_ =	swait.ge [sflag:s24], $0x1  }
0xa4: {  	[sflag:s24] =	ssyncset.done $0x0  }
0xa5: {  	s25 =	simm.s32 $0x1B8E;
	[sflag:s24] =	ssyncadd.s32 $0xFFFFFFFF  }
0xa6: {  	s26 =	simm.s32 $execute0_lowered;
	[smem:$0x3FD2] =	sst s25  }
0xa7: {  	s5 =	sshll.u32 s26, $0x1;
	_ =	strace $0x80000046;
	[dreg:$0x1] =	wrdreg $0xFFFFFFFF  }
0xa8: {  	s28 =	simm.s32 $_size_execute0_lowered;
	s4 =	sadd.s32 s4, s5;
	[dreg:$0x0] =	wrdreg $0x0  }
0xa9: {  	s5 =	sshll.u32 s28, $0x1;
	[dreg:$0x2] =	wrdreg s4  }
0xaa: {  	[dreg:$0x3] =	wrdreg s5  }
0xab: {  	[dreg:$0x4] =	wrdreg $0xC0  }
0xac: {  	_ =	task [dreg:s8], $0x5FFFF  }
0xad: {  	[dreg:$0x1] =	wrdreg $0xFFFFFFFF  }
0xae: {  	[dreg:$0x0] =	wrdreg $0x60  }
0xaf: {  	[dreg:$0x2] =	wrdreg s2  }
0xb0: {  	[dreg:$0x3] =	wrdreg s19  }
0xb1: {  	[dreg:$0x4] =	wrdreg $0x9  }
0xb2: {  	_ =	task.clear_ibuf [dreg:s8], $0x5FFFF;
	_ =	strace $0x90000046  }
0xb3: {  	s29 =	simm.s32 $0x9;
	_ =	strace $0x80000048  }
0xb4: {  	_ =	swait.ge [sflag:s29], $0x1  }
0xb5: {  	[sflag:s29] =	ssyncadd.s32 $0xFFFFFFFF  }
0xb6: {  	_ =	strace $0x90000048  }
0xb7: {  	_ =	sfence  }
0xb8: {  	s30 =	sld [smem:$0x0];
	_ =	sdelay $0x2  }
0xb9: {  	s31 =	sshll.u32 s1, $0xD;
	s1 =	sshrl.u32 s1, $0x2  }
0xba: {  	s3 =	sand.u32 $0x4000, s31;
	s1 =	sadd.s32 s1, s30  }
0xbb: {  	s0 =	sor.u32 s3, s0;
	s1 =	sshll.u32 s1, $0x11  }
0xbc: {  	s0 =	sor.u32 s1, s0  }
0xbd: {  	s0 =	sadd.s32 $0x8F2B, s0  }
0xbe: {  	[sflag:s0] =	ssyncadd.remote.s32 $0x1  }
0xbf: {  	_ =	sfence.sel $0xFFFF  }
0xc0: {  	[dreg:$0x0] =	wrdreg $0xFFFFFFFF;
	(pc) =	sbr.abs _section_cstart, $3  }
0xc1: {  	[dreg:$0x1] =	wrdreg $0xFFFFFFFF  }
0xc2: {  	_ =	task.clear_ibuf [dreg:s8], $0x2FFFF;
	_ =	strace $0x9FFFFFFF  }
0xc3: {  	(tm) =	ssettm $0x7FFFFFFF  }
tec
execute0_lowered:
.L_overlay_start_1:
0x0: {  	(tag) =	ssettag $0x1  }
0x1: {  	s1 =	srdreg.scid;
	s12 =	rddreg [dreg:$0x0]  }
0x2: {  	s0 =	stileid.u32;
	s2 =	rddreg [dreg:$0x1];
	s3 =	simm.s32 $0x0  }
0x3: {  	s8 =	sand.u32 $0x1, s1;
	s11 =	smul.u32 $0xFC000, s0;
	[smem:$0x7FF] =	sst s3  }
0x4: {  	s16 =	sshll.u32 s0, $0x18;
	s1 =	sor.u32 s8, s0;
	p1 =	seq.s32 s8, $0x1  }
0x5: {  	s9 =	sshll.u32 s8, $0x3;
	s5 =	smul.u32 $0x7E000, s8;
	s6 =	ssub.s32 $0x2, s8  }
0x6: {  	s25 =	sshll.u32 s8, $0x12;
	s26 =	sshllo.u32 s8, $0x3;
	p0 =	seq.s32 s1, $0x0  }
0x7: {  	s1 =	simm.s32 $0x1;
	s10 =	sor.u32 $0x1, s9;
	s13 =	sshrl.u32 s6, $0x1  }
0x8: {  	s20 =	sor.u32 $0x2, s9;
	s24 =	sor.u32 $0x3, s9;
	s29 =	smul.u32 $0xFC00, s26  }
0x9: {  	s17 =	sor.u32 $0x4, s9;
	s18 =	sor.u32 $0x5, s9;
	s10 =	smul.u32 $0xFC00, s10  }
0xa: {  	s9 =	sor.u32 $0x6, s9;
	p0 =	por !p0, !p1;
	s15 =	smul.u32 $0xFC00, s20  }
0xb: {  	s13 =	ssub.s32 s6, s13;
	s17 =	smul.u32 $0xFC00, s17;
	p0 =	por !p0, !p0  }
0xc: {  	s18 =	smul.u32 $0xFC00, s18;
	s13 =	smax.u32 s13, $0x1;
	s1 =	simm.s32 @!p0 $0x0  }
0xd: {  	s19 =	sadd.s32 s11, s10;
	s23 =	sadd.s32 s11, s15;
	s10 =	smul.u32 $0xFC00, s24  }
0xe: {  	s17 =	sadd.s32 s11, s17;
	s30 =	sadd.s32 s11, s18;
	s24 =	simm.s32 $0x0  }
0xf: {  	s7 =	ssub.s32 s0, s1;
	s1 =	rddreg [dreg:$0x2];
	_ =	strace $0x80000047  }
0x10: {  	s14 =	sshrl.u32 s19, $0x3;
	s19 =	smul.u32 $0xFC00, s9;
	s28 =	sshrl.u32 s17, $0x3  }
0x11: {  	s17 =	sadd.s32 s11, s29;
	s4 =	smul.u32 $0xFC000, s7;
	s6 =	sadd.s32 s12, s14  }
0x12: {  	s22 =	sshll.u32 s7, $0x18;
	s7 =	sshrl.u32 s23, $0x3;
	s10 =	sadd.s32 s11, s10  }
0x13: {  	s9 =	sadd.s32 s12, s28;
	s17 =	sshrl.u32 s17, $0x3;
	s23 =	simm.s32 $0xFC00  }
0x14: {  	s7 =	sadd.s32 s12, s7;
	s10 =	sshrl.u32 s10, $0x3;
	s31 =	sadd.s32 s11, s19  }
0x15: {  	s14 =	ssub.s32 s22, s25;
	s22 =	simm.s32 $0x2;
	s4 =	sadd.s32 s5, s4  }
0x16: {  	s8 =	sadd.s32 s12, s10;
	s10 =	sshrl.u32 s30, $0x3;
	s18 =	sshrl.u32 s31, $0x3  }
0x17: {  	s14 =	sadd.s32 $0xFF8000, s14;
	s21 =	sshrl.u32 s4, $0x3;
	s4 =	simm.s32 $0x1  }
0x18: {  	s10 =	sadd.s32 s12, s10;
	s5 =	sadd.s32 s12, s21;
	s21 =	ssub.s32 s16, s25  }
0x19: {  	s11 =	sadd.s32 s12, s18;
	s12 =	sadd.s32 s12, s17;
	s15 =	sadd.s32 $0xFF0000, s21  }
0x1a: {  	s16 =	sadd.s32 $0xFE8000, s21;
	s17 =	sadd.s32 $0xFE0000, s21;
	s18 =	sadd.s32 $0xFD8000, s21  }
0x1b: {  	s19 =	sadd.s32 $0xFD0000, s21;
	s20 =	sadd.s32 $0xFC8000, s21;
	s21 =	sadd.s32 $0xFC0000, s21  }
.LBB2_1:
0x1c: {  	[tilespmem:s3], [sflag:$0x2] =	stream.linear.gather [hbm4b:s5+s3], $0xFC00, $0x38;
	[tilespmem:$0x1F800] =	vst v63  }
0x1d: {  	_ =	swait.ge [sflag:s22], $0xFC00  }
0x1e: {  	[sflag:s22] =	ssyncset.done $0x0  }
0x1f: {  	s25 =	sshrl.u32 s14, $0x3;
	p0 =	por $0x1, $0x1;
	[sflag:s22] =	ssyncadd.s32 $0xFFFF0400  }
0x20: {  	[tilespmem:s23], [sflag:$0x2] =	stream.linear.gather [hbm4b:s6+s3], $0xFC00, $0x38;
	[tilespmem:$0x1F800] =	vst v63  }
0x21: {  	s26 =	simm.s32 $0x400;
	s25 =	sadd.s32 s2, s25;
	s29 =	simm.s32 @!p0 $0x1  }
0x22: {  	[hbm4b:s25+s3] =	stream.linear.scatter [tilespmem:s3], [sflag:$0x1], $0x8000, $0x38;
	[tilespmem:$0x1F800] =	vst v63  }
0x23: {  	s28 =	smov.u32 s14;
	s25 =	simm.s32 $0x1;
	_ =	swait.ge @!p0 [sflag:s29], $0x8000  }
.LBB2_2:
0x24: {  	s30 =	smov.u32 s25;
	s25 =	sadd.s32 $0x1, s25  }
0x25: {  	[sflag:s29] =	ssyncset.done @!p0 $0x0;
	s28 =	sadd.s32 $0xFFF80000, s28;
	p1 =	sne.s32 s25, $0x20  }
.Ltmp0:
0x26: {  	s31 =	sshrl.u32 s28, $0x3;
	[sflag:s29] =	ssyncadd.s32 @!p0 $0xFFFF8000;
	(pc) =	sbr.rel @p1 .LBB2_2-.Ltmp0, $4  }
0x27: {  	p0 =	slt.u32 s30, $0x8;
	s29 =	sadd.s32 s2, s31  }
0x28: {  	[hbm4b:s29+s3] =	stream.linear.scatter [tilespmem:s26], [sflag:$0x1], $0x8000, $0x38;
	[tilespmem:$0x1F800] =	vst v63  }
0x29: {  	s29 =	simm.s32 @!p0 $0x1  }
0x2a: {  	s26 =	sadd.s32 $0x400, s26;
	_ =	swait.ge @!p0 [sflag:s29], $0x8000  }
0x2b: {  	[sflag:s29] =	ssyncset.done @!p0 $0x0  }
0x2c: {  	[sflag:s29] =	ssyncadd.s32 @!p0 $0xFFFF8000  }
0x2d: {  	_ =	swait.ge [sflag:s4], $0x8000  }
0x2e: {  	[sflag:s4] =	ssyncset.done $0x0  }
0x2f: {  	[sflag:s4] =	ssyncadd.s32 $0xFFFF8000  }
0x30: {  	_ =	swait.ge [sflag:s4], $0x8000  }
0x31: {  	[sflag:s4] =	ssyncset.done $0x0  }
0x32: {  	[sflag:s4] =	ssyncadd.s32 $0xFFFF8000  }
0x33: {  	_ =	swait.ge [sflag:s4], $0x8000  }
0x34: {  	[sflag:s4] =	ssyncset.done $0x0  }
0x35: {  	[sflag:s4] =	ssyncadd.s32 $0xFFFF8000  }
0x36: {  	_ =	swait.ge [sflag:s4], $0x8000  }
0x37: {  	[sflag:s4] =	ssyncset.done $0x0  }
0x38: {  	[sflag:s4] =	ssyncadd.s32 $0xFFFF8000  }
0x39: {  	_ =	swait.ge [sflag:s4], $0x8000  }
0x3a: {  	[sflag:s4] =	ssyncset.done $0x0  }
0x3b: {  	[sflag:s4] =	ssyncadd.s32 $0xFFFF8000  }
0x3c: {  	_ =	swait.ge [sflag:s4], $0x8000  }
0x3d: {  	[sflag:s4] =	ssyncset.done $0x0  }
0x3e: {  	[sflag:s4] =	ssyncadd.s32 $0xFFFF8000  }
0x3f: {  	_ =	swait.ge [sflag:s4], $0x8000  }
0x40: {  	[sflag:s4] =	ssyncset.done $0x0  }
0x41: {  	[sflag:s4] =	ssyncadd.s32 $0xFFFF8000  }
0x42: {  	_ =	swait.ge [sflag:s4], $0x8000  }
0x43: {  	[sflag:s4] =	ssyncset.done $0x0  }
0x44: {  	[sflag:s4] =	ssyncadd.s32 $0xFFFF8000  }
0x45: {  	_ =	swait.ge [sflag:s22], $0xFC00  }
0x46: {  	s25 =	simm.s32 $0x0;
	s31 =	sshrl.u32 s15, $0x3;
	[sflag:s22] =	ssyncset.done $0x0  }
0x47: {  	s26 =	simm.s32 $0xFC00;
	p0 =	por $0x1, $0x1;
	[sflag:s22] =	ssyncadd.s32 $0xFFFF0400  }
0x48: {  	[tilespmem:s25], [sflag:$0x2] =	stream.linear.gather [hbm4b:s7+s25], $0xFC00, $0x38;
	[tilespmem:$0x1F800] =	vst v63  }
0x49: {  	s28 =	smov.u32 s15;
	s29 =	simm.s32 @!p0 $0x1;
	s25 =	sadd.s32 s2, s31  }
0x4a: {  	[hbm4b:s25+s3] =	stream.linear.scatter [tilespmem:s26], [sflag:$0x1], $0x8000, $0x38;
	[tilespmem:$0x1F800] =	vst v63  }
0x4b: {  	s25 =	simm.s32 $0x1;
	s26 =	simm.s32 $0x10000;
	_ =	swait.ge @!p0 [sflag:s29], $0x8000  }
.LBB2_4:
0x4c: {  	s30 =	smov.u32 s25;
	s25 =	sadd.s32 $0x1, s25  }
0x4d: {  	[sflag:s29] =	ssyncset.done @!p0 $0x0;
	s28 =	sadd.s32 $0xFFF80000, s28;
	p1 =	sne.s32 s25, $0x20  }
.Ltmp1:
0x4e: {  	s31 =	sshrl.u32 s28, $0x3;
	[sflag:s29] =	ssyncadd.s32 @!p0 $0xFFFF8000;
	(pc) =	sbr.rel @p1 .LBB2_4-.Ltmp1, $4  }
0x4f: {  	p0 =	slt.u32 s30, $0x8;
	s29 =	sadd.s32 s2, s31  }
0x50: {  	[hbm4b:s29+s3] =	stream.linear.scatter [tilespmem:s26], [sflag:$0x1], $0x8000, $0x38;
	[tilespmem:$0x1F800] =	vst v63  }
0x51: {  	s29 =	simm.s32 @!p0 $0x1  }
0x52: {  	s26 =	sadd.s32 $0x400, s26;
	_ =	swait.ge @!p0 [sflag:s29], $0x8000  }
0x53: {  	[sflag:s29] =	ssyncset.done @!p0 $0x0  }
0x54: {  	[sflag:s29] =	ssyncadd.s32 @!p0 $0xFFFF8000  }
0x55: {  	_ =	swait.ge [sflag:s4], $0x8000  }
0x56: {  	[sflag:s4] =	ssyncset.done $0x0  }
0x57: {  	[sflag:s4] =	ssyncadd.s32 $0xFFFF8000  }
0x58: {  	_ =	swait.ge [sflag:s4], $0x8000  }
0x59: {  	[sflag:s4] =	ssyncset.done $0x0  }
0x5a: {  	[sflag:s4] =	ssyncadd.s32 $0xFFFF8000  }
0x5b: {  	_ =	swait.ge [sflag:s4], $0x8000  }
0x5c: {  	[sflag:s4] =	ssyncset.done $0x0  }
0x5d: {  	[sflag:s4] =	ssyncadd.s32 $0xFFFF8000  }
0x5e: {  	_ =	swait.ge [sflag:s4], $0x8000  }
0x5f: {  	[sflag:s4] =	ssyncset.done $0x0  }
0x60: {  	[sflag:s4] =	ssyncadd.s32 $0xFFFF8000  }
0x61: {  	_ =	swait.ge [sflag:s4], $0x8000  }
0x62: {  	[sflag:s4] =	ssyncset.done $0x0  }
0x63: {  	[sflag:s4] =	ssyncadd.s32 $0xFFFF8000  }
0x64: {  	_ =	swait.ge [sflag:s4], $0x8000  }
0x65: {  	[sflag:s4] =	ssyncset.done $0x0  }
0x66: {  	[sflag:s4] =	ssyncadd.s32 $0xFFFF8000  }
0x67: {  	_ =	swait.ge [sflag:s4], $0x8000  }
0x68: {  	[sflag:s4] =	ssyncset.done $0x0  }
0x69: {  	[sflag:s4] =	ssyncadd.s32 $0xFFFF8000  }
0x6a: {  	_ =	swait.ge [sflag:s4], $0x8000  }
0x6b: {  	[sflag:s4] =	ssyncset.done $0x0  }
0x6c: {  	[sflag:s4] =	ssyncadd.s32 $0xFFFF8000  }
0x6d: {  	_ =	swait.ge [sflag:s22], $0xFC00  }
0x6e: {  	s25 =	simm.s32 $0x0;
	[sflag:s22] =	ssyncset.done $0x0  }
0x6f: {  	s26 =	sshrl.u32 s16, $0x3;
	p0 =	por $0x1, $0x1;
	[sflag:s22] =	ssyncadd.s32 $0xFFFF0400  }
0x70: {  	[tilespmem:s23], [sflag:$0x2] =	stream.linear.gather [hbm4b:s8+s25], $0xFC00, $0x38;
	[tilespmem:$0x1F800] =	vst v63  }
0x71: {  	s28 =	smov.u32 s16;
	s26 =	sadd.s32 s2, s26;
	s29 =	simm.s32 @!p0 $0x1  }
0x72: {  	[hbm4b:s26+s3] =	stream.linear.scatter [tilespmem:s25], [sflag:$0x1], $0x8000, $0x38;
	[tilespmem:$0x1F800] =	vst v63  }
0x73: {  	s25 =	simm.s32 $0x1;
	s26 =	simm.s32 $0x400;
	_ =	swait.ge @!p0 [sflag:s29], $0x8000  }
.LBB2_6:
0x74: {  	s30 =	smov.u32 s25;
	s25 =	sadd.s32 $0x1, s25  }
0x75: {  	[sflag:s29] =	ssyncset.done @!p0 $0x0;
	s28 =	sadd.s32 $0xFFF80000, s28;
	p1 =	sne.s32 s25, $0x20  }
.Ltmp2:
0x76: {  	s31 =	sshrl.u32 s28, $0x3;
	[sflag:s29] =	ssyncadd.s32 @!p0 $0xFFFF8000;
	(pc) =	sbr.rel @p1 .LBB2_6-.Ltmp2, $4  }
0x77: {  	p0 =	slt.u32 s30, $0x8;
	s29 =	sadd.s32 s2, s31  }
0x78: {  	[hbm4b:s29+s3] =	stream.linear.scatter [tilespmem:s26], [sflag:$0x1], $0x8000, $0x38;
	[tilespmem:$0x1F800] =	vst v63  }
0x79: {  	s29 =	simm.s32 @!p0 $0x1  }
0x7a: {  	s26 =	sadd.s32 $0x400, s26;
	_ =	swait.ge @!p0 [sflag:s29], $0x8000  }
0x7b: {  	[sflag:s29] =	ssyncset.done @!p0 $0x0  }
0x7c: {  	[sflag:s29] =	ssyncadd.s32 @!p0 $0xFFFF8000  }
0x7d: {  	_ =	swait.ge [sflag:s4], $0x8000  }
0x7e: {  	[sflag:s4] =	ssyncset.done $0x0  }
0x7f: {  	[sflag:s4] =	ssyncadd.s32 $0xFFFF8000  }
0x80: {  	_ =	swait.ge [sflag:s4], $0x8000  }
0x81: {  	[sflag:s4] =	ssyncset.done $0x0  }
0x82: {  	[sflag:s4] =	ssyncadd.s32 $0xFFFF8000  }
0x83: {  	_ =	swait.ge [sflag:s4], $0x8000  }
0x84: {  	[sflag:s4] =	ssyncset.done $0x0  }
0x85: {  	[sflag:s4] =	ssyncadd.s32 $0xFFFF8000  }
0x86: {  	_ =	swait.ge [sflag:s4], $0x8000  }
0x87: {  	[sflag:s4] =	ssyncset.done $0x0  }
0x88: {  	[sflag:s4] =	ssyncadd.s32 $0xFFFF8000  }
0x89: {  	_ =	swait.ge [sflag:s4], $0x8000  }
0x8a: {  	[sflag:s4] =	ssyncset.done $0x0  }
0x8b: {  	[sflag:s4] =	ssyncadd.s32 $0xFFFF8000  }
0x8c: {  	_ =	swait.ge [sflag:s4], $0x8000  }
0x8d: {  	[sflag:s4] =	ssyncset.done $0x0  }
0x8e: {  	[sflag:s4] =	ssyncadd.s32 $0xFFFF8000  }
0x8f: {  	_ =	swait.ge [sflag:s4], $0x8000  }
0x90: {  	[sflag:s4] =	ssyncset.done $0x0  }
0x91: {  	[sflag:s4] =	ssyncadd.s32 $0xFFFF8000  }
0x92: {  	_ =	swait.ge [sflag:s4], $0x8000  }
0x93: {  	[sflag:s4] =	ssyncset.done $0x0  }
0x94: {  	[sflag:s4] =	ssyncadd.s32 $0xFFFF8000  }
0x95: {  	_ =	swait.ge [sflag:s22], $0xFC00  }
0x96: {  	s25 =	simm.s32 $0x0;
	s31 =	sshrl.u32 s17, $0x3;
	[sflag:s22] =	ssyncset.done $0x0  }
0x97: {  	s26 =	simm.s32 $0xFC00;
	p0 =	por $0x1, $0x1;
	[sflag:s22] =	ssyncadd.s32 $0xFFFF0400  }
0x98: {  	[tilespmem:s25], [sflag:$0x2] =	stream.linear.gather [hbm4b:s9+s25], $0xFC00, $0x38;
	[tilespmem:$0x1F800] =	vst v63  }
0x99: {  	s28 =	smov.u32 s17;
	s29 =	simm.s32 @!p0 $0x1;
	s25 =	sadd.s32 s2, s31  }
0x9a: {  	[hbm4b:s25+s3] =	stream.linear.scatter [tilespmem:s26], [sflag:$0x1], $0x8000, $0x38;
	[tilespmem:$0x1F800] =	vst v63  }
0x9b: {  	s25 =	simm.s32 $0x1;
	s26 =	simm.s32 $0x10000;
	_ =	swait.ge @!p0 [sflag:s29], $0x8000  }
.LBB2_8:
0x9c: {  	s30 =	smov.u32 s25;
	s25 =	sadd.s32 $0x1, s25  }
0x9d: {  	[sflag:s29] =	ssyncset.done @!p0 $0x0;
	s28 =	sadd.s32 $0xFFF80000, s28;
	p1 =	sne.s32 s25, $0x20  }
.Ltmp3:
0x9e: {  	s31 =	sshrl.u32 s28, $0x3;
	[sflag:s29] =	ssyncadd.s32 @!p0 $0xFFFF8000;
	(pc) =	sbr.rel @p1 .LBB2_8-.Ltmp3, $4  }
0x9f: {  	p0 =	slt.u32 s30, $0x8;
	s29 =	sadd.s32 s2, s31  }
0xa0: {  	[hbm4b:s29+s3] =	stream.linear.scatter [tilespmem:s26], [sflag:$0x1], $0x8000, $0x38;
	[tilespmem:$0x1F800] =	vst v63  }
0xa1: {  	s29 =	simm.s32 @!p0 $0x1  }
0xa2: {  	s26 =	sadd.s32 $0x400, s26;
	_ =	swait.ge @!p0 [sflag:s29], $0x8000  }
0xa3: {  	[sflag:s29] =	ssyncset.done @!p0 $0x0  }
0xa4: {  	[sflag:s29] =	ssyncadd.s32 @!p0 $0xFFFF8000  }
0xa5: {  	_ =	swait.ge [sflag:s4], $0x8000  }
0xa6: {  	[sflag:s4] =	ssyncset.done $0x0  }
0xa7: {  	[sflag:s4] =	ssyncadd.s32 $0xFFFF8000  }
0xa8: {  	_ =	swait.ge [sflag:s4], $0x8000  }
0xa9: {  	[sflag:s4] =	ssyncset.done $0x0  }
0xaa: {  	[sflag:s4] =	ssyncadd.s32 $0xFFFF8000  }
0xab: {  	_ =	swait.ge [sflag:s4], $0x8000  }
0xac: {  	[sflag:s4] =	ssyncset.done $0x0  }
0xad: {  	[sflag:s4] =	ssyncadd.s32 $0xFFFF8000  }
0xae: {  	_ =	swait.ge [sflag:s4], $0x8000  }
0xaf: {  	[sflag:s4] =	ssyncset.done $0x0  }
0xb0: {  	[sflag:s4] =	ssyncadd.s32 $0xFFFF8000  }
0xb1: {  	_ =	swait.ge [sflag:s4], $0x8000  }
0xb2: {  	[sflag:s4] =	ssyncset.done $0x0  }
0xb3: {  	[sflag:s4] =	ssyncadd.s32 $0xFFFF8000  }
0xb4: {  	_ =	swait.ge [sflag:s4], $0x8000  }
0xb5: {  	[sflag:s4] =	ssyncset.done $0x0  }
0xb6: {  	[sflag:s4] =	ssyncadd.s32 $0xFFFF8000  }
0xb7: {  	_ =	swait.ge [sflag:s4], $0x8000  }
0xb8: {  	[sflag:s4] =	ssyncset.done $0x0  }
0xb9: {  	[sflag:s4] =	ssyncadd.s32 $0xFFFF8000  }
0xba: {  	_ =	swait.ge [sflag:s4], $0x8000  }
0xbb: {  	[sflag:s4] =	ssyncset.done $0x0  }
0xbc: {  	[sflag:s4] =	ssyncadd.s32 $0xFFFF8000  }
0xbd: {  	_ =	swait.ge [sflag:s22], $0xFC00  }
0xbe: {  	s25 =	simm.s32 $0x0;
	[sflag:s22] =	ssyncset.done $0x0  }
0xbf: {  	s26 =	sshrl.u32 s18, $0x3;
	p0 =	por $0x1, $0x1;
	[sflag:s22] =	ssyncadd.s32 $0xFFFF0400  }
0xc0: {  	[tilespmem:s23], [sflag:$0x2] =	stream.linear.gather [hbm4b:s10+s25], $0xFC00, $0x38;
	[tilespmem:$0x1F800] =	vst v63  }
0xc1: {  	s28 =	smov.u32 s18;
	s26 =	sadd.s32 s2, s26;
	s29 =	simm.s32 @!p0 $0x1  }
0xc2: {  	[hbm4b:s26+s3] =	stream.linear.scatter [tilespmem:s25], [sflag:$0x1], $0x8000, $0x38;
	[tilespmem:$0x1F800] =	vst v63  }
0xc3: {  	s25 =	simm.s32 $0x1;
	s26 =	simm.s32 $0x400;
	_ =	swait.ge @!p0 [sflag:s29], $0x8000  }
.LBB2_10:
0xc4: {  	s30 =	smov.u32 s25;
	s25 =	sadd.s32 $0x1, s25  }
0xc5: {  	[sflag:s29] =	ssyncset.done @!p0 $0x0;
	s28 =	sadd.s32 $0xFFF80000, s28;
	p1 =	sne.s32 s25, $0x20  }
.Ltmp4:
0xc6: {  	s31 =	sshrl.u32 s28, $0x3;
	[sflag:s29] =	ssyncadd.s32 @!p0 $0xFFFF8000;
	(pc) =	sbr.rel @p1 .LBB2_10-.Ltmp4, $4  }
0xc7: {  	p0 =	slt.u32 s30, $0x8;
	s29 =	sadd.s32 s2, s31  }
0xc8: {  	[hbm4b:s29+s3] =	stream.linear.scatter [tilespmem:s26], [sflag:$0x1], $0x8000, $0x38;
	[tilespmem:$0x1F800] =	vst v63  }
0xc9: {  	s29 =	simm.s32 @!p0 $0x1  }
0xca: {  	s26 =	sadd.s32 $0x400, s26;
	_ =	swait.ge @!p0 [sflag:s29], $0x8000  }
0xcb: {  	[sflag:s29] =	ssyncset.done @!p0 $0x0  }
0xcc: {  	[sflag:s29] =	ssyncadd.s32 @!p0 $0xFFFF8000  }
0xcd: {  	_ =	swait.ge [sflag:s4], $0x8000  }
0xce: {  	[sflag:s4] =	ssyncset.done $0x0  }
0xcf: {  	[sflag:s4] =	ssyncadd.s32 $0xFFFF8000  }
0xd0: {  	_ =	swait.ge [sflag:s4], $0x8000  }
0xd1: {  	[sflag:s4] =	ssyncset.done $0x0  }
0xd2: {  	[sflag:s4] =	ssyncadd.s32 $0xFFFF8000  }
0xd3: {  	_ =	swait.ge [sflag:s4], $0x8000  }
0xd4: {  	[sflag:s4] =	ssyncset.done $0x0  }
0xd5: {  	[sflag:s4] =	ssyncadd.s32 $0xFFFF8000  }
0xd6: {  	_ =	swait.ge [sflag:s4], $0x8000  }
0xd7: {  	[sflag:s4] =	ssyncset.done $0x0  }
0xd8: {  	[sflag:s4] =	ssyncadd.s32 $0xFFFF8000  }
0xd9: {  	_ =	swait.ge [sflag:s4], $0x8000  }
0xda: {  	[sflag:s4] =	ssyncset.done $0x0  }
0xdb: {  	[sflag:s4] =	ssyncadd.s32 $0xFFFF8000  }
0xdc: {  	_ =	swait.ge [sflag:s4], $0x8000  }
0xdd: {  	[sflag:s4] =	ssyncset.done $0x0  }
0xde: {  	[sflag:s4] =	ssyncadd.s32 $0xFFFF8000  }
0xdf: {  	_ =	swait.ge [sflag:s4], $0x8000  }
0xe0: {  	[sflag:s4] =	ssyncset.done $0x0  }
0xe1: {  	[sflag:s4] =	ssyncadd.s32 $0xFFFF8000  }
0xe2: {  	_ =	swait.ge [sflag:s4], $0x8000  }
0xe3: {  	[sflag:s4] =	ssyncset.done $0x0  }
0xe4: {  	[sflag:s4] =	ssyncadd.s32 $0xFFFF8000  }
0xe5: {  	_ =	swait.ge [sflag:s22], $0xFC00  }
0xe6: {  	s25 =	simm.s32 $0x0;
	s31 =	sshrl.u32 s19, $0x3;
	[sflag:s22] =	ssyncset.done $0x0  }
0xe7: {  	s26 =	simm.s32 $0xFC00;
	p0 =	por $0x1, $0x1;
	[sflag:s22] =	ssyncadd.s32 $0xFFFF0400  }
0xe8: {  	[tilespmem:s25], [sflag:$0x2] =	stream.linear.gather [hbm4b:s11+s25], $0xFC00, $0x38;
	[tilespmem:$0x1F800] =	vst v63  }
0xe9: {  	s28 =	smov.u32 s19;
	s29 =	simm.s32 @!p0 $0x1;
	s25 =	sadd.s32 s2, s31  }
0xea: {  	[hbm4b:s25+s3] =	stream.linear.scatter [tilespmem:s26], [sflag:$0x1], $0x8000, $0x38;
	[tilespmem:$0x1F800] =	vst v63  }
0xeb: {  	s25 =	simm.s32 $0x1;
	s26 =	simm.s32 $0x10000;
	_ =	swait.ge @!p0 [sflag:s29], $0x8000  }
.LBB2_12:
0xec: {  	s30 =	smov.u32 s25;
	s25 =	sadd.s32 $0x1, s25  }
0xed: {  	[sflag:s29] =	ssyncset.done @!p0 $0x0;
	s28 =	sadd.s32 $0xFFF80000, s28;
	p1 =	sne.s32 s25, $0x20  }
.Ltmp5:
0xee: {  	s31 =	sshrl.u32 s28, $0x3;
	[sflag:s29] =	ssyncadd.s32 @!p0 $0xFFFF8000;
	(pc) =	sbr.rel @p1 .LBB2_12-.Ltmp5, $4  }
0xef: {  	p0 =	slt.u32 s30, $0x8;
	s29 =	sadd.s32 s2, s31  }
0xf0: {  	[hbm4b:s29+s3] =	stream.linear.scatter [tilespmem:s26], [sflag:$0x1], $0x8000, $0x38;
	[tilespmem:$0x1F800] =	vst v63  }
0xf1: {  	s29 =	simm.s32 @!p0 $0x1  }
0xf2: {  	s26 =	sadd.s32 $0x400, s26;
	_ =	swait.ge @!p0 [sflag:s29], $0x8000  }
0xf3: {  	[sflag:s29] =	ssyncset.done @!p0 $0x0  }
0xf4: {  	[sflag:s29] =	ssyncadd.s32 @!p0 $0xFFFF8000  }
0xf5: {  	_ =	swait.ge [sflag:s4], $0x8000  }
0xf6: {  	[sflag:s4] =	ssyncset.done $0x0  }
0xf7: {  	[sflag:s4] =	ssyncadd.s32 $0xFFFF8000  }
0xf8: {  	_ =	swait.ge [sflag:s4], $0x8000  }
0xf9: {  	[sflag:s4] =	ssyncset.done $0x0  }
0xfa: {  	[sflag:s4] =	ssyncadd.s32 $0xFFFF8000  }
0xfb: {  	_ =	swait.ge [sflag:s4], $0x8000  }
0xfc: {  	[sflag:s4] =	ssyncset.done $0x0  }
0xfd: {  	[sflag:s4] =	ssyncadd.s32 $0xFFFF8000  }
0xfe: {  	_ =	swait.ge [sflag:s4], $0x8000  }
0xff: {  	[sflag:s4] =	ssyncset.done $0x0  }
0x100: {  	[sflag:s4] =	ssyncadd.s32 $0xFFFF8000  }
0x101: {  	_ =	swait.ge [sflag:s4], $0x8000  }
0x102: {  	[sflag:s4] =	ssyncset.done $0x0  }
0x103: {  	[sflag:s4] =	ssyncadd.s32 $0xFFFF8000  }
0x104: {  	_ =	swait.ge [sflag:s4], $0x8000  }
0x105: {  	[sflag:s4] =	ssyncset.done $0x0  }
0x106: {  	[sflag:s4] =	ssyncadd.s32 $0xFFFF8000  }
0x107: {  	_ =	swait.ge [sflag:s4], $0x8000  }
0x108: {  	[sflag:s4] =	ssyncset.done $0x0  }
0x109: {  	[sflag:s4] =	ssyncadd.s32 $0xFFFF8000  }
0x10a: {  	_ =	swait.ge [sflag:s4], $0x8000  }
0x10b: {  	[sflag:s4] =	ssyncset.done $0x0  }
0x10c: {  	[sflag:s4] =	ssyncadd.s32 $0xFFFF8000  }
0x10d: {  	_ =	swait.ge [sflag:s22], $0xFC00  }
0x10e: {  	s25 =	simm.s32 $0x0;
	[sflag:s22] =	ssyncset.done $0x0  }
0x10f: {  	s26 =	sshrl.u32 s20, $0x3;
	p0 =	por $0x1, $0x1;
	[sflag:s22] =	ssyncadd.s32 $0xFFFF0400  }
0x110: {  	[tilespmem:s23], [sflag:$0x2] =	stream.linear.gather [hbm4b:s12+s25], $0xFC00, $0x38;
	[tilespmem:$0x1F800] =	vst v63  }
0x111: {  	s28 =	smov.u32 s20;
	s26 =	sadd.s32 s2, s26;
	s29 =	simm.s32 @!p0 $0x1  }
0x112: {  	[hbm4b:s26+s3] =	stream.linear.scatter [tilespmem:s25], [sflag:$0x1], $0x8000, $0x38;
	[tilespmem:$0x1F800] =	vst v63  }
0x113: {  	s25 =	simm.s32 $0x1;
	s26 =	simm.s32 $0x400;
	_ =	swait.ge @!p0 [sflag:s29], $0x8000  }
.LBB2_14:
0x114: {  	s30 =	smov.u32 s25;
	s25 =	sadd.s32 $0x1, s25  }
0x115: {  	[sflag:s29] =	ssyncset.done @!p0 $0x0;
	s28 =	sadd.s32 $0xFFF80000, s28;
	p1 =	sne.s32 s25, $0x20  }
.Ltmp6:
0x116: {  	s31 =	sshrl.u32 s28, $0x3;
	[sflag:s29] =	ssyncadd.s32 @!p0 $0xFFFF8000;
	(pc) =	sbr.rel @p1 .LBB2_14-.Ltmp6, $4  }
0x117: {  	p0 =	slt.u32 s30, $0x8;
	s29 =	sadd.s32 s2, s31  }
0x118: {  	[hbm4b:s29+s3] =	stream.linear.scatter [tilespmem:s26], [sflag:$0x1], $0x8000, $0x38;
	[tilespmem:$0x1F800] =	vst v63  }
0x119: {  	s29 =	simm.s32 @!p0 $0x1  }
0x11a: {  	s26 =	sadd.s32 $0x400, s26;
	_ =	swait.ge @!p0 [sflag:s29], $0x8000  }
0x11b: {  	[sflag:s29] =	ssyncset.done @!p0 $0x0  }
0x11c: {  	[sflag:s29] =	ssyncadd.s32 @!p0 $0xFFFF8000  }
0x11d: {  	_ =	swait.ge [sflag:s4], $0x8000  }
0x11e: {  	[sflag:s4] =	ssyncset.done $0x0  }
0x11f: {  	[sflag:s4] =	ssyncadd.s32 $0xFFFF8000  }
0x120: {  	_ =	swait.ge [sflag:s4], $0x8000  }
0x121: {  	[sflag:s4] =	ssyncset.done $0x0  }
0x122: {  	[sflag:s4] =	ssyncadd.s32 $0xFFFF8000  }
0x123: {  	_ =	swait.ge [sflag:s4], $0x8000  }
0x124: {  	[sflag:s4] =	ssyncset.done $0x0  }
0x125: {  	[sflag:s4] =	ssyncadd.s32 $0xFFFF8000  }
0x126: {  	_ =	swait.ge [sflag:s4], $0x8000  }
0x127: {  	[sflag:s4] =	ssyncset.done $0x0  }
0x128: {  	[sflag:s4] =	ssyncadd.s32 $0xFFFF8000  }
0x129: {  	_ =	swait.ge [sflag:s4], $0x8000  }
0x12a: {  	[sflag:s4] =	ssyncset.done $0x0  }
0x12b: {  	[sflag:s4] =	ssyncadd.s32 $0xFFFF8000  }
0x12c: {  	_ =	swait.ge [sflag:s4], $0x8000  }
0x12d: {  	[sflag:s4] =	ssyncset.done $0x0  }
0x12e: {  	[sflag:s4] =	ssyncadd.s32 $0xFFFF8000  }
0x12f: {  	_ =	swait.ge [sflag:s4], $0x8000  }
0x130: {  	[sflag:s4] =	ssyncset.done $0x0  }
0x131: {  	[sflag:s4] =	ssyncadd.s32 $0xFFFF8000  }
0x132: {  	_ =	swait.ge [sflag:s4], $0x8000  }
0x133: {  	[sflag:s4] =	ssyncset.done $0x0  }
0x134: {  	[sflag:s4] =	ssyncadd.s32 $0xFFFF8000  }
0x135: {  	s25 =	sshrl.u32 s21, $0x3;
	s26 =	simm.s32 $0xFC00;
	_ =	swait.ge [sflag:s22], $0xFC00  }
0x136: {  	s28 =	smov.u32 s21;
	p0 =	por $0x1, $0x1;
	[sflag:s22] =	ssyncset.done $0x0  }
0x137: {  	s25 =	sadd.s32 s2, s25;
	s29 =	simm.s32 @!p0 $0x1;
	[sflag:s22] =	ssyncadd.s32 $0xFFFF0400  }
0x138: {  	[hbm4b:s25+s3] =	stream.linear.scatter [tilespmem:s26], [sflag:$0x1], $0x8000, $0x38;
	[tilespmem:$0x1F800] =	vst v63  }
0x139: {  	s25 =	simm.s32 $0x1;
	s26 =	simm.s32 $0x10000;
	_ =	swait.ge @!p0 [sflag:s29], $0x8000  }
.LBB2_16:
0x13a: {  	s30 =	smov.u32 s25;
	s25 =	sadd.s32 $0x1, s25  }
0x13b: {  	[sflag:s29] =	ssyncset.done @!p0 $0x0;
	s28 =	sadd.s32 $0xFFF80000, s28;
	p1 =	sne.s32 s25, $0x20  }
.Ltmp7:
0x13c: {  	s31 =	sshrl.u32 s28, $0x3;
	[sflag:s29] =	ssyncadd.s32 @!p0 $0xFFFF8000;
	(pc) =	sbr.rel @p1 .LBB2_16-.Ltmp7, $4  }
0x13d: {  	p0 =	slt.u32 s30, $0x8;
	s29 =	sadd.s32 s2, s31  }
0x13e: {  	[hbm4b:s29+s3] =	stream.linear.scatter [tilespmem:s26], [sflag:$0x1], $0x8000, $0x38;
	[tilespmem:$0x1F800] =	vst v63  }
0x13f: {  	s29 =	simm.s32 @!p0 $0x1  }
0x140: {  	s26 =	sadd.s32 $0x400, s26;
	_ =	swait.ge @!p0 [sflag:s29], $0x8000  }
0x141: {  	[sflag:s29] =	ssyncset.done @!p0 $0x0  }
0x142: {  	[sflag:s29] =	ssyncadd.s32 @!p0 $0xFFFF8000  }
0x143: {  	_ =	swait.ge [sflag:s4], $0x8000  }
0x144: {  	[sflag:s4] =	ssyncset.done $0x0  }
0x145: {  	[sflag:s4] =	ssyncadd.s32 $0xFFFF8000  }
0x146: {  	_ =	swait.ge [sflag:s4], $0x8000  }
0x147: {  	[sflag:s4] =	ssyncset.done $0x0  }
0x148: {  	[sflag:s4] =	ssyncadd.s32 $0xFFFF8000  }
0x149: {  	_ =	swait.ge [sflag:s4], $0x8000  }
0x14a: {  	[sflag:s4] =	ssyncset.done $0x0  }
0x14b: {  	[sflag:s4] =	ssyncadd.s32 $0xFFFF8000  }
0x14c: {  	_ =	swait.ge [sflag:s4], $0x8000  }
0x14d: {  	[sflag:s4] =	ssyncset.done $0x0  }
0x14e: {  	[sflag:s4] =	ssyncadd.s32 $0xFFFF8000  }
0x14f: {  	_ =	swait.ge [sflag:s4], $0x8000  }
0x150: {  	[sflag:s4] =	ssyncset.done $0x0  }
0x151: {  	[sflag:s4] =	ssyncadd.s32 $0xFFFF8000  }
0x152: {  	_ =	swait.ge [sflag:s4], $0x8000  }
0x153: {  	[sflag:s4] =	ssyncset.done $0x0  }
0x154: {  	s24 =	sadd.s32 $0x1, s24;
	[sflag:s4] =	ssyncadd.s32 $0xFFFF8000  }
0x155: {  	p0 =	sne.s32 s24, s13;
	_ =	swait.ge [sflag:s4], $0x8000  }
.Ltmp8:
0x156: {  	[sflag:s4] =	ssyncset.done $0x0;
	(pc) =	sbr.rel @p0 .LBB2_1-.Ltmp8, $4  }
0x157: {  	[sflag:s4] =	ssyncadd.s32 $0xFFFF8000  }
0x158: {  	_ =	swait.ge [sflag:s4], $0x8000  }
0x159: {  	[sflag:s4] =	ssyncset.done $0x0  }
0x15a: {  	[sflag:s4] =	ssyncadd.s32 $0xFFFF8000  }
0x15b: {  	_ =	sfence.sel $0x180000  }
0x15c: {  	[bflag:$0x0] =	sbarrier.arrive $0xFFFF  }
0x15d: {  	p0 =	sne.s32 s0, $0x0;
	_ =	strace $0x90000047  }
0x15e: {  	s0 =	sadd.s32 @!p0 $0x100000, s1;
	[bflag:$0x2] =	sbarrier.arrive $0xFFFF  }
0x15f: {  	[sflag:s0] =	ssyncadd.tile.s32 @!p0 $0x1;
	_ =	shalt  }
.Lfunc_end2:
_tile_overlayer_lowered:
.L_overlay_start_2:
0x160: {  	(tag) =	ssettag $0x2  }
0x161: {  	s0 =	rddreg [dreg:$0x0];
	s2 =	stileid.u32  }
0x162: {  	s1 =	rddreg [dreg:$0x1];
	p0 =	sne.s32 s2, $0x0  }
0x163: {  	s3 =	rddreg [dreg:$0x2];
	[bflag:$0x3] =	sbarrier.arrive $0xFFFF;
	s2 =	simm.s32 @!p0 $0x1C03  }
0x164: {  	[timem:s3], [sflag:s2] =	dma.local @!p0 [hbm:s0], s1  }
0x165: {  	s0 =	simm.s32 @!p0 $0x3  }
0x166: {  	_ =	swait.ge @!p0 [sflag:s0], s1  }
0x167: {  	s1 =	ssub.s32 @!p0 $0x0, s1;
	[sflag:s0] =	ssyncset.done @!p0 $0x0  }
0x168: {  	[sflag:s0] =	ssyncadd.s32 @!p0 s1  }
0x169: {  	[bflag:$0x3] =	sbarrier.arrive $0xFFFF  }
0x16a: {  	_ =	shalt  }

</sc_bundles>
